<compile_context>
chip_gen: v7x
topology: tpu7x:2x2x1
jax: 0.10.2.dev20260603
libtpu: 0.0.44.dev20260713+nightly
codegen_flags: <defaults>
</compile_context>

<pallas_src>
import functools

import jax
import jax.numpy as jnp
from jax import lax
from jax.experimental import pallas as pl
from jax.experimental.pallas import tpu as pltpu
from jax.experimental.pallas import tpu_sc as plsc

N = 10000
E = 320000
NPAD = 10240
CHUNK = 128
NC = 2
NS = 16
NW = NC * NS
RPT = NPAD // NS
WCH = 80
ECH = WCH * NW
EPAD = ECH * CHUNK
PAD_DST = NPAD - 8


def _sc_mesh():
    return plsc.VectorSubcoreMesh(
        core_axis_name="c", subcore_axis_name="s", num_cores=NC, num_subcores=NS
    )


def _fill_rows(rows, val):

    def body(i, _):
        r = i // 8
        col = (i % 8) * 16
        rows[r, pl.ds(col, 16)] = jnp.full((16,), val, jnp.float32)
        return 0

    lax.fori_loop(0, CHUNK * 8, body, 0)


def _zero_acc(rows, acc, s):
    _fill_rows(rows, 0.0)
    for b in range(RPT // CHUNK):
        pltpu.sync_copy(rows, acc.at[pl.ds(s * RPT + b * CHUNK, CHUNK)])


def _copy_out(acc, out_hbm, c, s):
    pltpu.sync_copy(
        acc.at[pl.ds(s * RPT, RPT)], out_hbm.at[c, pl.ds(s * RPT, RPT)]
    )


def _make_deg_kernel():

    @functools.partial(
        pl.kernel,
        mesh=_sc_mesh(),
        out_type=jax.ShapeDtypeStruct((NC, NPAD, 128), jnp.float32),
        scratch_types=[
            pltpu.VMEM((WCH, CHUNK), jnp.int32),
            pltpu.VMEM((CHUNK, 128), jnp.float32),
            pltpu.VMEM_SHARED((NPAD, 128), jnp.float32),
        ],
    )
    def deg_kernel(dst2d_hbm, out_hbm, didx, rows, acc):
        c = lax.axis_index("c")
        s = lax.axis_index("s")
        w = c * NS + s

        _zero_acc(rows, acc, s)
        _fill_rows(rows, 1.0)
        pltpu.sync_copy(dst2d_hbm.at[pl.ds(w * WCH, WCH)], didx)
        plsc.subcore_barrier()

        def chunk_body(j, _):
            pltpu.sync_copy(rows, acc.at[didx.at[j]], add=True)
            return 0

        lax.fori_loop(0, WCH, chunk_body, 0)
        plsc.subcore_barrier()
        _copy_out(acc, out_hbm, c, s)

    return deg_kernel


def _make_prop_kernel():

    HW = WCH // 2

    @functools.partial(
        pl.kernel,
        mesh=_sc_mesh(),
        out_type=jax.ShapeDtypeStruct((NC, NPAD, 128), jnp.float32),
        scratch_types=[
            pltpu.VMEM((HW, CHUNK), jnp.int32),
            pltpu.VMEM((HW, CHUNK), jnp.int32),
            pltpu.VMEM((CHUNK, 128), jnp.float32),
            pltpu.VMEM((CHUNK, 128), jnp.float32),
            pltpu.VMEM_SHARED((NPAD, 128), jnp.float32),
            pltpu.SemaphoreType.DMA,
            pltpu.SemaphoreType.DMA,
        ],
    )
    def prop_kernel(src2d, dst2d, z_hbm, out_hbm, sidx, didx, rows0, rows1, acc, sem0, sem1):
        c = lax.axis_index("c")
        s = lax.axis_index("s")
        w = c * NS + s
        rowsb = (rows0, rows1)
        semb = (sem0, sem1)

        _zero_acc(rows0, acc, s)
        plsc.subcore_barrier()

        def fire(j, b):
            pltpu.async_copy(z_hbm.at[sidx.at[j]], rowsb[b], semb[b])

        def wait(b):
            pltpu.make_async_copy(z_hbm.at[sidx.at[0]], rowsb[b], semb[b]).wait()

        def scat(j, b):
            pltpu.sync_copy(rowsb[b], acc.at[didx.at[j]], add=True)

        for half in range(2):
            pltpu.sync_copy(src2d.at[pl.ds(w * WCH + half * HW, HW)], sidx)
            pltpu.sync_copy(dst2d.at[pl.ds(w * WCH + half * HW, HW)], didx)
            fire(0, 0)

            def pair(j2, _):
                j = 2 * j2
                fire(j + 1, 1)
                wait(0)
                scat(j, 0)

                @pl.when(j + 2 < HW)
                def _():
                    fire(j + 2, 0)

                wait(1)
                scat(j + 1, 1)
                return 0

            lax.fori_loop(0, HW // 2, pair, 0)

        plsc.subcore_barrier()
        _copy_out(acc, out_hbm, c, s)

    return prop_kernel


_deg_kernel = _make_deg_kernel()
_prop128 = _make_prop_kernel()

BR = 2000


def _dinv_of(degp_ref):
    deg = degp_ref[0, :, 0:1] + degp_ref[1, :, 0:1] + 1.0
    return lax.rsqrt(deg)


def _tc_scale(degp, x):
    def body(degp_ref, x_ref, z_ref, dinv_ref):
        dinv = _dinv_of(degp_ref)
        z_ref[...] = x_ref[...] * dinv
        dinv_ref[...] = dinv

    return pl.pallas_call(
        body,
        grid=(N // BR,),
        in_specs=[
            pl.BlockSpec((2, BR, 128), lambda i: (0, i, 0)),
            pl.BlockSpec((BR, 128), lambda i: (i, 0)),
        ],
        out_specs=[
            pl.BlockSpec((BR, 128), lambda i: (i, 0)),
            pl.BlockSpec((BR, 1), lambda i: (i, 0)),
        ],
        out_shape=[
            jax.ShapeDtypeStruct((N, 128), jnp.float32),
            jax.ShapeDtypeStruct((N, 1), jnp.float32),
        ],
    )(degp, x)


def _tc_mlp(z, p, dinv2d, W1, b1, Wc):
    def body(z_ref, p_ref, dinv_ref, W1_ref, b1_ref, Wc_ref, z2_ref):
        dinv = dinv_ref[...]
        agg1 = (z_ref[...] + p_ref[0] + p_ref[1]) * dinv
        h = jnp.maximum(
            jnp.dot(agg1, W1_ref[...], preferred_element_type=jnp.float32)
            + b1_ref[...],
            0.0,
        )
        g = jnp.dot(h, Wc_ref[...], preferred_element_type=jnp.float32)
        z2_ref[...] = jnp.concatenate([g * dinv, jnp.zeros_like(g)], axis=1)

    return pl.pallas_call(
        body,
        grid=(N // BR,),
        in_specs=[
            pl.BlockSpec((BR, 128), lambda i: (i, 0)),
            pl.BlockSpec((2, BR, 128), lambda i: (0, i, 0)),
            pl.BlockSpec((BR, 1), lambda i: (i, 0)),
            pl.BlockSpec((128, 256), lambda i: (0, 0)),
            pl.BlockSpec((1, 256), lambda i: (0, 0)),
            pl.BlockSpec((256, 64), lambda i: (0, 0)),
        ],
        out_specs=pl.BlockSpec((BR, 128), lambda i: (i, 0)),
        out_shape=jax.ShapeDtypeStruct((N, 128), jnp.float32),
    )(z, p, dinv2d, W1, b1, Wc)


def _tc_out(z2, q, dinv2d, bmu, bls):
    def body(z2_ref, q_ref, dinv_ref, bmu_ref, bls_ref, mu_ref, ls_ref):
        out = (z2_ref[...] + q_ref[0] + q_ref[1])[:, :64] * dinv_ref[...]
        mu_ref[...] = out[:, :32] + bmu_ref[...]
        ls_ref[...] = out[:, 32:] + bls_ref[...]

    return pl.pallas_call(
        body,
        grid=(N // BR,),
        in_specs=[
            pl.BlockSpec((BR, 128), lambda i: (i, 0)),
            pl.BlockSpec((2, BR, 128), lambda i: (0, i, 0)),
            pl.BlockSpec((BR, 1), lambda i: (i, 0)),
            pl.BlockSpec((1, 32), lambda i: (0, 0)),
            pl.BlockSpec((1, 32), lambda i: (0, 0)),
        ],
        out_specs=[
            pl.BlockSpec((BR, 32), lambda i: (i, 0)),
            pl.BlockSpec((BR, 32), lambda i: (i, 0)),
        ],
        out_shape=[
            jax.ShapeDtypeStruct((N, 32), jnp.float32),
            jax.ShapeDtypeStruct((N, 32), jnp.float32),
        ],
    )(z2, q, dinv2d, bmu, bls)


def kernel(x, edge_index, W1, b1, Wmu, bmu, Wls, bls):
    src2d = jnp.concatenate(
        [edge_index[0], jnp.zeros((EPAD - E,), jnp.int32)]
    ).reshape(ECH, CHUNK)
    dst2d = jnp.concatenate(
        [edge_index[1], jnp.full((EPAD - E,), PAD_DST, jnp.int32)]
    ).reshape(ECH, CHUNK)

    degp = _deg_kernel(dst2d)
    z, dinv2d = _tc_scale(degp, x)
    p = _prop128(src2d, dst2d, z)
    Wc = jnp.concatenate([Wmu, Wls], axis=1)
    z2 = _tc_mlp(z, p, dinv2d, W1, b1.reshape(1, -1), Wc)
    q = _prop128(src2d, dst2d, z2)
    mu, ls = _tc_out(z2, q, dinv2d, bmu.reshape(1, -1), bls.reshape(1, -1))
    return (mu, ls)

# --- scband reference (transcript-rebuilt; emitter-appended) ---
"""Pipeline reference for scband-st-aa-30520037605631 (READ-ONLY COPY).

The authoritative reference and input builder live on the scoring server;
editing this copy changes nothing except your own understanding.
"""

import jax, jax.numpy as jnp
import numpy as np

N_NODES = 10000
N_EDGES = 320000
D_IN = 128
D_HID = 256
D_EMB = 32


def sgconv(x, src, dst, W, b):
    # PyG SGConv with K=1: x' = D^{-1/2} (A + I) D^{-1/2} x, then linear.
    N = x.shape[0]
    loop = jnp.arange(N, dtype=src.dtype)
    src2 = jnp.concatenate([src, loop])
    dst2 = jnp.concatenate([dst, loop])
    ew = jnp.ones(src2.shape[0], dtype=x.dtype)
    deg = jnp.zeros((N,), dtype=x.dtype).at[dst2].add(ew)
    dinv = jnp.where(deg > 0, 1.0 / jnp.sqrt(deg), 0.0)
    norm = dinv[src2] * dinv[dst2]
    msg = jnp.take(x, src2, axis=0) * norm[:, None]
    agg = jnp.zeros_like(x).at[dst2].add(msg)
    return agg @ W + b


def setup_inputs(seed: int = 0) -> dict:
    key = jax.random.key(seed)
    k = jax.random.split(key, 8)
    x = jax.random.normal(k[0], (N_NODES, D_IN), dtype=jnp.float32)
    edge_index = jax.random.randint(k[1], (2, N_EDGES), 0, N_NODES, dtype=jnp.int32)
    W1 = jax.random.normal(k[2], (D_IN, D_HID), dtype=jnp.float32) * 0.05
    b1 = jnp.zeros((D_HID,), dtype=jnp.float32)
    Wmu = jax.random.normal(k[3], (D_HID, D_EMB), dtype=jnp.float32) * 0.05
    bmu = jnp.zeros((D_EMB,), dtype=jnp.float32)
    Wls = jax.random.normal(k[4], (D_HID, D_EMB), dtype=jnp.float32) * 0.05
    bls = jnp.zeros((D_EMB,), dtype=jnp.float32)
    return {"x": x, "edge_index": edge_index, "W1": W1, "b1": b1, "Wmu": Wmu, "bmu": bmu, "Wls": Wls, "bls": bls}


def reference(x, edge_index, W1, b1, Wmu, bmu, Wls, bls):
    src = edge_index[0]
    dst = edge_index[1]
    h = jax.nn.relu(sgconv(x, src, dst, W1, b1))
    mu = sgconv(h, src, dst, Wmu, bmu)
    logstd = sgconv(h, src, dst, Wls, bls)
    return (mu, logstd)

if __name__ == "__main__":
    import jax
    _d = setup_inputs()
    print(jax.jit(kernel)(*tuple(_d.values())))

</pallas_src>

<mosaic_0001>
#map = affine_map<(d0, d1) -> (0, 0)>
#map1 = affine_map<(d0, d1) -> (0, 0, 0)>
module attributes {stable_mosaic.version = 14 : i64} {
  func.func @deg_kernel(%arg0: i32, %arg1: i32, %arg2: memref<2560x128xi32, #tpu.memory_space<hbm>>, %arg3: memref<2x10240x128xf32, #tpu.memory_space<hbm>>, %arg4: memref<80x128xi32, #tpu.memory_space<vmem>>, %arg5: memref<128x128xf32, #tpu.memory_space<vmem>>, %arg6: memref<10240x128xf32, #tpu.memory_space<vmem_shared>>) attributes {dimension_semantics = [#tpu.dimension_semantics<core_parallel>, #tpu.dimension_semantics<subcore_parallel>], iteration_bounds = array<i64: 2, 16>, scalar_prefetch = 0 : i64, scratch_operands = 3 : i64, tpu.core_type = #tpu.core_type<sc_vector_subcore>, window_params = [{transform_indices = #map}, {transform_indices = #map1}]} {
    %mul3A = arith.constant 16 : i32
    %mul3A_0 = arith.muli %arg0, %mul3A : i32
    %add3A = arith.addi %mul3A_0, %arg1 : i32
    %scan3A = arith.constant 0 : i32
    %scan3A_1 = arith.constant 0 : i32
    %scan3A_2 = arith.constant 1024 : i32
    %scan3A_3 = arith.addi %scan3A_1, %scan3A_2 : i32
    %scan3A_4 = arith.constant 1 : i32
    %scan3A_5 = scf.for %scan3A_48 = %scan3A_1 to %scan3A_3 step %scan3A_4 iter_args(%scan3A_49 = %scan3A) -> (i32)  : i32 {
      %jit3A = arith.constant 8 : i32
      %div3A = arith.divsi %scan3A_48, %jit3A : i32
      %sign3A = arith.constant 0 : i32
      %sign3A_50 = arith.cmpi sgt, %scan3A_48, %sign3A : i32
      %sign3A_51 = arith.extui %sign3A_50 : i1 to i32
      %sign3A_52 = arith.constant 0 : i32
      %sign3A_53 = arith.cmpi slt, %scan3A_48, %sign3A_52 : i32
      %sign3A_54 = arith.extui %sign3A_53 : i1 to i32
      %sign3A_55 = arith.subi %sign3A_51, %sign3A_54 : i32
      %sign3A_56 = arith.constant 0 : i32
      %sign3A_57 = arith.cmpi sgt, %jit3A, %sign3A_56 : i32
      %sign3A_58 = arith.extui %sign3A_57 : i1 to i32
      %sign3A_59 = arith.constant 0 : i32
      %sign3A_60 = arith.cmpi slt, %jit3A, %sign3A_59 : i32
      %sign3A_61 = arith.extui %sign3A_60 : i1 to i32
      %sign3A_62 = arith.subi %sign3A_58, %sign3A_61 : i32
      %ne3A = arith.cmpi ne, %sign3A_55, %sign3A_62 : i32
      %rem3A = arith.remsi %scan3A_48, %jit3A : i32
      %ne3A_63 = arith.constant 0 : i32
      %ne3A_64 = arith.cmpi ne, %rem3A, %ne3A_63 : i32
      %and3A = arith.andi %ne3A, %ne3A_64 : i1
      %sub3A = arith.constant 1 : i32
      %sub3A_65 = arith.subi %div3A, %sub3A : i32
      %select_n3A = arith.select %and3A, %sub3A_65, %div3A : i32
      %jit3A_66 = arith.constant 8 : i32
      %eq3A = arith.constant 0 : i32
      %eq3A_67 = arith.cmpi eq, %jit3A_66, %eq3A : i32
      %jit3A_68 = arith.constant 1 : i32
      %select_n3A_69 = arith.select %eq3A_67, %jit3A_68, %jit3A_66 : i32
      %rem3A_70 = arith.remsi %scan3A_48, %select_n3A_69 : i32
      %ne3A_71 = arith.constant 0 : i32
      %ne3A_72 = arith.cmpi ne, %rem3A_70, %ne3A_71 : i32
      %lt3A = arith.constant 0 : i32
      %lt3A_73 = arith.cmpi slt, %rem3A_70, %lt3A : i32
      %lt3A_74 = arith.constant 0 : i32
      %lt3A_75 = arith.cmpi slt, %select_n3A_69, %lt3A_74 : i32
      %ne3A_76 = arith.xori %lt3A_73, %lt3A_75 : i1
      %and3A_77 = arith.andi %ne3A_76, %ne3A_72 : i1
      %add3A_78 = arith.addi %rem3A_70, %select_n3A_69 : i32
      %select_n3A_79 = arith.select %and3A_77, %add3A_78, %rem3A_70 : i32
      %mul3A_80 = arith.constant 16 : i32
      %mul3A_81 = arith.muli %select_n3A_79, %mul3A_80 : i32
      %broadcast_in_dim3A = arith.constant 0.000000e+00 : f32
      %broadcast_in_dim3A_82 = vector.broadcast %broadcast_in_dim3A : f32 to vector<16xf32>
      %swap3A = arith.index_cast %select_n3A : i32 to index
      %swap3A_83 = arith.index_cast %mul3A_81 : i32 to index
      %swap3A_84 = tpu.vector_load %arg5[%swap3A, %swap3A_83] {strides = array<i32>} : memref<128x128xf32, #tpu.memory_space<vmem>>, vector<1x16xf32>,
      %swap3A_85 = vector.shape_cast %swap3A_84 : vector<1x16xf32> to vector<16xf32>
      %swap3A_86 = vector.shape_cast %broadcast_in_dim3A_82 : vector<16xf32> to vector<1x16xf32>
      tpu.vector_store %arg5[%swap3A, %swap3A_83], %swap3A_86 {strides = array<i32>} : memref<128x128xf32, #tpu.memory_space<vmem>>, vector<1x16xf32>,
      %scan3A_87 = arith.constant 0 : i32
      scf.yield %scan3A_87 : i32
    }
    %scan3A_6 = arith.constant 1024 : i32
    %mul3A_7 = arith.constant 640 : i32
    %mul3A_8 = arith.muli %arg1, %mul3A_7 : i32
    %add3A_9 = arith.constant 0 : i32
    %add3A_10 = arith.addi %mul3A_8, %add3A_9 : i32
    "tpu.region"() ({
      %run_scoped3A = tpu.sem_alloc : memref<!tpu.dma_semaphore, #tpu.memory_space<semaphore_mem>>
      %dma_start3A = arith.constant 0 : i32
      %dma_start3A_48 = tpu.memref_slice %arg6[%add3A_10, %dma_start3A] : memref<10240x128xf32, #tpu.memory_space<vmem_shared>> -> memref<128x128xf32, #tpu.memory_space<vmem_shared>>
      %dma_start3A_49 = arith.constant 0 : i32
      %dma_start3A_50 = tpu.memref_slice %arg6[%add3A_10, %dma_start3A_49] : memref<10240x128xf32, #tpu.memory_space<vmem_shared>> -> memref<128x128xf32, #tpu.memory_space<vmem_shared>>
      tpu.enqueue_dma source(%arg5 : memref<128x128xf32, #tpu.memory_space<vmem>>) target(%dma_start3A_50 : memref<128x128xf32, #tpu.memory_space<vmem_shared>>) target_semaphore(%run_scoped3A : memref<!tpu.dma_semaphore, #tpu.memory_space<semaphore_mem>>)
      %dma_wait3A = arith.constant 0 : i32
      %dma_wait3A_51 = tpu.memref_slice %arg6[%add3A_10, %dma_wait3A] : memref<10240x128xf32, #tpu.memory_space<vmem_shared>> -> memref<128x128xf32, #tpu.memory_space<vmem_shared>>
      %dma_wait3A_52 = arith.constant 0 : i32
      %dma_wait3A_53 = tpu.memref_slice %arg6[%add3A_10, %dma_wait3A_52] : memref<10240x128xf32, #tpu.memory_space<vmem_shared>> -> memref<128x128xf32, #tpu.memory_space<vmem_shared>>
      tpu.wait_dma2 semaphore(%run_scoped3A : memref<!tpu.dma_semaphore, #tpu.memory_space<semaphore_mem>>) src(%arg5 : memref<128x128xf32, #tpu.memory_space<vmem>>) dst(%dma_wait3A_53 : memref<128x128xf32, #tpu.memory_space<vmem_shared>>)
      tpu.yield
    }) : () -> ()
    %mul3A_11 = arith.constant 640 : i32
    %mul3A_12 = arith.muli %arg1, %mul3A_11 : i32
    %add3A_13 = arith.constant 128 : i32
    %add3A_14 = arith.addi %mul3A_12, %add3A_13 : i32
    "tpu.region"() ({
      %run_scoped3A = tpu.sem_alloc : memref<!tpu.dma_semaphore, #tpu.memory_space<semaphore_mem>>
      %dma_start3A = arith.constant 0 : i32
      %dma_start3A_48 = tpu.memref_slice %arg6[%add3A_14, %dma_start3A] : memref<10240x128xf32, #tpu.memory_space<vmem_shared>> -> memref<128x128xf32, #tpu.memory_space<vmem_shared>>
      %dma_start3A_49 = arith.constant 0 : i32
      %dma_start3A_50 = tpu.memref_slice %arg6[%add3A_14, %dma_start3A_49] : memref<10240x128xf32, #tpu.memory_space<vmem_shared>> -> memref<128x128xf32, #tpu.memory_space<vmem_shared>>
      tpu.enqueue_dma source(%arg5 : memref<128x128xf32, #tpu.memory_space<vmem>>) target(%dma_start3A_50 : memref<128x128xf32, #tpu.memory_space<vmem_shared>>) target_semaphore(%run_scoped3A : memref<!tpu.dma_semaphore, #tpu.memory_space<semaphore_mem>>)
      %dma_wait3A = arith.constant 0 : i32
      %dma_wait3A_51 = tpu.memref_slice %arg6[%add3A_14, %dma_wait3A] : memref<10240x128xf32, #tpu.memory_space<vmem_shared>> -> memref<128x128xf32, #tpu.memory_space<vmem_shared>>
      %dma_wait3A_52 = arith.constant 0 : i32
      %dma_wait3A_53 = tpu.memref_slice %arg6[%add3A_14, %dma_wait3A_52] : memref<10240x128xf32, #tpu.memory_space<vmem_shared>> -> memref<128x128xf32, #tpu.memory_space<vmem_shared>>
      tpu.wait_dma2 semaphore(%run_scoped3A : memref<!tpu.dma_semaphore, #tpu.memory_space<semaphore_mem>>) src(%arg5 : memref<128x128xf32, #tpu.memory_space<vmem>>) dst(%dma_wait3A_53 : memref<128x128xf32, #tpu.memory_space<vmem_shared>>)
      tpu.yield
    }) : () -> ()
    %mul3A_15 = arith.constant 640 : i32
    %mul3A_16 = arith.muli %arg1, %mul3A_15 : i32
    %add3A_17 = arith.constant 256 : i32
    %add3A_18 = arith.addi %mul3A_16, %add3A_17 : i32
    "tpu.region"() ({
      %run_scoped3A = tpu.sem_alloc : memref<!tpu.dma_semaphore, #tpu.memory_space<semaphore_mem>>
      %dma_start3A = arith.constant 0 : i32
      %dma_start3A_48 = tpu.memref_slice %arg6[%add3A_18, %dma_start3A] : memref<10240x128xf32, #tpu.memory_space<vmem_shared>> -> memref<128x128xf32, #tpu.memory_space<vmem_shared>>
      %dma_start3A_49 = arith.constant 0 : i32
      %dma_start3A_50 = tpu.memref_slice %arg6[%add3A_18, %dma_start3A_49] : memref<10240x128xf32, #tpu.memory_space<vmem_shared>> -> memref<128x128xf32, #tpu.memory_space<vmem_shared>>
      tpu.enqueue_dma source(%arg5 : memref<128x128xf32, #tpu.memory_space<vmem>>) target(%dma_start3A_50 : memref<128x128xf32, #tpu.memory_space<vmem_shared>>) target_semaphore(%run_scoped3A : memref<!tpu.dma_semaphore, #tpu.memory_space<semaphore_mem>>)
      %dma_wait3A = arith.constant 0 : i32
      %dma_wait3A_51 = tpu.memref_slice %arg6[%add3A_18, %dma_wait3A] : memref<10240x128xf32, #tpu.memory_space<vmem_shared>> -> memref<128x128xf32, #tpu.memory_space<vmem_shared>>
      %dma_wait3A_52 = arith.constant 0 : i32
      %dma_wait3A_53 = tpu.memref_slice %arg6[%add3A_18, %dma_wait3A_52] : memref<10240x128xf32, #tpu.memory_space<vmem_shared>> -> memref<128x128xf32, #tpu.memory_space<vmem_shared>>
      tpu.wait_dma2 semaphore(%run_scoped3A : memref<!tpu.dma_semaphore, #tpu.memory_space<semaphore_mem>>) src(%arg5 : memref<128x128xf32, #tpu.memory_space<vmem>>) dst(%dma_wait3A_53 : memref<128x128xf32, #tpu.memory_space<vmem_shared>>)
      tpu.yield
    }) : () -> ()
    %mul3A_19 = arith.constant 640 : i32
    %mul3A_20 = arith.muli %arg1, %mul3A_19 : i32
    %add3A_21 = arith.constant 384 : i32
    %add3A_22 = arith.addi %mul3A_20, %add3A_21 : i32
    "tpu.region"() ({
      %run_scoped3A = tpu.sem_alloc : memref<!tpu.dma_semaphore, #tpu.memory_space<semaphore_mem>>
      %dma_start3A = arith.constant 0 : i32
      %dma_start3A_48 = tpu.memref_slice %arg6[%add3A_22, %dma_start3A] : memref<10240x128xf32, #tpu.memory_space<vmem_shared>> -> memref<128x128xf32, #tpu.memory_space<vmem_shared>>
      %dma_start3A_49 = arith.constant 0 : i32
      %dma_start3A_50 = tpu.memref_slice %arg6[%add3A_22, %dma_start3A_49] : memref<10240x128xf32, #tpu.memory_space<vmem_shared>> -> memref<128x128xf32, #tpu.memory_space<vmem_shared>>
      tpu.enqueue_dma source(%arg5 : memref<128x128xf32, #tpu.memory_space<vmem>>) target(%dma_start3A_50 : memref<128x128xf32, #tpu.memory_space<vmem_shared>>) target_semaphore(%run_scoped3A : memref<!tpu.dma_semaphore, #tpu.memory_space<semaphore_mem>>)
      %dma_wait3A = arith.constant 0 : i32
      %dma_wait3A_51 = tpu.memref_slice %arg6[%add3A_22, %dma_wait3A] : memref<10240x128xf32, #tpu.memory_space<vmem_shared>> -> memref<128x128xf32, #tpu.memory_space<vmem_shared>>
      %dma_wait3A_52 = arith.constant 0 : i32
      %dma_wait3A_53 = tpu.memref_slice %arg6[%add3A_22, %dma_wait3A_52] : memref<10240x128xf32, #tpu.memory_space<vmem_shared>> -> memref<128x128xf32, #tpu.memory_space<vmem_shared>>
      tpu.wait_dma2 semaphore(%run_scoped3A : memref<!tpu.dma_semaphore, #tpu.memory_space<semaphore_mem>>) src(%arg5 : memref<128x128xf32, #tpu.memory_space<vmem>>) dst(%dma_wait3A_53 : memref<128x128xf32, #tpu.memory_space<vmem_shared>>)
      tpu.yield
    }) : () -> ()
    %mul3A_23 = arith.constant 640 : i32
    %mul3A_24 = arith.muli %arg1, %mul3A_23 : i32
    %add3A_25 = arith.constant 512 : i32
    %add3A_26 = arith.addi %mul3A_24, %add3A_25 : i32
    "tpu.region"() ({
      %run_scoped3A = tpu.sem_alloc : memref<!tpu.dma_semaphore, #tpu.memory_space<semaphore_mem>>
      %dma_start3A = arith.constant 0 : i32
      %dma_start3A_48 = tpu.memref_slice %arg6[%add3A_26, %dma_start3A] : memref<10240x128xf32, #tpu.memory_space<vmem_shared>> -> memref<128x128xf32, #tpu.memory_space<vmem_shared>>
      %dma_start3A_49 = arith.constant 0 : i32
      %dma_start3A_50 = tpu.memref_slice %arg6[%add3A_26, %dma_start3A_49] : memref<10240x128xf32, #tpu.memory_space<vmem_shared>> -> memref<128x128xf32, #tpu.memory_space<vmem_shared>>
      tpu.enqueue_dma source(%arg5 : memref<128x128xf32, #tpu.memory_space<vmem>>) target(%dma_start3A_50 : memref<128x128xf32, #tpu.memory_space<vmem_shared>>) target_semaphore(%run_scoped3A : memref<!tpu.dma_semaphore, #tpu.memory_space<semaphore_mem>>)
      %dma_wait3A = arith.constant 0 : i32
      %dma_wait3A_51 = tpu.memref_slice %arg6[%add3A_26, %dma_wait3A] : memref<10240x128xf32, #tpu.memory_space<vmem_shared>> -> memref<128x128xf32, #tpu.memory_space<vmem_shared>>
      %dma_wait3A_52 = arith.constant 0 : i32
      %dma_wait3A_53 = tpu.memref_slice %arg6[%add3A_26, %dma_wait3A_52] : memref<10240x128xf32, #tpu.memory_space<vmem_shared>> -> memref<128x128xf32, #tpu.memory_space<vmem_shared>>
      tpu.wait_dma2 semaphore(%run_scoped3A : memref<!tpu.dma_semaphore, #tpu.memory_space<semaphore_mem>>) src(%arg5 : memref<128x128xf32, #tpu.memory_space<vmem>>) dst(%dma_wait3A_53 : memref<128x128xf32, #tpu.memory_space<vmem_shared>>)
      tpu.yield
    }) : () -> ()
    %scan3A_27 = arith.constant 0 : i32
    %scan3A_28 = arith.constant 0 : i32
    %scan3A_29 = arith.constant 1024 : i32
    %scan3A_30 = arith.addi %scan3A_28, %scan3A_29 : i32
    %scan3A_31 = arith.constant 1 : i32
    %scan3A_32 = scf.for %scan3A_48 = %scan3A_28 to %scan3A_30 step %scan3A_31 iter_args(%scan3A_49 = %scan3A_27) -> (i32)  : i32 {
      %jit3A = arith.constant 8 : i32
      %div3A = arith.divsi %scan3A_48, %jit3A : i32
      %sign3A = arith.constant 0 : i32
      %sign3A_50 = arith.cmpi sgt, %scan3A_48, %sign3A : i32
      %sign3A_51 = arith.extui %sign3A_50 : i1 to i32
      %sign3A_52 = arith.constant 0 : i32
      %sign3A_53 = arith.cmpi slt, %scan3A_48, %sign3A_52 : i32
      %sign3A_54 = arith.extui %sign3A_53 : i1 to i32
      %sign3A_55 = arith.subi %sign3A_51, %sign3A_54 : i32
      %sign3A_56 = arith.constant 0 : i32
      %sign3A_57 = arith.cmpi sgt, %jit3A, %sign3A_56 : i32
      %sign3A_58 = arith.extui %sign3A_57 : i1 to i32
      %sign3A_59 = arith.constant 0 : i32
      %sign3A_60 = arith.cmpi slt, %jit3A, %sign3A_59 : i32
      %sign3A_61 = arith.extui %sign3A_60 : i1 to i32
      %sign3A_62 = arith.subi %sign3A_58, %sign3A_61 : i32
      %ne3A = arith.cmpi ne, %sign3A_55, %sign3A_62 : i32
      %rem3A = arith.remsi %scan3A_48, %jit3A : i32
      %ne3A_63 = arith.constant 0 : i32
      %ne3A_64 = arith.cmpi ne, %rem3A, %ne3A_63 : i32
      %and3A = arith.andi %ne3A, %ne3A_64 : i1
      %sub3A = arith.constant 1 : i32
      %sub3A_65 = arith.subi %div3A, %sub3A : i32
      %select_n3A = arith.select %and3A, %sub3A_65, %div3A : i32
      %jit3A_66 = arith.constant 8 : i32
      %eq3A = arith.constant 0 : i32
      %eq3A_67 = arith.cmpi eq, %jit3A_66, %eq3A : i32
      %jit3A_68 = arith.constant 1 : i32
      %select_n3A_69 = arith.select %eq3A_67, %jit3A_68, %jit3A_66 : i32
      %rem3A_70 = arith.remsi %scan3A_48, %select_n3A_69 : i32
      %ne3A_71 = arith.constant 0 : i32
      %ne3A_72 = arith.cmpi ne, %rem3A_70, %ne3A_71 : i32
      %lt3A = arith.constant 0 : i32
      %lt3A_73 = arith.cmpi slt, %rem3A_70, %lt3A : i32
      %lt3A_74 = arith.constant 0 : i32
      %lt3A_75 = arith.cmpi slt, %select_n3A_69, %lt3A_74 : i32
      %ne3A_76 = arith.xori %lt3A_73, %lt3A_75 : i1
      %and3A_77 = arith.andi %ne3A_76, %ne3A_72 : i1
      %add3A_78 = arith.addi %rem3A_70, %select_n3A_69 : i32
      %select_n3A_79 = arith.select %and3A_77, %add3A_78, %rem3A_70 : i32
      %mul3A_80 = arith.constant 16 : i32
      %mul3A_81 = arith.muli %select_n3A_79, %mul3A_80 : i32
      %broadcast_in_dim3A = arith.constant 1.000000e+00 : f32
      %broadcast_in_dim3A_82 = vector.broadcast %broadcast_in_dim3A : f32 to vector<16xf32>
      %swap3A = arith.index_cast %select_n3A : i32 to index
      %swap3A_83 = arith.index_cast %mul3A_81 : i32 to index
      %swap3A_84 = tpu.vector_load %arg5[%swap3A, %swap3A_83] {strides = array<i32>} : memref<128x128xf32, #tpu.memory_space<vmem>>, vector<1x16xf32>,
      %swap3A_85 = vector.shape_cast %swap3A_84 : vector<1x16xf32> to vector<16xf32>
      %swap3A_86 = vector.shape_cast %broadcast_in_dim3A_82 : vector<16xf32> to vector<1x16xf32>
      tpu.vector_store %arg5[%swap3A, %swap3A_83], %swap3A_86 {strides = array<i32>} : memref<128x128xf32, #tpu.memory_space<vmem>>, vector<1x16xf32>,
      %scan3A_87 = arith.constant 0 : i32
      scf.yield %scan3A_87 : i32
    }
    %scan3A_33 = arith.constant 1024 : i32
    %mul3A_34 = arith.constant 80 : i32
    %mul3A_35 = arith.muli %add3A, %mul3A_34 : i32
    "tpu.region"() ({
      %run_scoped3A = tpu.sem_alloc : memref<!tpu.dma_semaphore, #tpu.memory_space<semaphore_mem>>
      %dma_start3A = arith.constant 0 : i32
      %dma_start3A_48 = tpu.memref_slice %arg2[%mul3A_35, %dma_start3A] : memref<2560x128xi32, #tpu.memory_space<hbm>> -> memref<80x128xi32, #tpu.memory_space<hbm>>
      %dma_start3A_49 = arith.constant 0 : i32
      %dma_start3A_50 = tpu.memref_slice %arg2[%mul3A_35, %dma_start3A_49] : memref<2560x128xi32, #tpu.memory_space<hbm>> -> memref<80x128xi32, #tpu.memory_space<hbm>>
      tpu.enqueue_dma source(%dma_start3A_50 : memref<80x128xi32, #tpu.memory_space<hbm>>) target(%arg4 : memref<80x128xi32, #tpu.memory_space<vmem>>) target_semaphore(%run_scoped3A : memref<!tpu.dma_semaphore, #tpu.memory_space<semaphore_mem>>)
      %dma_wait3A = arith.constant 0 : i32
      %dma_wait3A_51 = tpu.memref_slice %arg2[%mul3A_35, %dma_wait3A] : memref<2560x128xi32, #tpu.memory_space<hbm>> -> memref<80x128xi32, #tpu.memory_space<hbm>>
      %dma_wait3A_52 = arith.constant 0 : i32
      %dma_wait3A_53 = tpu.memref_slice %arg2[%mul3A_35, %dma_wait3A_52] : memref<2560x128xi32, #tpu.memory_space<hbm>> -> memref<80x128xi32, #tpu.memory_space<hbm>>
      tpu.wait_dma2 semaphore(%run_scoped3A : memref<!tpu.dma_semaphore, #tpu.memory_space<semaphore_mem>>) src(%dma_wait3A_53 : memref<80x128xi32, #tpu.memory_space<hbm>>) dst(%arg4 : memref<80x128xi32, #tpu.memory_space<vmem>>)
      tpu.yield
    }) : () -> ()
    %barrier3A = arith.constant 0 : index
    tpu.barrier barrier_id(%barrier3A)
    %scan3A_36 = arith.constant 0 : i32
    %scan3A_37 = arith.constant 0 : i32
    %scan3A_38 = arith.constant 80 : i32
    %scan3A_39 = arith.addi %scan3A_37, %scan3A_38 : i32
    %scan3A_40 = arith.constant 1 : i32
    %scan3A_41 = scf.for %scan3A_48 = %scan3A_37 to %scan3A_39 step %scan3A_40 iter_args(%scan3A_49 = %scan3A_36) -> (i32)  : i32 {
      "tpu.region"() ({
        %run_scoped3A = tpu.sem_alloc : memref<!tpu.dma_semaphore, #tpu.memory_space<semaphore_mem>>
        %dma_start3A = arith.constant 0 : i32
        %dma_start3A_51 = tpu.memref_slice %arg4[%scan3A_48, %dma_start3A] : memref<80x128xi32, #tpu.memory_space<vmem>> -> memref<1x128xi32, #tpu.memory_space<vmem>>
        %dma_start3A_52 = tpu.memref_squeeze %dma_start3A_51 : memref<1x128xi32, #tpu.memory_space<vmem>> -> memref<128xi32, #tpu.memory_space<vmem>>
        %dma_start3A_53 = arith.constant 0 : i32
        %dma_start3A_54 = arith.constant 0 : i32
        %dma_start3A_55 = tpu.memref_slice %arg6[%dma_start3A_53, %dma_start3A_54] : memref<10240x128xf32, #tpu.memory_space<vmem_shared>> -> memref<10240x128xf32, #tpu.memory_space<vmem_shared>>
        tpu.enqueue_indirect_dma source(%arg5 : memref<128x128xf32, #tpu.memory_space<vmem>>) target(%dma_start3A_55 : memref<10240x128xf32, #tpu.memory_space<vmem_shared>>) offsets(%dma_start3A_52 : memref<128xi32, #tpu.memory_space<vmem>>) semaphore(%run_scoped3A : memref<!tpu.dma_semaphore, #tpu.memory_space<semaphore_mem>>) {add = true}
        %dma_wait3A = arith.constant 0 : i32
        %dma_wait3A_56 = tpu.memref_slice %arg4[%scan3A_48, %dma_wait3A] : memref<80x128xi32, #tpu.memory_space<vmem>> -> memref<1x128xi32, #tpu.memory_space<vmem>>
        %dma_wait3A_57 = tpu.memref_squeeze %dma_wait3A_56 : memref<1x128xi32, #tpu.memory_space<vmem>> -> memref<128xi32, #tpu.memory_space<vmem>>
        %dma_wait3A_58 = arith.constant 0 : i32
        %dma_wait3A_59 = arith.constant 0 : i32
        %dma_wait3A_60 = tpu.memref_slice %arg6[%dma_wait3A_58, %dma_wait3A_59] : memref<10240x128xf32, #tpu.memory_space<vmem_shared>> -> memref<10240x128xf32, #tpu.memory_space<vmem_shared>>
        tpu.wait_indirect_dma semaphore(%run_scoped3A : memref<!tpu.dma_semaphore, #tpu.memory_space<semaphore_mem>>) src(%arg5 : memref<128x128xf32, #tpu.memory_space<vmem>>) dst(%dma_wait3A_60 : memref<10240x128xf32, #tpu.memory_space<vmem_shared>>)
        tpu.yield
      }) : () -> ()
      %scan3A_50 = arith.constant 0 : i32
      scf.yield %scan3A_50 : i32
    }
    %scan3A_42 = arith.constant 80 : i32
    %barrier3A_43 = arith.constant 0 : index
    tpu.barrier barrier_id(%barrier3A_43)
    %mul3A_44 = arith.constant 640 : i32
    %mul3A_45 = arith.muli %arg1, %mul3A_44 : i32
    %mul3A_46 = arith.constant 640 : i32
    %mul3A_47 = arith.muli %arg1, %mul3A_46 : i32
    "tpu.region"() ({
      %run_scoped3A = tpu.sem_alloc : memref<!tpu.dma_semaphore, #tpu.memory_space<semaphore_mem>>
      %dma_start3A = arith.constant 0 : i32
      %dma_start3A_48 = tpu.memref_slice %arg3[%arg0, %mul3A_47, %dma_start3A] : memref<2x10240x128xf32, #tpu.memory_space<hbm>> -> memref<1x640x128xf32, #tpu.memory_space<hbm>>
      %dma_start3A_49 = tpu.memref_squeeze %dma_start3A_48 : memref<1x640x128xf32, #tpu.memory_space<hbm>> -> memref<640x128xf32, #tpu.memory_space<hbm>>
      %dma_start3A_50 = arith.constant 0 : i32
      %dma_start3A_51 = tpu.memref_slice %arg6[%mul3A_45, %dma_start3A_50] : memref<10240x128xf32, #tpu.memory_space<vmem_shared>> -> memref<640x128xf32, #tpu.memory_space<vmem_shared>>
      tpu.enqueue_dma source(%dma_start3A_51 : memref<640x128xf32, #tpu.memory_space<vmem_shared>>) target(%dma_start3A_49 : memref<640x128xf32, #tpu.memory_space<hbm>>) target_semaphore(%run_scoped3A : memref<!tpu.dma_semaphore, #tpu.memory_space<semaphore_mem>>)
      %dma_wait3A = arith.constant 0 : i32
      %dma_wait3A_52 = tpu.memref_slice %arg3[%arg0, %mul3A_47, %dma_wait3A] : memref<2x10240x128xf32, #tpu.memory_space<hbm>> -> memref<1x640x128xf32, #tpu.memory_space<hbm>>
      %dma_wait3A_53 = tpu.memref_squeeze %dma_wait3A_52 : memref<1x640x128xf32, #tpu.memory_space<hbm>> -> memref<640x128xf32, #tpu.memory_space<hbm>>
      %dma_wait3A_54 = arith.constant 0 : i32
      %dma_wait3A_55 = tpu.memref_slice %arg6[%mul3A_45, %dma_wait3A_54] : memref<10240x128xf32, #tpu.memory_space<vmem_shared>> -> memref<640x128xf32, #tpu.memory_space<vmem_shared>>
      tpu.wait_dma2 semaphore(%run_scoped3A : memref<!tpu.dma_semaphore, #tpu.memory_space<semaphore_mem>>) src(%dma_wait3A_55 : memref<640x128xf32, #tpu.memory_space<vmem_shared>>) dst(%dma_wait3A_53 : memref<640x128xf32, #tpu.memory_space<hbm>>)
      tpu.yield
    }) : () -> ()
    return
  }
}

#map = affine_map<(d0, d1) -> (0, 0)>
#map1 = affine_map<(d0, d1) -> (0, 0, 0)>
module attributes {stable_mosaic.version = 14 : i64} {
  func.func @prop_kernel(%arg0: i32, %arg1: i32, %arg2: memref<2560x128xi32, #tpu.memory_space<hbm>>, %arg3: memref<2560x128xi32, #tpu.memory_space<hbm>>, %arg4: memref<10000x128xf32, #tpu.memory_space<hbm>>, %arg5: memref<2x10240x128xf32, #tpu.memory_space<hbm>>, %arg6: memref<40x128xi32, #tpu.memory_space<vmem>>, %arg7: memref<40x128xi32, #tpu.memory_space<vmem>>, %arg8: memref<128x128xf32, #tpu.memory_space<vmem>>, %arg9: memref<128x128xf32, #tpu.memory_space<vmem>>, %arg10: memref<10240x128xf32, #tpu.memory_space<vmem_shared>>, %arg11: memref<!tpu.dma_semaphore, #tpu.memory_space<semaphore_mem>>, %arg12: memref<!tpu.dma_semaphore, #tpu.memory_space<semaphore_mem>>) attributes {dimension_semantics = [#tpu.dimension_semantics<core_parallel>, #tpu.dimension_semantics<subcore_parallel>], iteration_bounds = array<i64: 2, 16>, scalar_prefetch = 0 : i64, scratch_operands = 7 : i64, tpu.core_type = #tpu.core_type<sc_vector_subcore>, window_params = [{transform_indices = #map}, {transform_indices = #map}, {transform_indices = #map}, {transform_indices = #map1}]} {
    %mul3A = arith.constant 16 : i32
    %mul3A_0 = arith.muli %arg0, %mul3A : i32
    %add3A = arith.addi %mul3A_0, %arg1 : i32
    %scan3A = arith.constant 0 : i32
    %scan3A_1 = arith.constant 0 : i32
    %scan3A_2 = arith.constant 1024 : i32
    %scan3A_3 = arith.addi %scan3A_1, %scan3A_2 : i32
    %scan3A_4 = arith.constant 1 : i32
    %scan3A_5 = scf.for %scan3A_75 = %scan3A_1 to %scan3A_3 step %scan3A_4 iter_args(%scan3A_76 = %scan3A) -> (i32)  : i32 {
      %jit3A = arith.constant 8 : i32
      %div3A = arith.divsi %scan3A_75, %jit3A : i32
      %sign3A = arith.constant 0 : i32
      %sign3A_77 = arith.cmpi sgt, %scan3A_75, %sign3A : i32
      %sign3A_78 = arith.extui %sign3A_77 : i1 to i32
      %sign3A_79 = arith.constant 0 : i32
      %sign3A_80 = arith.cmpi slt, %scan3A_75, %sign3A_79 : i32
      %sign3A_81 = arith.extui %sign3A_80 : i1 to i32
      %sign3A_82 = arith.subi %sign3A_78, %sign3A_81 : i32
      %sign3A_83 = arith.constant 0 : i32
      %sign3A_84 = arith.cmpi sgt, %jit3A, %sign3A_83 : i32
      %sign3A_85 = arith.extui %sign3A_84 : i1 to i32
      %sign3A_86 = arith.constant 0 : i32
      %sign3A_87 = arith.cmpi slt, %jit3A, %sign3A_86 : i32
      %sign3A_88 = arith.extui %sign3A_87 : i1 to i32
      %sign3A_89 = arith.subi %sign3A_85, %sign3A_88 : i32
      %ne3A = arith.cmpi ne, %sign3A_82, %sign3A_89 : i32
      %rem3A = arith.remsi %scan3A_75, %jit3A : i32
      %ne3A_90 = arith.constant 0 : i32
      %ne3A_91 = arith.cmpi ne, %rem3A, %ne3A_90 : i32
      %and3A = arith.andi %ne3A, %ne3A_91 : i1
      %sub3A = arith.constant 1 : i32
      %sub3A_92 = arith.subi %div3A, %sub3A : i32
      %select_n3A = arith.select %and3A, %sub3A_92, %div3A : i32
      %jit3A_93 = arith.constant 8 : i32
      %eq3A = arith.constant 0 : i32
      %eq3A_94 = arith.cmpi eq, %jit3A_93, %eq3A : i32
      %jit3A_95 = arith.constant 1 : i32
      %select_n3A_96 = arith.select %eq3A_94, %jit3A_95, %jit3A_93 : i32
      %rem3A_97 = arith.remsi %scan3A_75, %select_n3A_96 : i32
      %ne3A_98 = arith.constant 0 : i32
      %ne3A_99 = arith.cmpi ne, %rem3A_97, %ne3A_98 : i32
      %lt3A = arith.constant 0 : i32
      %lt3A_100 = arith.cmpi slt, %rem3A_97, %lt3A : i32
      %lt3A_101 = arith.constant 0 : i32
      %lt3A_102 = arith.cmpi slt, %select_n3A_96, %lt3A_101 : i32
      %ne3A_103 = arith.xori %lt3A_100, %lt3A_102 : i1
      %and3A_104 = arith.andi %ne3A_103, %ne3A_99 : i1
      %add3A_105 = arith.addi %rem3A_97, %select_n3A_96 : i32
      %select_n3A_106 = arith.select %and3A_104, %add3A_105, %rem3A_97 : i32
      %mul3A_107 = arith.constant 16 : i32
      %mul3A_108 = arith.muli %select_n3A_106, %mul3A_107 : i32
      %broadcast_in_dim3A = arith.constant 0.000000e+00 : f32
      %broadcast_in_dim3A_109 = vector.broadcast %broadcast_in_dim3A : f32 to vector<16xf32>
      %swap3A = arith.index_cast %select_n3A : i32 to index
      %swap3A_110 = arith.index_cast %mul3A_108 : i32 to index
      %swap3A_111 = tpu.vector_load %arg8[%swap3A, %swap3A_110] {strides = array<i32>} : memref<128x128xf32, #tpu.memory_space<vmem>>, vector<1x16xf32>,
      %swap3A_112 = vector.shape_cast %swap3A_111 : vector<1x16xf32> to vector<16xf32>
      %swap3A_113 = vector.shape_cast %broadcast_in_dim3A_109 : vector<16xf32> to vector<1x16xf32>
      tpu.vector_store %arg8[%swap3A, %swap3A_110], %swap3A_113 {strides = array<i32>} : memref<128x128xf32, #tpu.memory_space<vmem>>, vector<1x16xf32>,
      %scan3A_114 = arith.constant 0 : i32
      scf.yield %scan3A_114 : i32
    }
    %scan3A_6 = arith.constant 1024 : i32
    %mul3A_7 = arith.constant 640 : i32
    %mul3A_8 = arith.muli %arg1, %mul3A_7 : i32
    %add3A_9 = arith.constant 0 : i32
    %add3A_10 = arith.addi %mul3A_8, %add3A_9 : i32
    "tpu.region"() ({
      %run_scoped3A = tpu.sem_alloc : memref<!tpu.dma_semaphore, #tpu.memory_space<semaphore_mem>>
      %dma_start3A_75 = arith.constant 0 : i32
      %dma_start3A_76 = tpu.memref_slice %arg10[%add3A_10, %dma_start3A_75] : memref<10240x128xf32, #tpu.memory_space<vmem_shared>> -> memref<128x128xf32, #tpu.memory_space<vmem_shared>>
      %dma_start3A_77 = arith.constant 0 : i32
      %dma_start3A_78 = tpu.memref_slice %arg10[%add3A_10, %dma_start3A_77] : memref<10240x128xf32, #tpu.memory_space<vmem_shared>> -> memref<128x128xf32, #tpu.memory_space<vmem_shared>>
      tpu.enqueue_dma source(%arg8 : memref<128x128xf32, #tpu.memory_space<vmem>>) target(%dma_start3A_78 : memref<128x128xf32, #tpu.memory_space<vmem_shared>>) target_semaphore(%run_scoped3A : memref<!tpu.dma_semaphore, #tpu.memory_space<semaphore_mem>>)
      %dma_wait3A = arith.constant 0 : i32
      %dma_wait3A_79 = tpu.memref_slice %arg10[%add3A_10, %dma_wait3A] : memref<10240x128xf32, #tpu.memory_space<vmem_shared>> -> memref<128x128xf32, #tpu.memory_space<vmem_shared>>
      %dma_wait3A_80 = arith.constant 0 : i32
      %dma_wait3A_81 = tpu.memref_slice %arg10[%add3A_10, %dma_wait3A_80] : memref<10240x128xf32, #tpu.memory_space<vmem_shared>> -> memref<128x128xf32, #tpu.memory_space<vmem_shared>>
      tpu.wait_dma2 semaphore(%run_scoped3A : memref<!tpu.dma_semaphore, #tpu.memory_space<semaphore_mem>>) src(%arg8 : memref<128x128xf32, #tpu.memory_space<vmem>>) dst(%dma_wait3A_81 : memref<128x128xf32, #tpu.memory_space<vmem_shared>>)
      tpu.yield
    }) : () -> ()
    %mul3A_11 = arith.constant 640 : i32
    %mul3A_12 = arith.muli %arg1, %mul3A_11 : i32
    %add3A_13 = arith.constant 128 : i32
    %add3A_14 = arith.addi %mul3A_12, %add3A_13 : i32
    "tpu.region"() ({
      %run_scoped3A = tpu.sem_alloc : memref<!tpu.dma_semaphore, #tpu.memory_space<semaphore_mem>>
      %dma_start3A_75 = arith.constant 0 : i32
      %dma_start3A_76 = tpu.memref_slice %arg10[%add3A_14, %dma_start3A_75] : memref<10240x128xf32, #tpu.memory_space<vmem_shared>> -> memref<128x128xf32, #tpu.memory_space<vmem_shared>>
      %dma_start3A_77 = arith.constant 0 : i32
      %dma_start3A_78 = tpu.memref_slice %arg10[%add3A_14, %dma_start3A_77] : memref<10240x128xf32, #tpu.memory_space<vmem_shared>> -> memref<128x128xf32, #tpu.memory_space<vmem_shared>>
      tpu.enqueue_dma source(%arg8 : memref<128x128xf32, #tpu.memory_space<vmem>>) target(%dma_start3A_78 : memref<128x128xf32, #tpu.memory_space<vmem_shared>>) target_semaphore(%run_scoped3A : memref<!tpu.dma_semaphore, #tpu.memory_space<semaphore_mem>>)
      %dma_wait3A = arith.constant 0 : i32
      %dma_wait3A_79 = tpu.memref_slice %arg10[%add3A_14, %dma_wait3A] : memref<10240x128xf32, #tpu.memory_space<vmem_shared>> -> memref<128x128xf32, #tpu.memory_space<vmem_shared>>
      %dma_wait3A_80 = arith.constant 0 : i32
      %dma_wait3A_81 = tpu.memref_slice %arg10[%add3A_14, %dma_wait3A_80] : memref<10240x128xf32, #tpu.memory_space<vmem_shared>> -> memref<128x128xf32, #tpu.memory_space<vmem_shared>>
      tpu.wait_dma2 semaphore(%run_scoped3A : memref<!tpu.dma_semaphore, #tpu.memory_space<semaphore_mem>>) src(%arg8 : memref<128x128xf32, #tpu.memory_space<vmem>>) dst(%dma_wait3A_81 : memref<128x128xf32, #tpu.memory_space<vmem_shared>>)
      tpu.yield
    }) : () -> ()
    %mul3A_15 = arith.constant 640 : i32
    %mul3A_16 = arith.muli %arg1, %mul3A_15 : i32
    %add3A_17 = arith.constant 256 : i32
    %add3A_18 = arith.addi %mul3A_16, %add3A_17 : i32
    "tpu.region"() ({
      %run_scoped3A = tpu.sem_alloc : memref<!tpu.dma_semaphore, #tpu.memory_space<semaphore_mem>>
      %dma_start3A_75 = arith.constant 0 : i32
      %dma_start3A_76 = tpu.memref_slice %arg10[%add3A_18, %dma_start3A_75] : memref<10240x128xf32, #tpu.memory_space<vmem_shared>> -> memref<128x128xf32, #tpu.memory_space<vmem_shared>>
      %dma_start3A_77 = arith.constant 0 : i32
      %dma_start3A_78 = tpu.memref_slice %arg10[%add3A_18, %dma_start3A_77] : memref<10240x128xf32, #tpu.memory_space<vmem_shared>> -> memref<128x128xf32, #tpu.memory_space<vmem_shared>>
      tpu.enqueue_dma source(%arg8 : memref<128x128xf32, #tpu.memory_space<vmem>>) target(%dma_start3A_78 : memref<128x128xf32, #tpu.memory_space<vmem_shared>>) target_semaphore(%run_scoped3A : memref<!tpu.dma_semaphore, #tpu.memory_space<semaphore_mem>>)
      %dma_wait3A = arith.constant 0 : i32
      %dma_wait3A_79 = tpu.memref_slice %arg10[%add3A_18, %dma_wait3A] : memref<10240x128xf32, #tpu.memory_space<vmem_shared>> -> memref<128x128xf32, #tpu.memory_space<vmem_shared>>
      %dma_wait3A_80 = arith.constant 0 : i32
      %dma_wait3A_81 = tpu.memref_slice %arg10[%add3A_18, %dma_wait3A_80] : memref<10240x128xf32, #tpu.memory_space<vmem_shared>> -> memref<128x128xf32, #tpu.memory_space<vmem_shared>>
      tpu.wait_dma2 semaphore(%run_scoped3A : memref<!tpu.dma_semaphore, #tpu.memory_space<semaphore_mem>>) src(%arg8 : memref<128x128xf32, #tpu.memory_space<vmem>>) dst(%dma_wait3A_81 : memref<128x128xf32, #tpu.memory_space<vmem_shared>>)
      tpu.yield
    }) : () -> ()
    %mul3A_19 = arith.constant 640 : i32
    %mul3A_20 = arith.muli %arg1, %mul3A_19 : i32
    %add3A_21 = arith.constant 384 : i32
    %add3A_22 = arith.addi %mul3A_20, %add3A_21 : i32
    "tpu.region"() ({
      %run_scoped3A = tpu.sem_alloc : memref<!tpu.dma_semaphore, #tpu.memory_space<semaphore_mem>>
      %dma_start3A_75 = arith.constant 0 : i32
      %dma_start3A_76 = tpu.memref_slice %arg10[%add3A_22, %dma_start3A_75] : memref<10240x128xf32, #tpu.memory_space<vmem_shared>> -> memref<128x128xf32, #tpu.memory_space<vmem_shared>>
      %dma_start3A_77 = arith.constant 0 : i32
      %dma_start3A_78 = tpu.memref_slice %arg10[%add3A_22, %dma_start3A_77] : memref<10240x128xf32, #tpu.memory_space<vmem_shared>> -> memref<128x128xf32, #tpu.memory_space<vmem_shared>>
      tpu.enqueue_dma source(%arg8 : memref<128x128xf32, #tpu.memory_space<vmem>>) target(%dma_start3A_78 : memref<128x128xf32, #tpu.memory_space<vmem_shared>>) target_semaphore(%run_scoped3A : memref<!tpu.dma_semaphore, #tpu.memory_space<semaphore_mem>>)
      %dma_wait3A = arith.constant 0 : i32
      %dma_wait3A_79 = tpu.memref_slice %arg10[%add3A_22, %dma_wait3A] : memref<10240x128xf32, #tpu.memory_space<vmem_shared>> -> memref<128x128xf32, #tpu.memory_space<vmem_shared>>
      %dma_wait3A_80 = arith.constant 0 : i32
      %dma_wait3A_81 = tpu.memref_slice %arg10[%add3A_22, %dma_wait3A_80] : memref<10240x128xf32, #tpu.memory_space<vmem_shared>> -> memref<128x128xf32, #tpu.memory_space<vmem_shared>>
      tpu.wait_dma2 semaphore(%run_scoped3A : memref<!tpu.dma_semaphore, #tpu.memory_space<semaphore_mem>>) src(%arg8 : memref<128x128xf32, #tpu.memory_space<vmem>>) dst(%dma_wait3A_81 : memref<128x128xf32, #tpu.memory_space<vmem_shared>>)
      tpu.yield
    }) : () -> ()
    %mul3A_23 = arith.constant 640 : i32
    %mul3A_24 = arith.muli %arg1, %mul3A_23 : i32
    %add3A_25 = arith.constant 512 : i32
    %add3A_26 = arith.addi %mul3A_24, %add3A_25 : i32
    "tpu.region"() ({
      %run_scoped3A = tpu.sem_alloc : memref<!tpu.dma_semaphore, #tpu.memory_space<semaphore_mem>>
      %dma_start3A_75 = arith.constant 0 : i32
      %dma_start3A_76 = tpu.memref_slice %arg10[%add3A_26, %dma_start3A_75] : memref<10240x128xf32, #tpu.memory_space<vmem_shared>> -> memref<128x128xf32, #tpu.memory_space<vmem_shared>>
      %dma_start3A_77 = arith.constant 0 : i32
      %dma_start3A_78 = tpu.memref_slice %arg10[%add3A_26, %dma_start3A_77] : memref<10240x128xf32, #tpu.memory_space<vmem_shared>> -> memref<128x128xf32, #tpu.memory_space<vmem_shared>>
      tpu.enqueue_dma source(%arg8 : memref<128x128xf32, #tpu.memory_space<vmem>>) target(%dma_start3A_78 : memref<128x128xf32, #tpu.memory_space<vmem_shared>>) target_semaphore(%run_scoped3A : memref<!tpu.dma_semaphore, #tpu.memory_space<semaphore_mem>>)
      %dma_wait3A = arith.constant 0 : i32
      %dma_wait3A_79 = tpu.memref_slice %arg10[%add3A_26, %dma_wait3A] : memref<10240x128xf32, #tpu.memory_space<vmem_shared>> -> memref<128x128xf32, #tpu.memory_space<vmem_shared>>
      %dma_wait3A_80 = arith.constant 0 : i32
      %dma_wait3A_81 = tpu.memref_slice %arg10[%add3A_26, %dma_wait3A_80] : memref<10240x128xf32, #tpu.memory_space<vmem_shared>> -> memref<128x128xf32, #tpu.memory_space<vmem_shared>>
      tpu.wait_dma2 semaphore(%run_scoped3A : memref<!tpu.dma_semaphore, #tpu.memory_space<semaphore_mem>>) src(%arg8 : memref<128x128xf32, #tpu.memory_space<vmem>>) dst(%dma_wait3A_81 : memref<128x128xf32, #tpu.memory_space<vmem_shared>>)
      tpu.yield
    }) : () -> ()
    %barrier3A = arith.constant 0 : index
    tpu.barrier barrier_id(%barrier3A)
    %mul3A_27 = arith.constant 80 : i32
    %mul3A_28 = arith.muli %add3A, %mul3A_27 : i32
    %add3A_29 = arith.constant 0 : i32
    %add3A_30 = arith.addi %mul3A_28, %add3A_29 : i32
    "tpu.region"() ({
      %run_scoped3A = tpu.sem_alloc : memref<!tpu.dma_semaphore, #tpu.memory_space<semaphore_mem>>
      %dma_start3A_75 = arith.constant 0 : i32
      %dma_start3A_76 = tpu.memref_slice %arg2[%add3A_30, %dma_start3A_75] : memref<2560x128xi32, #tpu.memory_space<hbm>> -> memref<40x128xi32, #tpu.memory_space<hbm>>
      %dma_start3A_77 = arith.constant 0 : i32
      %dma_start3A_78 = tpu.memref_slice %arg2[%add3A_30, %dma_start3A_77] : memref<2560x128xi32, #tpu.memory_space<hbm>> -> memref<40x128xi32, #tpu.memory_space<hbm>>
      tpu.enqueue_dma source(%dma_start3A_78 : memref<40x128xi32, #tpu.memory_space<hbm>>) target(%arg6 : memref<40x128xi32, #tpu.memory_space<vmem>>) target_semaphore(%run_scoped3A : memref<!tpu.dma_semaphore, #tpu.memory_space<semaphore_mem>>)
      %dma_wait3A = arith.constant 0 : i32
      %dma_wait3A_79 = tpu.memref_slice %arg2[%add3A_30, %dma_wait3A] : memref<2560x128xi32, #tpu.memory_space<hbm>> -> memref<40x128xi32, #tpu.memory_space<hbm>>
      %dma_wait3A_80 = arith.constant 0 : i32
      %dma_wait3A_81 = tpu.memref_slice %arg2[%add3A_30, %dma_wait3A_80] : memref<2560x128xi32, #tpu.memory_space<hbm>> -> memref<40x128xi32, #tpu.memory_space<hbm>>
      tpu.wait_dma2 semaphore(%run_scoped3A : memref<!tpu.dma_semaphore, #tpu.memory_space<semaphore_mem>>) src(%dma_wait3A_81 : memref<40x128xi32, #tpu.memory_space<hbm>>) dst(%arg6 : memref<40x128xi32, #tpu.memory_space<vmem>>)
      tpu.yield
    }) : () -> ()
    %mul3A_31 = arith.constant 80 : i32
    %mul3A_32 = arith.muli %add3A, %mul3A_31 : i32
    %add3A_33 = arith.constant 0 : i32
    %add3A_34 = arith.addi %mul3A_32, %add3A_33 : i32
    "tpu.region"() ({
      %run_scoped3A = tpu.sem_alloc : memref<!tpu.dma_semaphore, #tpu.memory_space<semaphore_mem>>
      %dma_start3A_75 = arith.constant 0 : i32
      %dma_start3A_76 = tpu.memref_slice %arg3[%add3A_34, %dma_start3A_75] : memref<2560x128xi32, #tpu.memory_space<hbm>> -> memref<40x128xi32, #tpu.memory_space<hbm>>
      %dma_start3A_77 = arith.constant 0 : i32
      %dma_start3A_78 = tpu.memref_slice %arg3[%add3A_34, %dma_start3A_77] : memref<2560x128xi32, #tpu.memory_space<hbm>> -> memref<40x128xi32, #tpu.memory_space<hbm>>
      tpu.enqueue_dma source(%dma_start3A_78 : memref<40x128xi32, #tpu.memory_space<hbm>>) target(%arg7 : memref<40x128xi32, #tpu.memory_space<vmem>>) target_semaphore(%run_scoped3A : memref<!tpu.dma_semaphore, #tpu.memory_space<semaphore_mem>>)
      %dma_wait3A = arith.constant 0 : i32
      %dma_wait3A_79 = tpu.memref_slice %arg3[%add3A_34, %dma_wait3A] : memref<2560x128xi32, #tpu.memory_space<hbm>> -> memref<40x128xi32, #tpu.memory_space<hbm>>
      %dma_wait3A_80 = arith.constant 0 : i32
      %dma_wait3A_81 = tpu.memref_slice %arg3[%add3A_34, %dma_wait3A_80] : memref<2560x128xi32, #tpu.memory_space<hbm>> -> memref<40x128xi32, #tpu.memory_space<hbm>>
      tpu.wait_dma2 semaphore(%run_scoped3A : memref<!tpu.dma_semaphore, #tpu.memory_space<semaphore_mem>>) src(%dma_wait3A_81 : memref<40x128xi32, #tpu.memory_space<hbm>>) dst(%arg7 : memref<40x128xi32, #tpu.memory_space<vmem>>)
      tpu.yield
    }) : () -> ()
    %dma_start3A = arith.constant 0 : i32
    %dma_start3A_35 = arith.constant 0 : i32
    %dma_start3A_36 = tpu.memref_slice %arg6[%dma_start3A, %dma_start3A_35] : memref<40x128xi32, #tpu.memory_space<vmem>> -> memref<1x128xi32, #tpu.memory_space<vmem>>
    %dma_start3A_37 = tpu.memref_squeeze %dma_start3A_36 : memref<1x128xi32, #tpu.memory_space<vmem>> -> memref<128xi32, #tpu.memory_space<vmem>>
    %dma_start3A_38 = arith.constant 0 : i32
    %dma_start3A_39 = arith.constant 0 : i32
    %dma_start3A_40 = tpu.memref_slice %arg4[%dma_start3A_38, %dma_start3A_39] : memref<10000x128xf32, #tpu.memory_space<hbm>> -> memref<10000x128xf32, #tpu.memory_space<hbm>>
    tpu.enqueue_indirect_dma source(%dma_start3A_40 : memref<10000x128xf32, #tpu.memory_space<hbm>>) target(%arg8 : memref<128x128xf32, #tpu.memory_space<vmem>>) offsets(%dma_start3A_37 : memref<128xi32, #tpu.memory_space<vmem>>) semaphore(%arg11 : memref<!tpu.dma_semaphore, #tpu.memory_space<semaphore_mem>>)
    %scan3A_41 = arith.constant 0 : i32
    %scan3A_42 = arith.constant 0 : i32
    %scan3A_43 = arith.constant 20 : i32
    %scan3A_44 = arith.addi %scan3A_42, %scan3A_43 : i32
    %scan3A_45 = arith.constant 1 : i32
    %scan3A_46 = scf.for %scan3A_75 = %scan3A_42 to %scan3A_44 step %scan3A_45 iter_args(%scan3A_76 = %scan3A_41) -> (i32)  : i32 {
      %mul3A_77 = arith.constant 2 : i32
      %mul3A_78 = arith.muli %mul3A_77, %scan3A_75 : i32
      %add3A_79 = arith.constant 1 : i32
      %add3A_80 = arith.addi %mul3A_78, %add3A_79 : i32
      %dma_start3A_81 = arith.constant 0 : i32
      %dma_start3A_82 = tpu.memref_slice %arg6[%add3A_80, %dma_start3A_81] : memref<40x128xi32, #tpu.memory_space<vmem>> -> memref<1x128xi32, #tpu.memory_space<vmem>>
      %dma_start3A_83 = tpu.memref_squeeze %dma_start3A_82 : memref<1x128xi32, #tpu.memory_space<vmem>> -> memref<128xi32, #tpu.memory_space<vmem>>
      %dma_start3A_84 = arith.constant 0 : i32
      %dma_start3A_85 = arith.constant 0 : i32
      %dma_start3A_86 = tpu.memref_slice %arg4[%dma_start3A_84, %dma_start3A_85] : memref<10000x128xf32, #tpu.memory_space<hbm>> -> memref<10000x128xf32, #tpu.memory_space<hbm>>
      tpu.enqueue_indirect_dma source(%dma_start3A_86 : memref<10000x128xf32, #tpu.memory_space<hbm>>) target(%arg9 : memref<128x128xf32, #tpu.memory_space<vmem>>) offsets(%dma_start3A_83 : memref<128xi32, #tpu.memory_space<vmem>>) semaphore(%arg12 : memref<!tpu.dma_semaphore, #tpu.memory_space<semaphore_mem>>)
      %dma_wait3A = arith.constant 0 : i32
      %dma_wait3A_87 = arith.constant 0 : i32
      %dma_wait3A_88 = tpu.memref_slice %arg6[%dma_wait3A, %dma_wait3A_87] : memref<40x128xi32, #tpu.memory_space<vmem>> -> memref<1x128xi32, #tpu.memory_space<vmem>>
      %dma_wait3A_89 = tpu.memref_squeeze %dma_wait3A_88 : memref<1x128xi32, #tpu.memory_space<vmem>> -> memref<128xi32, #tpu.memory_space<vmem>>
      %dma_wait3A_90 = arith.constant 0 : i32
      %dma_wait3A_91 = arith.constant 0 : i32
      %dma_wait3A_92 = tpu.memref_slice %arg4[%dma_wait3A_90, %dma_wait3A_91] : memref<10000x128xf32, #tpu.memory_space<hbm>> -> memref<10000x128xf32, #tpu.memory_space<hbm>>
      tpu.wait_indirect_dma semaphore(%arg11 : memref<!tpu.dma_semaphore, #tpu.memory_space<semaphore_mem>>) src(%dma_wait3A_92 : memref<10000x128xf32, #tpu.memory_space<hbm>>) dst(%arg8 : memref<128x128xf32, #tpu.memory_space<vmem>>)
      "tpu.region"() ({
        %run_scoped3A = tpu.sem_alloc : memref<!tpu.dma_semaphore, #tpu.memory_space<semaphore_mem>>
        %dma_start3A_107 = arith.constant 0 : i32
        %dma_start3A_108 = tpu.memref_slice %arg7[%mul3A_78, %dma_start3A_107] : memref<40x128xi32, #tpu.memory_space<vmem>> -> memref<1x128xi32, #tpu.memory_space<vmem>>
        %dma_start3A_109 = tpu.memref_squeeze %dma_start3A_108 : memref<1x128xi32, #tpu.memory_space<vmem>> -> memref<128xi32, #tpu.memory_space<vmem>>
        %dma_start3A_110 = arith.constant 0 : i32
        %dma_start3A_111 = arith.constant 0 : i32
        %dma_start3A_112 = tpu.memref_slice %arg10[%dma_start3A_110, %dma_start3A_111] : memref<10240x128xf32, #tpu.memory_space<vmem_shared>> -> memref<10240x128xf32, #tpu.memory_space<vmem_shared>>
        tpu.enqueue_indirect_dma source(%arg8 : memref<128x128xf32, #tpu.memory_space<vmem>>) target(%dma_start3A_112 : memref<10240x128xf32, #tpu.memory_space<vmem_shared>>) offsets(%dma_start3A_109 : memref<128xi32, #tpu.memory_space<vmem>>) semaphore(%run_scoped3A : memref<!tpu.dma_semaphore, #tpu.memory_space<semaphore_mem>>) {add = true}
        %dma_wait3A_113 = arith.constant 0 : i32
        %dma_wait3A_114 = tpu.memref_slice %arg7[%mul3A_78, %dma_wait3A_113] : memref<40x128xi32, #tpu.memory_space<vmem>> -> memref<1x128xi32, #tpu.memory_space<vmem>>
        %dma_wait3A_115 = tpu.memref_squeeze %dma_wait3A_114 : memref<1x128xi32, #tpu.memory_space<vmem>> -> memref<128xi32, #tpu.memory_space<vmem>>
        %dma_wait3A_116 = arith.constant 0 : i32
        %dma_wait3A_117 = arith.constant 0 : i32
        %dma_wait3A_118 = tpu.memref_slice %arg10[%dma_wait3A_116, %dma_wait3A_117] : memref<10240x128xf32, #tpu.memory_space<vmem_shared>> -> memref<10240x128xf32, #tpu.memory_space<vmem_shared>>
        tpu.wait_indirect_dma semaphore(%run_scoped3A : memref<!tpu.dma_semaphore, #tpu.memory_space<semaphore_mem>>) src(%arg8 : memref<128x128xf32, #tpu.memory_space<vmem>>) dst(%dma_wait3A_118 : memref<10240x128xf32, #tpu.memory_space<vmem_shared>>)
        tpu.yield
      }) : () -> ()
      %add3A_93 = arith.constant 2 : i32
      %add3A_94 = arith.addi %mul3A_78, %add3A_93 : i32
      %lt3A = arith.constant 40 : i32
      %lt3A_95 = arith.cmpi slt, %add3A_94, %lt3A : i32
      %convert_element_type3A = arith.extui %lt3A_95 : i1 to i32
      %cond3A = arith.constant 0 : i32
      %cond3A_96 = arith.cmpi ne, %convert_element_type3A, %cond3A : i32
      scf.if %cond3A_96 {
        %add3A_107 = arith.constant 2 : i32
        %add3A_108 = arith.addi %mul3A_78, %add3A_107 : i32
        %dma_start3A_109 = arith.constant 0 : i32
        %dma_start3A_110 = tpu.memref_slice %arg6[%add3A_108, %dma_start3A_109] : memref<40x128xi32, #tpu.memory_space<vmem>> -> memref<1x128xi32, #tpu.memory_space<vmem>>
        %dma_start3A_111 = tpu.memref_squeeze %dma_start3A_110 : memref<1x128xi32, #tpu.memory_space<vmem>> -> memref<128xi32, #tpu.memory_space<vmem>>
        %dma_start3A_112 = arith.constant 0 : i32
        %dma_start3A_113 = arith.constant 0 : i32
        %dma_start3A_114 = tpu.memref_slice %arg4[%dma_start3A_112, %dma_start3A_113] : memref<10000x128xf32, #tpu.memory_space<hbm>> -> memref<10000x128xf32, #tpu.memory_space<hbm>>
        tpu.enqueue_indirect_dma source(%dma_start3A_114 : memref<10000x128xf32, #tpu.memory_space<hbm>>) target(%arg8 : memref<128x128xf32, #tpu.memory_space<vmem>>) offsets(%dma_start3A_111 : memref<128xi32, #tpu.memory_space<vmem>>) semaphore(%arg11 : memref<!tpu.dma_semaphore, #tpu.memory_space<semaphore_mem>>)
      } else {
      }
      %dma_wait3A_97 = arith.constant 0 : i32
      %dma_wait3A_98 = arith.constant 0 : i32
      %dma_wait3A_99 = tpu.memref_slice %arg6[%dma_wait3A_97, %dma_wait3A_98] : memref<40x128xi32, #tpu.memory_space<vmem>> -> memref<1x128xi32, #tpu.memory_space<vmem>>
      %dma_wait3A_100 = tpu.memref_squeeze %dma_wait3A_99 : memref<1x128xi32, #tpu.memory_space<vmem>> -> memref<128xi32, #tpu.memory_space<vmem>>
      %dma_wait3A_101 = arith.constant 0 : i32
      %dma_wait3A_102 = arith.constant 0 : i32
      %dma_wait3A_103 = tpu.memref_slice %arg4[%dma_wait3A_101, %dma_wait3A_102] : memref<10000x128xf32, #tpu.memory_space<hbm>> -> memref<10000x128xf32, #tpu.memory_space<hbm>>
      tpu.wait_indirect_dma semaphore(%arg12 : memref<!tpu.dma_semaphore, #tpu.memory_space<semaphore_mem>>) src(%dma_wait3A_103 : memref<10000x128xf32, #tpu.memory_space<hbm>>) dst(%arg9 : memref<128x128xf32, #tpu.memory_space<vmem>>)
      %add3A_104 = arith.constant 1 : i32
      %add3A_105 = arith.addi %mul3A_78, %add3A_104 : i32
      "tpu.region"() ({
        %run_scoped3A = tpu.sem_alloc : memref<!tpu.dma_semaphore, #tpu.memory_space<semaphore_mem>>
        %dma_start3A_107 = arith.constant 0 : i32
        %dma_start3A_108 = tpu.memref_slice %arg7[%add3A_105, %dma_start3A_107] : memref<40x128xi32, #tpu.memory_space<vmem>> -> memref<1x128xi32, #tpu.memory_space<vmem>>
        %dma_start3A_109 = tpu.memref_squeeze %dma_start3A_108 : memref<1x128xi32, #tpu.memory_space<vmem>> -> memref<128xi32, #tpu.memory_space<vmem>>
        %dma_start3A_110 = arith.constant 0 : i32
        %dma_start3A_111 = arith.constant 0 : i32
        %dma_start3A_112 = tpu.memref_slice %arg10[%dma_start3A_110, %dma_start3A_111] : memref<10240x128xf32, #tpu.memory_space<vmem_shared>> -> memref<10240x128xf32, #tpu.memory_space<vmem_shared>>
        tpu.enqueue_indirect_dma source(%arg9 : memref<128x128xf32, #tpu.memory_space<vmem>>) target(%dma_start3A_112 : memref<10240x128xf32, #tpu.memory_space<vmem_shared>>) offsets(%dma_start3A_109 : memref<128xi32, #tpu.memory_space<vmem>>) semaphore(%run_scoped3A : memref<!tpu.dma_semaphore, #tpu.memory_space<semaphore_mem>>) {add = true}
        %dma_wait3A_113 = arith.constant 0 : i32
        %dma_wait3A_114 = tpu.memref_slice %arg7[%add3A_105, %dma_wait3A_113] : memref<40x128xi32, #tpu.memory_space<vmem>> -> memref<1x128xi32, #tpu.memory_space<vmem>>
        %dma_wait3A_115 = tpu.memref_squeeze %dma_wait3A_114 : memref<1x128xi32, #tpu.memory_space<vmem>> -> memref<128xi32, #tpu.memory_space<vmem>>
        %dma_wait3A_116 = arith.constant 0 : i32
        %dma_wait3A_117 = arith.constant 0 : i32
        %dma_wait3A_118 = tpu.memref_slice %arg10[%dma_wait3A_116, %dma_wait3A_117] : memref<10240x128xf32, #tpu.memory_space<vmem_shared>> -> memref<10240x128xf32, #tpu.memory_space<vmem_shared>>
        tpu.wait_indirect_dma semaphore(%run_scoped3A : memref<!tpu.dma_semaphore, #tpu.memory_space<semaphore_mem>>) src(%arg9 : memref<128x128xf32, #tpu.memory_space<vmem>>) dst(%dma_wait3A_118 : memref<10240x128xf32, #tpu.memory_space<vmem_shared>>)
        tpu.yield
      }) : () -> ()
      %scan3A_106 = arith.constant 0 : i32
      scf.yield %scan3A_106 : i32
    }
    %scan3A_47 = arith.constant 20 : i32
    %mul3A_48 = arith.constant 80 : i32
    %mul3A_49 = arith.muli %add3A, %mul3A_48 : i32
    %add3A_50 = arith.constant 40 : i32
    %add3A_51 = arith.addi %mul3A_49, %add3A_50 : i32
    "tpu.region"() ({
      %run_scoped3A = tpu.sem_alloc : memref<!tpu.dma_semaphore, #tpu.memory_space<semaphore_mem>>
      %dma_start3A_75 = arith.constant 0 : i32
      %dma_start3A_76 = tpu.memref_slice %arg2[%add3A_51, %dma_start3A_75] : memref<2560x128xi32, #tpu.memory_space<hbm>> -> memref<40x128xi32, #tpu.memory_space<hbm>>
      %dma_start3A_77 = arith.constant 0 : i32
      %dma_start3A_78 = tpu.memref_slice %arg2[%add3A_51, %dma_start3A_77] : memref<2560x128xi32, #tpu.memory_space<hbm>> -> memref<40x128xi32, #tpu.memory_space<hbm>>
      tpu.enqueue_dma source(%dma_start3A_78 : memref<40x128xi32, #tpu.memory_space<hbm>>) target(%arg6 : memref<40x128xi32, #tpu.memory_space<vmem>>) target_semaphore(%run_scoped3A : memref<!tpu.dma_semaphore, #tpu.memory_space<semaphore_mem>>)
      %dma_wait3A = arith.constant 0 : i32
      %dma_wait3A_79 = tpu.memref_slice %arg2[%add3A_51, %dma_wait3A] : memref<2560x128xi32, #tpu.memory_space<hbm>> -> memref<40x128xi32, #tpu.memory_space<hbm>>
      %dma_wait3A_80 = arith.constant 0 : i32
      %dma_wait3A_81 = tpu.memref_slice %arg2[%add3A_51, %dma_wait3A_80] : memref<2560x128xi32, #tpu.memory_space<hbm>> -> memref<40x128xi32, #tpu.memory_space<hbm>>
      tpu.wait_dma2 semaphore(%run_scoped3A : memref<!tpu.dma_semaphore, #tpu.memory_space<semaphore_mem>>) src(%dma_wait3A_81 : memref<40x128xi32, #tpu.memory_space<hbm>>) dst(%arg6 : memref<40x128xi32, #tpu.memory_space<vmem>>)
      tpu.yield
    }) : () -> ()
    %mul3A_52 = arith.constant 80 : i32
    %mul3A_53 = arith.muli %add3A, %mul3A_52 : i32
    %add3A_54 = arith.constant 40 : i32
    %add3A_55 = arith.addi %mul3A_53, %add3A_54 : i32
    "tpu.region"() ({
      %run_scoped3A = tpu.sem_alloc : memref<!tpu.dma_semaphore, #tpu.memory_space<semaphore_mem>>
      %dma_start3A_75 = arith.constant 0 : i32
      %dma_start3A_76 = tpu.memref_slice %arg3[%add3A_55, %dma_start3A_75] : memref<2560x128xi32, #tpu.memory_space<hbm>> -> memref<40x128xi32, #tpu.memory_space<hbm>>
      %dma_start3A_77 = arith.constant 0 : i32
      %dma_start3A_78 = tpu.memref_slice %arg3[%add3A_55, %dma_start3A_77] : memref<2560x128xi32, #tpu.memory_space<hbm>> -> memref<40x128xi32, #tpu.memory_space<hbm>>
      tpu.enqueue_dma source(%dma_start3A_78 : memref<40x128xi32, #tpu.memory_space<hbm>>) target(%arg7 : memref<40x128xi32, #tpu.memory_space<vmem>>) target_semaphore(%run_scoped3A : memref<!tpu.dma_semaphore, #tpu.memory_space<semaphore_mem>>)
      %dma_wait3A = arith.constant 0 : i32
      %dma_wait3A_79 = tpu.memref_slice %arg3[%add3A_55, %dma_wait3A] : memref<2560x128xi32, #tpu.memory_space<hbm>> -> memref<40x128xi32, #tpu.memory_space<hbm>>
      %dma_wait3A_80 = arith.constant 0 : i32
      %dma_wait3A_81 = tpu.memref_slice %arg3[%add3A_55, %dma_wait3A_80] : memref<2560x128xi32, #tpu.memory_space<hbm>> -> memref<40x128xi32, #tpu.memory_space<hbm>>
      tpu.wait_dma2 semaphore(%run_scoped3A : memref<!tpu.dma_semaphore, #tpu.memory_space<semaphore_mem>>) src(%dma_wait3A_81 : memref<40x128xi32, #tpu.memory_space<hbm>>) dst(%arg7 : memref<40x128xi32, #tpu.memory_space<vmem>>)
      tpu.yield
    }) : () -> ()
    %dma_start3A_56 = arith.constant 0 : i32
    %dma_start3A_57 = arith.constant 0 : i32
    %dma_start3A_58 = tpu.memref_slice %arg6[%dma_start3A_56, %dma_start3A_57] : memref<40x128xi32, #tpu.memory_space<vmem>> -> memref<1x128xi32, #tpu.memory_space<vmem>>
    %dma_start3A_59 = tpu.memref_squeeze %dma_start3A_58 : memref<1x128xi32, #tpu.memory_space<vmem>> -> memref<128xi32, #tpu.memory_space<vmem>>
    %dma_start3A_60 = arith.constant 0 : i32
    %dma_start3A_61 = arith.constant 0 : i32
    %dma_start3A_62 = tpu.memref_slice %arg4[%dma_start3A_60, %dma_start3A_61] : memref<10000x128xf32, #tpu.memory_space<hbm>> -> memref<10000x128xf32, #tpu.memory_space<hbm>>
    tpu.enqueue_indirect_dma source(%dma_start3A_62 : memref<10000x128xf32, #tpu.memory_space<hbm>>) target(%arg8 : memref<128x128xf32, #tpu.memory_space<vmem>>) offsets(%dma_start3A_59 : memref<128xi32, #tpu.memory_space<vmem>>) semaphore(%arg11 : memref<!tpu.dma_semaphore, #tpu.memory_space<semaphore_mem>>)
    %scan3A_63 = arith.constant 0 : i32
    %scan3A_64 = arith.constant 0 : i32
    %scan3A_65 = arith.constant 20 : i32
    %scan3A_66 = arith.addi %scan3A_64, %scan3A_65 : i32
    %scan3A_67 = arith.constant 1 : i32
    %scan3A_68 = scf.for %scan3A_75 = %scan3A_64 to %scan3A_66 step %scan3A_67 iter_args(%scan3A_76 = %scan3A_63) -> (i32)  : i32 {
      %mul3A_77 = arith.constant 2 : i32
      %mul3A_78 = arith.muli %mul3A_77, %scan3A_75 : i32
      %add3A_79 = arith.constant 1 : i32
      %add3A_80 = arith.addi %mul3A_78, %add3A_79 : i32
      %dma_start3A_81 = arith.constant 0 : i32
      %dma_start3A_82 = tpu.memref_slice %arg6[%add3A_80, %dma_start3A_81] : memref<40x128xi32, #tpu.memory_space<vmem>> -> memref<1x128xi32, #tpu.memory_space<vmem>>
      %dma_start3A_83 = tpu.memref_squeeze %dma_start3A_82 : memref<1x128xi32, #tpu.memory_space<vmem>> -> memref<128xi32, #tpu.memory_space<vmem>>
      %dma_start3A_84 = arith.constant 0 : i32
      %dma_start3A_85 = arith.constant 0 : i32
      %dma_start3A_86 = tpu.memref_slice %arg4[%dma_start3A_84, %dma_start3A_85] : memref<10000x128xf32, #tpu.memory_space<hbm>> -> memref<10000x128xf32, #tpu.memory_space<hbm>>
      tpu.enqueue_indirect_dma source(%dma_start3A_86 : memref<10000x128xf32, #tpu.memory_space<hbm>>) target(%arg9 : memref<128x128xf32, #tpu.memory_space<vmem>>) offsets(%dma_start3A_83 : memref<128xi32, #tpu.memory_space<vmem>>) semaphore(%arg12 : memref<!tpu.dma_semaphore, #tpu.memory_space<semaphore_mem>>)
      %dma_wait3A = arith.constant 0 : i32
      %dma_wait3A_87 = arith.constant 0 : i32
      %dma_wait3A_88 = tpu.memref_slice %arg6[%dma_wait3A, %dma_wait3A_87] : memref<40x128xi32, #tpu.memory_space<vmem>> -> memref<1x128xi32, #tpu.memory_space<vmem>>
      %dma_wait3A_89 = tpu.memref_squeeze %dma_wait3A_88 : memref<1x128xi32, #tpu.memory_space<vmem>> -> memref<128xi32, #tpu.memory_space<vmem>>
      %dma_wait3A_90 = arith.constant 0 : i32
      %dma_wait3A_91 = arith.constant 0 : i32
      %dma_wait3A_92 = tpu.memref_slice %arg4[%dma_wait3A_90, %dma_wait3A_91] : memref<10000x128xf32, #tpu.memory_space<hbm>> -> memref<10000x128xf32, #tpu.memory_space<hbm>>
      tpu.wait_indirect_dma semaphore(%arg11 : memref<!tpu.dma_semaphore, #tpu.memory_space<semaphore_mem>>) src(%dma_wait3A_92 : memref<10000x128xf32, #tpu.memory_space<hbm>>) dst(%arg8 : memref<128x128xf32, #tpu.memory_space<vmem>>)
      "tpu.region"() ({
        %run_scoped3A = tpu.sem_alloc : memref<!tpu.dma_semaphore, #tpu.memory_space<semaphore_mem>>
        %dma_start3A_107 = arith.constant 0 : i32
        %dma_start3A_108 = tpu.memref_slice %arg7[%mul3A_78, %dma_start3A_107] : memref<40x128xi32, #tpu.memory_space<vmem>> -> memref<1x128xi32, #tpu.memory_space<vmem>>
        %dma_start3A_109 = tpu.memref_squeeze %dma_start3A_108 : memref<1x128xi32, #tpu.memory_space<vmem>> -> memref<128xi32, #tpu.memory_space<vmem>>
        %dma_start3A_110 = arith.constant 0 : i32
        %dma_start3A_111 = arith.constant 0 : i32
        %dma_start3A_112 = tpu.memref_slice %arg10[%dma_start3A_110, %dma_start3A_111] : memref<10240x128xf32, #tpu.memory_space<vmem_shared>> -> memref<10240x128xf32, #tpu.memory_space<vmem_shared>>
        tpu.enqueue_indirect_dma source(%arg8 : memref<128x128xf32, #tpu.memory_space<vmem>>) target(%dma_start3A_112 : memref<10240x128xf32, #tpu.memory_space<vmem_shared>>) offsets(%dma_start3A_109 : memref<128xi32, #tpu.memory_space<vmem>>) semaphore(%run_scoped3A : memref<!tpu.dma_semaphore, #tpu.memory_space<semaphore_mem>>) {add = true}
        %dma_wait3A_113 = arith.constant 0 : i32
        %dma_wait3A_114 = tpu.memref_slice %arg7[%mul3A_78, %dma_wait3A_113] : memref<40x128xi32, #tpu.memory_space<vmem>> -> memref<1x128xi32, #tpu.memory_space<vmem>>
        %dma_wait3A_115 = tpu.memref_squeeze %dma_wait3A_114 : memref<1x128xi32, #tpu.memory_space<vmem>> -> memref<128xi32, #tpu.memory_space<vmem>>
        %dma_wait3A_116 = arith.constant 0 : i32
        %dma_wait3A_117 = arith.constant 0 : i32
        %dma_wait3A_118 = tpu.memref_slice %arg10[%dma_wait3A_116, %dma_wait3A_117] : memref<10240x128xf32, #tpu.memory_space<vmem_shared>> -> memref<10240x128xf32, #tpu.memory_space<vmem_shared>>
        tpu.wait_indirect_dma semaphore(%run_scoped3A : memref<!tpu.dma_semaphore, #tpu.memory_space<semaphore_mem>>) src(%arg8 : memref<128x128xf32, #tpu.memory_space<vmem>>) dst(%dma_wait3A_118 : memref<10240x128xf32, #tpu.memory_space<vmem_shared>>)
        tpu.yield
      }) : () -> ()
      %add3A_93 = arith.constant 2 : i32
      %add3A_94 = arith.addi %mul3A_78, %add3A_93 : i32
      %lt3A = arith.constant 40 : i32
      %lt3A_95 = arith.cmpi slt, %add3A_94, %lt3A : i32
      %convert_element_type3A = arith.extui %lt3A_95 : i1 to i32
      %cond3A = arith.constant 0 : i32
      %cond3A_96 = arith.cmpi ne, %convert_element_type3A, %cond3A : i32
      scf.if %cond3A_96 {
        %add3A_107 = arith.constant 2 : i32
        %add3A_108 = arith.addi %mul3A_78, %add3A_107 : i32
        %dma_start3A_109 = arith.constant 0 : i32
        %dma_start3A_110 = tpu.memref_slice %arg6[%add3A_108, %dma_start3A_109] : memref<40x128xi32, #tpu.memory_space<vmem>> -> memref<1x128xi32, #tpu.memory_space<vmem>>
        %dma_start3A_111 = tpu.memref_squeeze %dma_start3A_110 : memref<1x128xi32, #tpu.memory_space<vmem>> -> memref<128xi32, #tpu.memory_space<vmem>>
        %dma_start3A_112 = arith.constant 0 : i32
        %dma_start3A_113 = arith.constant 0 : i32
        %dma_start3A_114 = tpu.memref_slice %arg4[%dma_start3A_112, %dma_start3A_113] : memref<10000x128xf32, #tpu.memory_space<hbm>> -> memref<10000x128xf32, #tpu.memory_space<hbm>>
        tpu.enqueue_indirect_dma source(%dma_start3A_114 : memref<10000x128xf32, #tpu.memory_space<hbm>>) target(%arg8 : memref<128x128xf32, #tpu.memory_space<vmem>>) offsets(%dma_start3A_111 : memref<128xi32, #tpu.memory_space<vmem>>) semaphore(%arg11 : memref<!tpu.dma_semaphore, #tpu.memory_space<semaphore_mem>>)
      } else {
      }
      %dma_wait3A_97 = arith.constant 0 : i32
      %dma_wait3A_98 = arith.constant 0 : i32
      %dma_wait3A_99 = tpu.memref_slice %arg6[%dma_wait3A_97, %dma_wait3A_98] : memref<40x128xi32, #tpu.memory_space<vmem>> -> memref<1x128xi32, #tpu.memory_space<vmem>>
      %dma_wait3A_100 = tpu.memref_squeeze %dma_wait3A_99 : memref<1x128xi32, #tpu.memory_space<vmem>> -> memref<128xi32, #tpu.memory_space<vmem>>
      %dma_wait3A_101 = arith.constant 0 : i32
      %dma_wait3A_102 = arith.constant 0 : i32
      %dma_wait3A_103 = tpu.memref_slice %arg4[%dma_wait3A_101, %dma_wait3A_102] : memref<10000x128xf32, #tpu.memory_space<hbm>> -> memref<10000x128xf32, #tpu.memory_space<hbm>>
      tpu.wait_indirect_dma semaphore(%arg12 : memref<!tpu.dma_semaphore, #tpu.memory_space<semaphore_mem>>) src(%dma_wait3A_103 : memref<10000x128xf32, #tpu.memory_space<hbm>>) dst(%arg9 : memref<128x128xf32, #tpu.memory_space<vmem>>)
      %add3A_104 = arith.constant 1 : i32
      %add3A_105 = arith.addi %mul3A_78, %add3A_104 : i32
      "tpu.region"() ({
        %run_scoped3A = tpu.sem_alloc : memref<!tpu.dma_semaphore, #tpu.memory_space<semaphore_mem>>
        %dma_start3A_107 = arith.constant 0 : i32
        %dma_start3A_108 = tpu.memref_slice %arg7[%add3A_105, %dma_start3A_107] : memref<40x128xi32, #tpu.memory_space<vmem>> -> memref<1x128xi32, #tpu.memory_space<vmem>>
        %dma_start3A_109 = tpu.memref_squeeze %dma_start3A_108 : memref<1x128xi32, #tpu.memory_space<vmem>> -> memref<128xi32, #tpu.memory_space<vmem>>
        %dma_start3A_110 = arith.constant 0 : i32
        %dma_start3A_111 = arith.constant 0 : i32
        %dma_start3A_112 = tpu.memref_slice %arg10[%dma_start3A_110, %dma_start3A_111] : memref<10240x128xf32, #tpu.memory_space<vmem_shared>> -> memref<10240x128xf32, #tpu.memory_space<vmem_shared>>
        tpu.enqueue_indirect_dma source(%arg9 : memref<128x128xf32, #tpu.memory_space<vmem>>) target(%dma_start3A_112 : memref<10240x128xf32, #tpu.memory_space<vmem_shared>>) offsets(%dma_start3A_109 : memref<128xi32, #tpu.memory_space<vmem>>) semaphore(%run_scoped3A : memref<!tpu.dma_semaphore, #tpu.memory_space<semaphore_mem>>) {add = true}
        %dma_wait3A_113 = arith.constant 0 : i32
        %dma_wait3A_114 = tpu.memref_slice %arg7[%add3A_105, %dma_wait3A_113] : memref<40x128xi32, #tpu.memory_space<vmem>> -> memref<1x128xi32, #tpu.memory_space<vmem>>
        %dma_wait3A_115 = tpu.memref_squeeze %dma_wait3A_114 : memref<1x128xi32, #tpu.memory_space<vmem>> -> memref<128xi32, #tpu.memory_space<vmem>>
        %dma_wait3A_116 = arith.constant 0 : i32
        %dma_wait3A_117 = arith.constant 0 : i32
        %dma_wait3A_118 = tpu.memref_slice %arg10[%dma_wait3A_116, %dma_wait3A_117] : memref<10240x128xf32, #tpu.memory_space<vmem_shared>> -> memref<10240x128xf32, #tpu.memory_space<vmem_shared>>
        tpu.wait_indirect_dma semaphore(%run_scoped3A : memref<!tpu.dma_semaphore, #tpu.memory_space<semaphore_mem>>) src(%arg9 : memref<128x128xf32, #tpu.memory_space<vmem>>) dst(%dma_wait3A_118 : memref<10240x128xf32, #tpu.memory_space<vmem_shared>>)
        tpu.yield
      }) : () -> ()
      %scan3A_106 = arith.constant 0 : i32
      scf.yield %scan3A_106 : i32
    }
    %scan3A_69 = arith.constant 20 : i32
    %barrier3A_70 = arith.constant 0 : index
    tpu.barrier barrier_id(%barrier3A_70)
    %mul3A_71 = arith.constant 640 : i32
    %mul3A_72 = arith.muli %arg1, %mul3A_71 : i32
    %mul3A_73 = arith.constant 640 : i32
    %mul3A_74 = arith.muli %arg1, %mul3A_73 : i32
    "tpu.region"() ({
      %run_scoped3A = tpu.sem_alloc : memref<!tpu.dma_semaphore, #tpu.memory_space<semaphore_mem>>
      %dma_start3A_75 = arith.constant 0 : i32
      %dma_start3A_76 = tpu.memref_slice %arg5[%arg0, %mul3A_74, %dma_start3A_75] : memref<2x10240x128xf32, #tpu.memory_space<hbm>> -> memref<1x640x128xf32, #tpu.memory_space<hbm>>
      %dma_start3A_77 = tpu.memref_squeeze %dma_start3A_76 : memref<1x640x128xf32, #tpu.memory_space<hbm>> -> memref<640x128xf32, #tpu.memory_space<hbm>>
      %dma_start3A_78 = arith.constant 0 : i32
      %dma_start3A_79 = tpu.memref_slice %arg10[%mul3A_72, %dma_start3A_78] : memref<10240x128xf32, #tpu.memory_space<vmem_shared>> -> memref<640x128xf32, #tpu.memory_space<vmem_shared>>
      tpu.enqueue_dma source(%dma_start3A_79 : memref<640x128xf32, #tpu.memory_space<vmem_shared>>) target(%dma_start3A_77 : memref<640x128xf32, #tpu.memory_space<hbm>>) target_semaphore(%run_scoped3A : memref<!tpu.dma_semaphore, #tpu.memory_space<semaphore_mem>>)
      %dma_wait3A = arith.constant 0 : i32
      %dma_wait3A_80 = tpu.memref_slice %arg5[%arg0, %mul3A_74, %dma_wait3A] : memref<2x10240x128xf32, #tpu.memory_space<hbm>> -> memref<1x640x128xf32, #tpu.memory_space<hbm>>
      %dma_wait3A_81 = tpu.memref_squeeze %dma_wait3A_80 : memref<1x640x128xf32, #tpu.memory_space<hbm>> -> memref<640x128xf32, #tpu.memory_space<hbm>>
      %dma_wait3A_82 = arith.constant 0 : i32
      %dma_wait3A_83 = tpu.memref_slice %arg10[%mul3A_72, %dma_wait3A_82] : memref<10240x128xf32, #tpu.memory_space<vmem_shared>> -> memref<640x128xf32, #tpu.memory_space<vmem_shared>>
      tpu.wait_dma2 semaphore(%run_scoped3A : memref<!tpu.dma_semaphore, #tpu.memory_space<semaphore_mem>>) src(%dma_wait3A_83 : memref<640x128xf32, #tpu.memory_space<vmem_shared>>) dst(%dma_wait3A_81 : memref<640x128xf32, #tpu.memory_space<hbm>>)
      tpu.yield
    }) : () -> ()
    return
  }
}

#map = affine_map<(d0, d1) -> (0, 0)>
#map1 = affine_map<(d0, d1) -> (0, 0, 0)>
module attributes {stable_mosaic.version = 14 : i64} {
  func.func @prop_kernel(%arg0: i32, %arg1: i32, %arg2: memref<2560x128xi32, #tpu.memory_space<hbm>>, %arg3: memref<2560x128xi32, #tpu.memory_space<hbm>>, %arg4: memref<10000x128xf32, #tpu.memory_space<hbm>>, %arg5: memref<2x10240x128xf32, #tpu.memory_space<hbm>>, %arg6: memref<40x128xi32, #tpu.memory_space<vmem>>, %arg7: memref<40x128xi32, #tpu.memory_space<vmem>>, %arg8: memref<128x128xf32, #tpu.memory_space<vmem>>, %arg9: memref<128x128xf32, #tpu.memory_space<vmem>>, %arg10: memref<10240x128xf32, #tpu.memory_space<vmem_shared>>, %arg11: memref<!tpu.dma_semaphore, #tpu.memory_space<semaphore_mem>>, %arg12: memref<!tpu.dma_semaphore, #tpu.memory_space<semaphore_mem>>) attributes {dimension_semantics = [#tpu.dimension_semantics<core_parallel>, #tpu.dimension_semantics<subcore_parallel>], iteration_bounds = array<i64: 2, 16>, scalar_prefetch = 0 : i64, scratch_operands = 7 : i64, tpu.core_type = #tpu.core_type<sc_vector_subcore>, window_params = [{transform_indices = #map}, {transform_indices = #map}, {transform_indices = #map}, {transform_indices = #map1}]} {
    %mul3A = arith.constant 16 : i32
    %mul3A_0 = arith.muli %arg0, %mul3A : i32
    %add3A = arith.addi %mul3A_0, %arg1 : i32
    %scan3A = arith.constant 0 : i32
    %scan3A_1 = arith.constant 0 : i32
    %scan3A_2 = arith.constant 1024 : i32
    %scan3A_3 = arith.addi %scan3A_1, %scan3A_2 : i32
    %scan3A_4 = arith.constant 1 : i32
    %scan3A_5 = scf.for %scan3A_75 = %scan3A_1 to %scan3A_3 step %scan3A_4 iter_args(%scan3A_76 = %scan3A) -> (i32)  : i32 {
      %jit3A = arith.constant 8 : i32
      %div3A = arith.divsi %scan3A_75, %jit3A : i32
      %sign3A = arith.constant 0 : i32
      %sign3A_77 = arith.cmpi sgt, %scan3A_75, %sign3A : i32
      %sign3A_78 = arith.extui %sign3A_77 : i1 to i32
      %sign3A_79 = arith.constant 0 : i32
      %sign3A_80 = arith.cmpi slt, %scan3A_75, %sign3A_79 : i32
      %sign3A_81 = arith.extui %sign3A_80 : i1 to i32
      %sign3A_82 = arith.subi %sign3A_78, %sign3A_81 : i32
      %sign3A_83 = arith.constant 0 : i32
      %sign3A_84 = arith.cmpi sgt, %jit3A, %sign3A_83 : i32
      %sign3A_85 = arith.extui %sign3A_84 : i1 to i32
      %sign3A_86 = arith.constant 0 : i32
      %sign3A_87 = arith.cmpi slt, %jit3A, %sign3A_86 : i32
      %sign3A_88 = arith.extui %sign3A_87 : i1 to i32
      %sign3A_89 = arith.subi %sign3A_85, %sign3A_88 : i32
      %ne3A = arith.cmpi ne, %sign3A_82, %sign3A_89 : i32
      %rem3A = arith.remsi %scan3A_75, %jit3A : i32
      %ne3A_90 = arith.constant 0 : i32
      %ne3A_91 = arith.cmpi ne, %rem3A, %ne3A_90 : i32
      %and3A = arith.andi %ne3A, %ne3A_91 : i1
      %sub3A = arith.constant 1 : i32
      %sub3A_92 = arith.subi %div3A, %sub3A : i32
      %select_n3A = arith.select %and3A, %sub3A_92, %div3A : i32
      %jit3A_93 = arith.constant 8 : i32
      %eq3A = arith.constant 0 : i32
      %eq3A_94 = arith.cmpi eq, %jit3A_93, %eq3A : i32
      %jit3A_95 = arith.constant 1 : i32
      %select_n3A_96 = arith.select %eq3A_94, %jit3A_95, %jit3A_93 : i32
      %rem3A_97 = arith.remsi %scan3A_75, %select_n3A_96 : i32
      %ne3A_98 = arith.constant 0 : i32
      %ne3A_99 = arith.cmpi ne, %rem3A_97, %ne3A_98 : i32
      %lt3A = arith.constant 0 : i32
      %lt3A_100 = arith.cmpi slt, %rem3A_97, %lt3A : i32
      %lt3A_101 = arith.constant 0 : i32
      %lt3A_102 = arith.cmpi slt, %select_n3A_96, %lt3A_101 : i32
      %ne3A_103 = arith.xori %lt3A_100, %lt3A_102 : i1
      %and3A_104 = arith.andi %ne3A_103, %ne3A_99 : i1
      %add3A_105 = arith.addi %rem3A_97, %select_n3A_96 : i32
      %select_n3A_106 = arith.select %and3A_104, %add3A_105, %rem3A_97 : i32
      %mul3A_107 = arith.constant 16 : i32
      %mul3A_108 = arith.muli %select_n3A_106, %mul3A_107 : i32
      %broadcast_in_dim3A = arith.constant 0.000000e+00 : f32
      %broadcast_in_dim3A_109 = vector.broadcast %broadcast_in_dim3A : f32 to vector<16xf32>
      %swap3A = arith.index_cast %select_n3A : i32 to index
      %swap3A_110 = arith.index_cast %mul3A_108 : i32 to index
      %swap3A_111 = tpu.vector_load %arg8[%swap3A, %swap3A_110] {strides = array<i32>} : memref<128x128xf32, #tpu.memory_space<vmem>>, vector<1x16xf32>,
      %swap3A_112 = vector.shape_cast %swap3A_111 : vector<1x16xf32> to vector<16xf32>
      %swap3A_113 = vector.shape_cast %broadcast_in_dim3A_109 : vector<16xf32> to vector<1x16xf32>
      tpu.vector_store %arg8[%swap3A, %swap3A_110], %swap3A_113 {strides = array<i32>} : memref<128x128xf32, #tpu.memory_space<vmem>>, vector<1x16xf32>,
      %scan3A_114 = arith.constant 0 : i32
      scf.yield %scan3A_114 : i32
    }
    %scan3A_6 = arith.constant 1024 : i32
    %mul3A_7 = arith.constant 640 : i32
    %mul3A_8 = arith.muli %arg1, %mul3A_7 : i32
    %add3A_9 = arith.constant 0 : i32
    %add3A_10 = arith.addi %mul3A_8, %add3A_9 : i32
    "tpu.region"() ({
      %run_scoped3A = tpu.sem_alloc : memref<!tpu.dma_semaphore, #tpu.memory_space<semaphore_mem>>
      %dma_start3A_75 = arith.constant 0 : i32
      %dma_start3A_76 = tpu.memref_slice %arg10[%add3A_10, %dma_start3A_75] : memref<10240x128xf32, #tpu.memory_space<vmem_shared>> -> memref<128x128xf32, #tpu.memory_space<vmem_shared>>
      %dma_start3A_77 = arith.constant 0 : i32
      %dma_start3A_78 = tpu.memref_slice %arg10[%add3A_10, %dma_start3A_77] : memref<10240x128xf32, #tpu.memory_space<vmem_shared>> -> memref<128x128xf32, #tpu.memory_space<vmem_shared>>
      tpu.enqueue_dma source(%arg8 : memref<128x128xf32, #tpu.memory_space<vmem>>) target(%dma_start3A_78 : memref<128x128xf32, #tpu.memory_space<vmem_shared>>) target_semaphore(%run_scoped3A : memref<!tpu.dma_semaphore, #tpu.memory_space<semaphore_mem>>)
      %dma_wait3A = arith.constant 0 : i32
      %dma_wait3A_79 = tpu.memref_slice %arg10[%add3A_10, %dma_wait3A] : memref<10240x128xf32, #tpu.memory_space<vmem_shared>> -> memref<128x128xf32, #tpu.memory_space<vmem_shared>>
      %dma_wait3A_80 = arith.constant 0 : i32
      %dma_wait3A_81 = tpu.memref_slice %arg10[%add3A_10, %dma_wait3A_80] : memref<10240x128xf32, #tpu.memory_space<vmem_shared>> -> memref<128x128xf32, #tpu.memory_space<vmem_shared>>
      tpu.wait_dma2 semaphore(%run_scoped3A : memref<!tpu.dma_semaphore, #tpu.memory_space<semaphore_mem>>) src(%arg8 : memref<128x128xf32, #tpu.memory_space<vmem>>) dst(%dma_wait3A_81 : memref<128x128xf32, #tpu.memory_space<vmem_shared>>)
      tpu.yield
    }) : () -> ()
    %mul3A_11 = arith.constant 640 : i32
    %mul3A_12 = arith.muli %arg1, %mul3A_11 : i32
    %add3A_13 = arith.constant 128 : i32
    %add3A_14 = arith.addi %mul3A_12, %add3A_13 : i32
    "tpu.region"() ({
      %run_scoped3A = tpu.sem_alloc : memref<!tpu.dma_semaphore, #tpu.memory_space<semaphore_mem>>
      %dma_start3A_75 = arith.constant 0 : i32
      %dma_start3A_76 = tpu.memref_slice %arg10[%add3A_14, %dma_start3A_75] : memref<10240x128xf32, #tpu.memory_space<vmem_shared>> -> memref<128x128xf32, #tpu.memory_space<vmem_shared>>
      %dma_start3A_77 = arith.constant 0 : i32
      %dma_start3A_78 = tpu.memref_slice %arg10[%add3A_14, %dma_start3A_77] : memref<10240x128xf32, #tpu.memory_space<vmem_shared>> -> memref<128x128xf32, #tpu.memory_space<vmem_shared>>
      tpu.enqueue_dma source(%arg8 : memref<128x128xf32, #tpu.memory_space<vmem>>) target(%dma_start3A_78 : memref<128x128xf32, #tpu.memory_space<vmem_shared>>) target_semaphore(%run_scoped3A : memref<!tpu.dma_semaphore, #tpu.memory_space<semaphore_mem>>)
      %dma_wait3A = arith.constant 0 : i32
      %dma_wait3A_79 = tpu.memref_slice %arg10[%add3A_14, %dma_wait3A] : memref<10240x128xf32, #tpu.memory_space<vmem_shared>> -> memref<128x128xf32, #tpu.memory_space<vmem_shared>>
      %dma_wait3A_80 = arith.constant 0 : i32
      %dma_wait3A_81 = tpu.memref_slice %arg10[%add3A_14, %dma_wait3A_80] : memref<10240x128xf32, #tpu.memory_space<vmem_shared>> -> memref<128x128xf32, #tpu.memory_space<vmem_shared>>
      tpu.wait_dma2 semaphore(%run_scoped3A : memref<!tpu.dma_semaphore, #tpu.memory_space<semaphore_mem>>) src(%arg8 : memref<128x128xf32, #tpu.memory_space<vmem>>) dst(%dma_wait3A_81 : memref<128x128xf32, #tpu.memory_space<vmem_shared>>)
      tpu.yield
    }) : () -> ()
    %mul3A_15 = arith.constant 640 : i32
    %mul3A_16 = arith.muli %arg1, %mul3A_15 : i32
    %add3A_17 = arith.constant 256 : i32
    %add3A_18 = arith.addi %mul3A_16, %add3A_17 : i32
    "tpu.region"() ({
      %run_scoped3A = tpu.sem_alloc : memref<!tpu.dma_semaphore, #tpu.memory_space<semaphore_mem>>
      %dma_start3A_75 = arith.constant 0 : i32
      %dma_start3A_76 = tpu.memref_slice %arg10[%add3A_18, %dma_start3A_75] : memref<10240x128xf32, #tpu.memory_space<vmem_shared>> -> memref<128x128xf32, #tpu.memory_space<vmem_shared>>
      %dma_start3A_77 = arith.constant 0 : i32
      %dma_start3A_78 = tpu.memref_slice %arg10[%add3A_18, %dma_start3A_77] : memref<10240x128xf32, #tpu.memory_space<vmem_shared>> -> memref<128x128xf32, #tpu.memory_space<vmem_shared>>
      tpu.enqueue_dma source(%arg8 : memref<128x128xf32, #tpu.memory_space<vmem>>) target(%dma_start3A_78 : memref<128x128xf32, #tpu.memory_space<vmem_shared>>) target_semaphore(%run_scoped3A : memref<!tpu.dma_semaphore, #tpu.memory_space<semaphore_mem>>)
      %dma_wait3A = arith.constant 0 : i32
      %dma_wait3A_79 = tpu.memref_slice %arg10[%add3A_18, %dma_wait3A] : memref<10240x128xf32, #tpu.memory_space<vmem_shared>> -> memref<128x128xf32, #tpu.memory_space<vmem_shared>>
      %dma_wait3A_80 = arith.constant 0 : i32
      %dma_wait3A_81 = tpu.memref_slice %arg10[%add3A_18, %dma_wait3A_80] : memref<10240x128xf32, #tpu.memory_space<vmem_shared>> -> memref<128x128xf32, #tpu.memory_space<vmem_shared>>
      tpu.wait_dma2 semaphore(%run_scoped3A : memref<!tpu.dma_semaphore, #tpu.memory_space<semaphore_mem>>) src(%arg8 : memref<128x128xf32, #tpu.memory_space<vmem>>) dst(%dma_wait3A_81 : memref<128x128xf32, #tpu.memory_space<vmem_shared>>)
      tpu.yield
    }) : () -> ()
    %mul3A_19 = arith.constant 640 : i32
    %mul3A_20 = arith.muli %arg1, %mul3A_19 : i32
    %add3A_21 = arith.constant 384 : i32
    %add3A_22 = arith.addi %mul3A_20, %add3A_21 : i32
    "tpu.region"() ({
      %run_scoped3A = tpu.sem_alloc : memref<!tpu.dma_semaphore, #tpu.memory_space<semaphore_mem>>
      %dma_start3A_75 = arith.constant 0 : i32
      %dma_start3A_76 = tpu.memref_slice %arg10[%add3A_22, %dma_start3A_75] : memref<10240x128xf32, #tpu.memory_space<vmem_shared>> -> memref<128x128xf32, #tpu.memory_space<vmem_shared>>
      %dma_start3A_77 = arith.constant 0 : i32
      %dma_start3A_78 = tpu.memref_slice %arg10[%add3A_22, %dma_start3A_77] : memref<10240x128xf32, #tpu.memory_space<vmem_shared>> -> memref<128x128xf32, #tpu.memory_space<vmem_shared>>
      tpu.enqueue_dma source(%arg8 : memref<128x128xf32, #tpu.memory_space<vmem>>) target(%dma_start3A_78 : memref<128x128xf32, #tpu.memory_space<vmem_shared>>) target_semaphore(%run_scoped3A : memref<!tpu.dma_semaphore, #tpu.memory_space<semaphore_mem>>)
      %dma_wait3A = arith.constant 0 : i32
      %dma_wait3A_79 = tpu.memref_slice %arg10[%add3A_22, %dma_wait3A] : memref<10240x128xf32, #tpu.memory_space<vmem_shared>> -> memref<128x128xf32, #tpu.memory_space<vmem_shared>>
      %dma_wait3A_80 = arith.constant 0 : i32
      %dma_wait3A_81 = tpu.memref_slice %arg10[%add3A_22, %dma_wait3A_80] : memref<10240x128xf32, #tpu.memory_space<vmem_shared>> -> memref<128x128xf32, #tpu.memory_space<vmem_shared>>
      tpu.wait_dma2 semaphore(%run_scoped3A : memref<!tpu.dma_semaphore, #tpu.memory_space<semaphore_mem>>) src(%arg8 : memref<128x128xf32, #tpu.memory_space<vmem>>) dst(%dma_wait3A_81 : memref<128x128xf32, #tpu.memory_space<vmem_shared>>)
      tpu.yield
    }) : () -> ()
    %mul3A_23 = arith.constant 640 : i32
    %mul3A_24 = arith.muli %arg1, %mul3A_23 : i32
    %add3A_25 = arith.constant 512 : i32
    %add3A_26 = arith.addi %mul3A_24, %add3A_25 : i32
    "tpu.region"() ({
      %run_scoped3A = tpu.sem_alloc : memref<!tpu.dma_semaphore, #tpu.memory_space<semaphore_mem>>
      %dma_start3A_75 = arith.constant 0 : i32
      %dma_start3A_76 = tpu.memref_slice %arg10[%add3A_26, %dma_start3A_75] : memref<10240x128xf32, #tpu.memory_space<vmem_shared>> -> memref<128x128xf32, #tpu.memory_space<vmem_shared>>
      %dma_start3A_77 = arith.constant 0 : i32
      %dma_start3A_78 = tpu.memref_slice %arg10[%add3A_26, %dma_start3A_77] : memref<10240x128xf32, #tpu.memory_space<vmem_shared>> -> memref<128x128xf32, #tpu.memory_space<vmem_shared>>
      tpu.enqueue_dma source(%arg8 : memref<128x128xf32, #tpu.memory_space<vmem>>) target(%dma_start3A_78 : memref<128x128xf32, #tpu.memory_space<vmem_shared>>) target_semaphore(%run_scoped3A : memref<!tpu.dma_semaphore, #tpu.memory_space<semaphore_mem>>)
      %dma_wait3A = arith.constant 0 : i32
      %dma_wait3A_79 = tpu.memref_slice %arg10[%add3A_26, %dma_wait3A] : memref<10240x128xf32, #tpu.memory_space<vmem_shared>> -> memref<128x128xf32, #tpu.memory_space<vmem_shared>>
      %dma_wait3A_80 = arith.constant 0 : i32
      %dma_wait3A_81 = tpu.memref_slice %arg10[%add3A_26, %dma_wait3A_80] : memref<10240x128xf32, #tpu.memory_space<vmem_shared>> -> memref<128x128xf32, #tpu.memory_space<vmem_shared>>
      tpu.wait_dma2 semaphore(%run_scoped3A : memref<!tpu.dma_semaphore, #tpu.memory_space<semaphore_mem>>) src(%arg8 : memref<128x128xf32, #tpu.memory_space<vmem>>) dst(%dma_wait3A_81 : memref<128x128xf32, #tpu.memory_space<vmem_shared>>)
      tpu.yield
    }) : () -> ()
    %barrier3A = arith.constant 0 : index
    tpu.barrier barrier_id(%barrier3A)
    %mul3A_27 = arith.constant 80 : i32
    %mul3A_28 = arith.muli %add3A, %mul3A_27 : i32
    %add3A_29 = arith.constant 0 : i32
    %add3A_30 = arith.addi %mul3A_28, %add3A_29 : i32
    "tpu.region"() ({
      %run_scoped3A = tpu.sem_alloc : memref<!tpu.dma_semaphore, #tpu.memory_space<semaphore_mem>>
      %dma_start3A_75 = arith.constant 0 : i32
      %dma_start3A_76 = tpu.memref_slice %arg2[%add3A_30, %dma_start3A_75] : memref<2560x128xi32, #tpu.memory_space<hbm>> -> memref<40x128xi32, #tpu.memory_space<hbm>>
      %dma_start3A_77 = arith.constant 0 : i32
      %dma_start3A_78 = tpu.memref_slice %arg2[%add3A_30, %dma_start3A_77] : memref<2560x128xi32, #tpu.memory_space<hbm>> -> memref<40x128xi32, #tpu.memory_space<hbm>>
      tpu.enqueue_dma source(%dma_start3A_78 : memref<40x128xi32, #tpu.memory_space<hbm>>) target(%arg6 : memref<40x128xi32, #tpu.memory_space<vmem>>) target_semaphore(%run_scoped3A : memref<!tpu.dma_semaphore, #tpu.memory_space<semaphore_mem>>)
      %dma_wait3A = arith.constant 0 : i32
      %dma_wait3A_79 = tpu.memref_slice %arg2[%add3A_30, %dma_wait3A] : memref<2560x128xi32, #tpu.memory_space<hbm>> -> memref<40x128xi32, #tpu.memory_space<hbm>>
      %dma_wait3A_80 = arith.constant 0 : i32
      %dma_wait3A_81 = tpu.memref_slice %arg2[%add3A_30, %dma_wait3A_80] : memref<2560x128xi32, #tpu.memory_space<hbm>> -> memref<40x128xi32, #tpu.memory_space<hbm>>
      tpu.wait_dma2 semaphore(%run_scoped3A : memref<!tpu.dma_semaphore, #tpu.memory_space<semaphore_mem>>) src(%dma_wait3A_81 : memref<40x128xi32, #tpu.memory_space<hbm>>) dst(%arg6 : memref<40x128xi32, #tpu.memory_space<vmem>>)
      tpu.yield
    }) : () -> ()
    %mul3A_31 = arith.constant 80 : i32
    %mul3A_32 = arith.muli %add3A, %mul3A_31 : i32
    %add3A_33 = arith.constant 0 : i32
    %add3A_34 = arith.addi %mul3A_32, %add3A_33 : i32
    "tpu.region"() ({
      %run_scoped3A = tpu.sem_alloc : memref<!tpu.dma_semaphore, #tpu.memory_space<semaphore_mem>>
      %dma_start3A_75 = arith.constant 0 : i32
      %dma_start3A_76 = tpu.memref_slice %arg3[%add3A_34, %dma_start3A_75] : memref<2560x128xi32, #tpu.memory_space<hbm>> -> memref<40x128xi32, #tpu.memory_space<hbm>>
      %dma_start3A_77 = arith.constant 0 : i32
      %dma_start3A_78 = tpu.memref_slice %arg3[%add3A_34, %dma_start3A_77] : memref<2560x128xi32, #tpu.memory_space<hbm>> -> memref<40x128xi32, #tpu.memory_space<hbm>>
      tpu.enqueue_dma source(%dma_start3A_78 : memref<40x128xi32, #tpu.memory_space<hbm>>) target(%arg7 : memref<40x128xi32, #tpu.memory_space<vmem>>) target_semaphore(%run_scoped3A : memref<!tpu.dma_semaphore, #tpu.memory_space<semaphore_mem>>)
      %dma_wait3A = arith.constant 0 : i32
      %dma_wait3A_79 = tpu.memref_slice %arg3[%add3A_34, %dma_wait3A] : memref<2560x128xi32, #tpu.memory_space<hbm>> -> memref<40x128xi32, #tpu.memory_space<hbm>>
      %dma_wait3A_80 = arith.constant 0 : i32
      %dma_wait3A_81 = tpu.memref_slice %arg3[%add3A_34, %dma_wait3A_80] : memref<2560x128xi32, #tpu.memory_space<hbm>> -> memref<40x128xi32, #tpu.memory_space<hbm>>
      tpu.wait_dma2 semaphore(%run_scoped3A : memref<!tpu.dma_semaphore, #tpu.memory_space<semaphore_mem>>) src(%dma_wait3A_81 : memref<40x128xi32, #tpu.memory_space<hbm>>) dst(%arg7 : memref<40x128xi32, #tpu.memory_space<vmem>>)
      tpu.yield
    }) : () -> ()
    %dma_start3A = arith.constant 0 : i32
    %dma_start3A_35 = arith.constant 0 : i32
    %dma_start3A_36 = tpu.memref_slice %arg6[%dma_start3A, %dma_start3A_35] : memref<40x128xi32, #tpu.memory_space<vmem>> -> memref<1x128xi32, #tpu.memory_space<vmem>>
    %dma_start3A_37 = tpu.memref_squeeze %dma_start3A_36 : memref<1x128xi32, #tpu.memory_space<vmem>> -> memref<128xi32, #tpu.memory_space<vmem>>
    %dma_start3A_38 = arith.constant 0 : i32
    %dma_start3A_39 = arith.constant 0 : i32
    %dma_start3A_40 = tpu.memref_slice %arg4[%dma_start3A_38, %dma_start3A_39] : memref<10000x128xf32, #tpu.memory_space<hbm>> -> memref<10000x128xf32, #tpu.memory_space<hbm>>
    tpu.enqueue_indirect_dma source(%dma_start3A_40 : memref<10000x128xf32, #tpu.memory_space<hbm>>) target(%arg8 : memref<128x128xf32, #tpu.memory_space<vmem>>) offsets(%dma_start3A_37 : memref<128xi32, #tpu.memory_space<vmem>>) semaphore(%arg11 : memref<!tpu.dma_semaphore, #tpu.memory_space<semaphore_mem>>)
    %scan3A_41 = arith.constant 0 : i32
    %scan3A_42 = arith.constant 0 : i32
    %scan3A_43 = arith.constant 20 : i32
    %scan3A_44 = arith.addi %scan3A_42, %scan3A_43 : i32
    %scan3A_45 = arith.constant 1 : i32
    %scan3A_46 = scf.for %scan3A_75 = %scan3A_42 to %scan3A_44 step %scan3A_45 iter_args(%scan3A_76 = %scan3A_41) -> (i32)  : i32 {
      %mul3A_77 = arith.constant 2 : i32
      %mul3A_78 = arith.muli %mul3A_77, %scan3A_75 : i32
      %add3A_79 = arith.constant 1 : i32
      %add3A_80 = arith.addi %mul3A_78, %add3A_79 : i32
      %dma_start3A_81 = arith.constant 0 : i32
      %dma_start3A_82 = tpu.memref_slice %arg6[%add3A_80, %dma_start3A_81] : memref<40x128xi32, #tpu.memory_space<vmem>> -> memref<1x128xi32, #tpu.memory_space<vmem>>
      %dma_start3A_83 = tpu.memref_squeeze %dma_start3A_82 : memref<1x128xi32, #tpu.memory_space<vmem>> -> memref<128xi32, #tpu.memory_space<vmem>>
      %dma_start3A_84 = arith.constant 0 : i32
      %dma_start3A_85 = arith.constant 0 : i32
      %dma_start3A_86 = tpu.memref_slice %arg4[%dma_start3A_84, %dma_start3A_85] : memref<10000x128xf32, #tpu.memory_space<hbm>> -> memref<10000x128xf32, #tpu.memory_space<hbm>>
      tpu.enqueue_indirect_dma source(%dma_start3A_86 : memref<10000x128xf32, #tpu.memory_space<hbm>>) target(%arg9 : memref<128x128xf32, #tpu.memory_space<vmem>>) offsets(%dma_start3A_83 : memref<128xi32, #tpu.memory_space<vmem>>) semaphore(%arg12 : memref<!tpu.dma_semaphore, #tpu.memory_space<semaphore_mem>>)
      %dma_wait3A = arith.constant 0 : i32
      %dma_wait3A_87 = arith.constant 0 : i32
      %dma_wait3A_88 = tpu.memref_slice %arg6[%dma_wait3A, %dma_wait3A_87] : memref<40x128xi32, #tpu.memory_space<vmem>> -> memref<1x128xi32, #tpu.memory_space<vmem>>
      %dma_wait3A_89 = tpu.memref_squeeze %dma_wait3A_88 : memref<1x128xi32, #tpu.memory_space<vmem>> -> memref<128xi32, #tpu.memory_space<vmem>>
      %dma_wait3A_90 = arith.constant 0 : i32
      %dma_wait3A_91 = arith.constant 0 : i32
      %dma_wait3A_92 = tpu.memref_slice %arg4[%dma_wait3A_90, %dma_wait3A_91] : memref<10000x128xf32, #tpu.memory_space<hbm>> -> memref<10000x128xf32, #tpu.memory_space<hbm>>
      tpu.wait_indirect_dma semaphore(%arg11 : memref<!tpu.dma_semaphore, #tpu.memory_space<semaphore_mem>>) src(%dma_wait3A_92 : memref<10000x128xf32, #tpu.memory_space<hbm>>) dst(%arg8 : memref<128x128xf32, #tpu.memory_space<vmem>>)
      "tpu.region"() ({
        %run_scoped3A = tpu.sem_alloc : memref<!tpu.dma_semaphore, #tpu.memory_space<semaphore_mem>>
        %dma_start3A_107 = arith.constant 0 : i32
        %dma_start3A_108 = tpu.memref_slice %arg7[%mul3A_78, %dma_start3A_107] : memref<40x128xi32, #tpu.memory_space<vmem>> -> memref<1x128xi32, #tpu.memory_space<vmem>>
        %dma_start3A_109 = tpu.memref_squeeze %dma_start3A_108 : memref<1x128xi32, #tpu.memory_space<vmem>> -> memref<128xi32, #tpu.memory_space<vmem>>
        %dma_start3A_110 = arith.constant 0 : i32
        %dma_start3A_111 = arith.constant 0 : i32
        %dma_start3A_112 = tpu.memref_slice %arg10[%dma_start3A_110, %dma_start3A_111] : memref<10240x128xf32, #tpu.memory_space<vmem_shared>> -> memref<10240x128xf32, #tpu.memory_space<vmem_shared>>
        tpu.enqueue_indirect_dma source(%arg8 : memref<128x128xf32, #tpu.memory_space<vmem>>) target(%dma_start3A_112 : memref<10240x128xf32, #tpu.memory_space<vmem_shared>>) offsets(%dma_start3A_109 : memref<128xi32, #tpu.memory_space<vmem>>) semaphore(%run_scoped3A : memref<!tpu.dma_semaphore, #tpu.memory_space<semaphore_mem>>) {add = true}
        %dma_wait3A_113 = arith.constant 0 : i32
        %dma_wait3A_114 = tpu.memref_slice %arg7[%mul3A_78, %dma_wait3A_113] : memref<40x128xi32, #tpu.memory_space<vmem>> -> memref<1x128xi32, #tpu.memory_space<vmem>>
        %dma_wait3A_115 = tpu.memref_squeeze %dma_wait3A_114 : memref<1x128xi32, #tpu.memory_space<vmem>> -> memref<128xi32, #tpu.memory_space<vmem>>
        %dma_wait3A_116 = arith.constant 0 : i32
        %dma_wait3A_117 = arith.constant 0 : i32
        %dma_wait3A_118 = tpu.memref_slice %arg10[%dma_wait3A_116, %dma_wait3A_117] : memref<10240x128xf32, #tpu.memory_space<vmem_shared>> -> memref<10240x128xf32, #tpu.memory_space<vmem_shared>>
        tpu.wait_indirect_dma semaphore(%run_scoped3A : memref<!tpu.dma_semaphore, #tpu.memory_space<semaphore_mem>>) src(%arg8 : memref<128x128xf32, #tpu.memory_space<vmem>>) dst(%dma_wait3A_118 : memref<10240x128xf32, #tpu.memory_space<vmem_shared>>)
        tpu.yield
      }) : () -> ()
      %add3A_93 = arith.constant 2 : i32
      %add3A_94 = arith.addi %mul3A_78, %add3A_93 : i32
      %lt3A = arith.constant 40 : i32
      %lt3A_95 = arith.cmpi slt, %add3A_94, %lt3A : i32
      %convert_element_type3A = arith.extui %lt3A_95 : i1 to i32
      %cond3A = arith.constant 0 : i32
      %cond3A_96 = arith.cmpi ne, %convert_element_type3A, %cond3A : i32
      scf.if %cond3A_96 {
        %add3A_107 = arith.constant 2 : i32
        %add3A_108 = arith.addi %mul3A_78, %add3A_107 : i32
        %dma_start3A_109 = arith.constant 0 : i32
        %dma_start3A_110 = tpu.memref_slice %arg6[%add3A_108, %dma_start3A_109] : memref<40x128xi32, #tpu.memory_space<vmem>> -> memref<1x128xi32, #tpu.memory_space<vmem>>
        %dma_start3A_111 = tpu.memref_squeeze %dma_start3A_110 : memref<1x128xi32, #tpu.memory_space<vmem>> -> memref<128xi32, #tpu.memory_space<vmem>>
        %dma_start3A_112 = arith.constant 0 : i32
        %dma_start3A_113 = arith.constant 0 : i32
        %dma_start3A_114 = tpu.memref_slice %arg4[%dma_start3A_112, %dma_start3A_113] : memref<10000x128xf32, #tpu.memory_space<hbm>> -> memref<10000x128xf32, #tpu.memory_space<hbm>>
        tpu.enqueue_indirect_dma source(%dma_start3A_114 : memref<10000x128xf32, #tpu.memory_space<hbm>>) target(%arg8 : memref<128x128xf32, #tpu.memory_space<vmem>>) offsets(%dma_start3A_111 : memref<128xi32, #tpu.memory_space<vmem>>) semaphore(%arg11 : memref<!tpu.dma_semaphore, #tpu.memory_space<semaphore_mem>>)
      } else {
      }
      %dma_wait3A_97 = arith.constant 0 : i32
      %dma_wait3A_98 = arith.constant 0 : i32
      %dma_wait3A_99 = tpu.memref_slice %arg6[%dma_wait3A_97, %dma_wait3A_98] : memref<40x128xi32, #tpu.memory_space<vmem>> -> memref<1x128xi32, #tpu.memory_space<vmem>>
      %dma_wait3A_100 = tpu.memref_squeeze %dma_wait3A_99 : memref<1x128xi32, #tpu.memory_space<vmem>> -> memref<128xi32, #tpu.memory_space<vmem>>
      %dma_wait3A_101 = arith.constant 0 : i32
      %dma_wait3A_102 = arith.constant 0 : i32
      %dma_wait3A_103 = tpu.memref_slice %arg4[%dma_wait3A_101, %dma_wait3A_102] : memref<10000x128xf32, #tpu.memory_space<hbm>> -> memref<10000x128xf32, #tpu.memory_space<hbm>>
      tpu.wait_indirect_dma semaphore(%arg12 : memref<!tpu.dma_semaphore, #tpu.memory_space<semaphore_mem>>) src(%dma_wait3A_103 : memref<10000x128xf32, #tpu.memory_space<hbm>>) dst(%arg9 : memref<128x128xf32, #tpu.memory_space<vmem>>)
      %add3A_104 = arith.constant 1 : i32
      %add3A_105 = arith.addi %mul3A_78, %add3A_104 : i32
      "tpu.region"() ({
        %run_scoped3A = tpu.sem_alloc : memref<!tpu.dma_semaphore, #tpu.memory_space<semaphore_mem>>
        %dma_start3A_107 = arith.constant 0 : i32
        %dma_start3A_108 = tpu.memref_slice %arg7[%add3A_105, %dma_start3A_107] : memref<40x128xi32, #tpu.memory_space<vmem>> -> memref<1x128xi32, #tpu.memory_space<vmem>>
        %dma_start3A_109 = tpu.memref_squeeze %dma_start3A_108 : memref<1x128xi32, #tpu.memory_space<vmem>> -> memref<128xi32, #tpu.memory_space<vmem>>
        %dma_start3A_110 = arith.constant 0 : i32
        %dma_start3A_111 = arith.constant 0 : i32
        %dma_start3A_112 = tpu.memref_slice %arg10[%dma_start3A_110, %dma_start3A_111] : memref<10240x128xf32, #tpu.memory_space<vmem_shared>> -> memref<10240x128xf32, #tpu.memory_space<vmem_shared>>
        tpu.enqueue_indirect_dma source(%arg9 : memref<128x128xf32, #tpu.memory_space<vmem>>) target(%dma_start3A_112 : memref<10240x128xf32, #tpu.memory_space<vmem_shared>>) offsets(%dma_start3A_109 : memref<128xi32, #tpu.memory_space<vmem>>) semaphore(%run_scoped3A : memref<!tpu.dma_semaphore, #tpu.memory_space<semaphore_mem>>) {add = true}
        %dma_wait3A_113 = arith.constant 0 : i32
        %dma_wait3A_114 = tpu.memref_slice %arg7[%add3A_105, %dma_wait3A_113] : memref<40x128xi32, #tpu.memory_space<vmem>> -> memref<1x128xi32, #tpu.memory_space<vmem>>
        %dma_wait3A_115 = tpu.memref_squeeze %dma_wait3A_114 : memref<1x128xi32, #tpu.memory_space<vmem>> -> memref<128xi32, #tpu.memory_space<vmem>>
        %dma_wait3A_116 = arith.constant 0 : i32
        %dma_wait3A_117 = arith.constant 0 : i32
        %dma_wait3A_118 = tpu.memref_slice %arg10[%dma_wait3A_116, %dma_wait3A_117] : memref<10240x128xf32, #tpu.memory_space<vmem_shared>> -> memref<10240x128xf32, #tpu.memory_space<vmem_shared>>
        tpu.wait_indirect_dma semaphore(%run_scoped3A : memref<!tpu.dma_semaphore, #tpu.memory_space<semaphore_mem>>) src(%arg9 : memref<128x128xf32, #tpu.memory_space<vmem>>) dst(%dma_wait3A_118 : memref<10240x128xf32, #tpu.memory_space<vmem_shared>>)
        tpu.yield
      }) : () -> ()
      %scan3A_106 = arith.constant 0 : i32
      scf.yield %scan3A_106 : i32
    }
    %scan3A_47 = arith.constant 20 : i32
    %mul3A_48 = arith.constant 80 : i32
    %mul3A_49 = arith.muli %add3A, %mul3A_48 : i32
    %add3A_50 = arith.constant 40 : i32
    %add3A_51 = arith.addi %mul3A_49, %add3A_50 : i32
    "tpu.region"() ({
      %run_scoped3A = tpu.sem_alloc : memref<!tpu.dma_semaphore, #tpu.memory_space<semaphore_mem>>
      %dma_start3A_75 = arith.constant 0 : i32
      %dma_start3A_76 = tpu.memref_slice %arg2[%add3A_51, %dma_start3A_75] : memref<2560x128xi32, #tpu.memory_space<hbm>> -> memref<40x128xi32, #tpu.memory_space<hbm>>
      %dma_start3A_77 = arith.constant 0 : i32
      %dma_start3A_78 = tpu.memref_slice %arg2[%add3A_51, %dma_start3A_77] : memref<2560x128xi32, #tpu.memory_space<hbm>> -> memref<40x128xi32, #tpu.memory_space<hbm>>
      tpu.enqueue_dma source(%dma_start3A_78 : memref<40x128xi32, #tpu.memory_space<hbm>>) target(%arg6 : memref<40x128xi32, #tpu.memory_space<vmem>>) target_semaphore(%run_scoped3A : memref<!tpu.dma_semaphore, #tpu.memory_space<semaphore_mem>>)
      %dma_wait3A = arith.constant 0 : i32
      %dma_wait3A_79 = tpu.memref_slice %arg2[%add3A_51, %dma_wait3A] : memref<2560x128xi32, #tpu.memory_space<hbm>> -> memref<40x128xi32, #tpu.memory_space<hbm>>
      %dma_wait3A_80 = arith.constant 0 : i32
      %dma_wait3A_81 = tpu.memref_slice %arg2[%add3A_51, %dma_wait3A_80] : memref<2560x128xi32, #tpu.memory_space<hbm>> -> memref<40x128xi32, #tpu.memory_space<hbm>>
      tpu.wait_dma2 semaphore(%run_scoped3A : memref<!tpu.dma_semaphore, #tpu.memory_space<semaphore_mem>>) src(%dma_wait3A_81 : memref<40x128xi32, #tpu.memory_space<hbm>>) dst(%arg6 : memref<40x128xi32, #tpu.memory_space<vmem>>)
      tpu.yield
    }) : () -> ()
    %mul3A_52 = arith.constant 80 : i32
    %mul3A_53 = arith.muli %add3A, %mul3A_52 : i32
    %add3A_54 = arith.constant 40 : i32
    %add3A_55 = arith.addi %mul3A_53, %add3A_54 : i32
    "tpu.region"() ({
      %run_scoped3A = tpu.sem_alloc : memref<!tpu.dma_semaphore, #tpu.memory_space<semaphore_mem>>
      %dma_start3A_75 = arith.constant 0 : i32
      %dma_start3A_76 = tpu.memref_slice %arg3[%add3A_55, %dma_start3A_75] : memref<2560x128xi32, #tpu.memory_space<hbm>> -> memref<40x128xi32, #tpu.memory_space<hbm>>
      %dma_start3A_77 = arith.constant 0 : i32
      %dma_start3A_78 = tpu.memref_slice %arg3[%add3A_55, %dma_start3A_77] : memref<2560x128xi32, #tpu.memory_space<hbm>> -> memref<40x128xi32, #tpu.memory_space<hbm>>
      tpu.enqueue_dma source(%dma_start3A_78 : memref<40x128xi32, #tpu.memory_space<hbm>>) target(%arg7 : memref<40x128xi32, #tpu.memory_space<vmem>>) target_semaphore(%run_scoped3A : memref<!tpu.dma_semaphore, #tpu.memory_space<semaphore_mem>>)
      %dma_wait3A = arith.constant 0 : i32
      %dma_wait3A_79 = tpu.memref_slice %arg3[%add3A_55, %dma_wait3A] : memref<2560x128xi32, #tpu.memory_space<hbm>> -> memref<40x128xi32, #tpu.memory_space<hbm>>
      %dma_wait3A_80 = arith.constant 0 : i32
      %dma_wait3A_81 = tpu.memref_slice %arg3[%add3A_55, %dma_wait3A_80] : memref<2560x128xi32, #tpu.memory_space<hbm>> -> memref<40x128xi32, #tpu.memory_space<hbm>>
      tpu.wait_dma2 semaphore(%run_scoped3A : memref<!tpu.dma_semaphore, #tpu.memory_space<semaphore_mem>>) src(%dma_wait3A_81 : memref<40x128xi32, #tpu.memory_space<hbm>>) dst(%arg7 : memref<40x128xi32, #tpu.memory_space<vmem>>)
      tpu.yield
    }) : () -> ()
    %dma_start3A_56 = arith.constant 0 : i32
    %dma_start3A_57 = arith.constant 0 : i32
    %dma_start3A_58 = tpu.memref_slice %arg6[%dma_start3A_56, %dma_start3A_57] : memref<40x128xi32, #tpu.memory_space<vmem>> -> memref<1x128xi32, #tpu.memory_space<vmem>>
    %dma_start3A_59 = tpu.memref_squeeze %dma_start3A_58 : memref<1x128xi32, #tpu.memory_space<vmem>> -> memref<128xi32, #tpu.memory_space<vmem>>
    %dma_start3A_60 = arith.constant 0 : i32
    %dma_start3A_61 = arith.constant 0 : i32
    %dma_start3A_62 = tpu.memref_slice %arg4[%dma_start3A_60, %dma_start3A_61] : memref<10000x128xf32, #tpu.memory_space<hbm>> -> memref<10000x128xf32, #tpu.memory_space<hbm>>
    tpu.enqueue_indirect_dma source(%dma_start3A_62 : memref<10000x128xf32, #tpu.memory_space<hbm>>) target(%arg8 : memref<128x128xf32, #tpu.memory_space<vmem>>) offsets(%dma_start3A_59 : memref<128xi32, #tpu.memory_space<vmem>>) semaphore(%arg11 : memref<!tpu.dma_semaphore, #tpu.memory_space<semaphore_mem>>)
    %scan3A_63 = arith.constant 0 : i32
    %scan3A_64 = arith.constant 0 : i32
    %scan3A_65 = arith.constant 20 : i32
    %scan3A_66 = arith.addi %scan3A_64, %scan3A_65 : i32
    %scan3A_67 = arith.constant 1 : i32
    %scan3A_68 = scf.for %scan3A_75 = %scan3A_64 to %scan3A_66 step %scan3A_67 iter_args(%scan3A_76 = %scan3A_63) -> (i32)  : i32 {
      %mul3A_77 = arith.constant 2 : i32
      %mul3A_78 = arith.muli %mul3A_77, %scan3A_75 : i32
      %add3A_79 = arith.constant 1 : i32
      %add3A_80 = arith.addi %mul3A_78, %add3A_79 : i32
      %dma_start3A_81 = arith.constant 0 : i32
      %dma_start3A_82 = tpu.memref_slice %arg6[%add3A_80, %dma_start3A_81] : memref<40x128xi32, #tpu.memory_space<vmem>> -> memref<1x128xi32, #tpu.memory_space<vmem>>
      %dma_start3A_83 = tpu.memref_squeeze %dma_start3A_82 : memref<1x128xi32, #tpu.memory_space<vmem>> -> memref<128xi32, #tpu.memory_space<vmem>>
      %dma_start3A_84 = arith.constant 0 : i32
      %dma_start3A_85 = arith.constant 0 : i32
      %dma_start3A_86 = tpu.memref_slice %arg4[%dma_start3A_84, %dma_start3A_85] : memref<10000x128xf32, #tpu.memory_space<hbm>> -> memref<10000x128xf32, #tpu.memory_space<hbm>>
      tpu.enqueue_indirect_dma source(%dma_start3A_86 : memref<10000x128xf32, #tpu.memory_space<hbm>>) target(%arg9 : memref<128x128xf32, #tpu.memory_space<vmem>>) offsets(%dma_start3A_83 : memref<128xi32, #tpu.memory_space<vmem>>) semaphore(%arg12 : memref<!tpu.dma_semaphore, #tpu.memory_space<semaphore_mem>>)
      %dma_wait3A = arith.constant 0 : i32
      %dma_wait3A_87 = arith.constant 0 : i32
      %dma_wait3A_88 = tpu.memref_slice %arg6[%dma_wait3A, %dma_wait3A_87] : memref<40x128xi32, #tpu.memory_space<vmem>> -> memref<1x128xi32, #tpu.memory_space<vmem>>
      %dma_wait3A_89 = tpu.memref_squeeze %dma_wait3A_88 : memref<1x128xi32, #tpu.memory_space<vmem>> -> memref<128xi32, #tpu.memory_space<vmem>>
      %dma_wait3A_90 = arith.constant 0 : i32
      %dma_wait3A_91 = arith.constant 0 : i32
      %dma_wait3A_92 = tpu.memref_slice %arg4[%dma_wait3A_90, %dma_wait3A_91] : memref<10000x128xf32, #tpu.memory_space<hbm>> -> memref<10000x128xf32, #tpu.memory_space<hbm>>
      tpu.wait_indirect_dma semaphore(%arg11 : memref<!tpu.dma_semaphore, #tpu.memory_space<semaphore_mem>>) src(%dma_wait3A_92 : memref<10000x128xf32, #tpu.memory_space<hbm>>) dst(%arg8 : memref<128x128xf32, #tpu.memory_space<vmem>>)
      "tpu.region"() ({
        %run_scoped3A = tpu.sem_alloc : memref<!tpu.dma_semaphore, #tpu.memory_space<semaphore_mem>>
        %dma_start3A_107 = arith.constant 0 : i32
        %dma_start3A_108 = tpu.memref_slice %arg7[%mul3A_78, %dma_start3A_107] : memref<40x128xi32, #tpu.memory_space<vmem>> -> memref<1x128xi32, #tpu.memory_space<vmem>>
        %dma_start3A_109 = tpu.memref_squeeze %dma_start3A_108 : memref<1x128xi32, #tpu.memory_space<vmem>> -> memref<128xi32, #tpu.memory_space<vmem>>
        %dma_start3A_110 = arith.constant 0 : i32
        %dma_start3A_111 = arith.constant 0 : i32
        %dma_start3A_112 = tpu.memref_slice %arg10[%dma_start3A_110, %dma_start3A_111] : memref<10240x128xf32, #tpu.memory_space<vmem_shared>> -> memref<10240x128xf32, #tpu.memory_space<vmem_shared>>
        tpu.enqueue_indirect_dma source(%arg8 : memref<128x128xf32, #tpu.memory_space<vmem>>) target(%dma_start3A_112 : memref<10240x128xf32, #tpu.memory_space<vmem_shared>>) offsets(%dma_start3A_109 : memref<128xi32, #tpu.memory_space<vmem>>) semaphore(%run_scoped3A : memref<!tpu.dma_semaphore, #tpu.memory_space<semaphore_mem>>) {add = true}
        %dma_wait3A_113 = arith.constant 0 : i32
        %dma_wait3A_114 = tpu.memref_slice %arg7[%mul3A_78, %dma_wait3A_113] : memref<40x128xi32, #tpu.memory_space<vmem>> -> memref<1x128xi32, #tpu.memory_space<vmem>>
        %dma_wait3A_115 = tpu.memref_squeeze %dma_wait3A_114 : memref<1x128xi32, #tpu.memory_space<vmem>> -> memref<128xi32, #tpu.memory_space<vmem>>
        %dma_wait3A_116 = arith.constant 0 : i32
        %dma_wait3A_117 = arith.constant 0 : i32
        %dma_wait3A_118 = tpu.memref_slice %arg10[%dma_wait3A_116, %dma_wait3A_117] : memref<10240x128xf32, #tpu.memory_space<vmem_shared>> -> memref<10240x128xf32, #tpu.memory_space<vmem_shared>>
        tpu.wait_indirect_dma semaphore(%run_scoped3A : memref<!tpu.dma_semaphore, #tpu.memory_space<semaphore_mem>>) src(%arg8 : memref<128x128xf32, #tpu.memory_space<vmem>>) dst(%dma_wait3A_118 : memref<10240x128xf32, #tpu.memory_space<vmem_shared>>)
        tpu.yield
      }) : () -> ()
      %add3A_93 = arith.constant 2 : i32
      %add3A_94 = arith.addi %mul3A_78, %add3A_93 : i32
      %lt3A = arith.constant 40 : i32
      %lt3A_95 = arith.cmpi slt, %add3A_94, %lt3A : i32
      %convert_element_type3A = arith.extui %lt3A_95 : i1 to i32
      %cond3A = arith.constant 0 : i32
      %cond3A_96 = arith.cmpi ne, %convert_element_type3A, %cond3A : i32
      scf.if %cond3A_96 {
        %add3A_107 = arith.constant 2 : i32
        %add3A_108 = arith.addi %mul3A_78, %add3A_107 : i32
        %dma_start3A_109 = arith.constant 0 : i32
        %dma_start3A_110 = tpu.memref_slice %arg6[%add3A_108, %dma_start3A_109] : memref<40x128xi32, #tpu.memory_space<vmem>> -> memref<1x128xi32, #tpu.memory_space<vmem>>
        %dma_start3A_111 = tpu.memref_squeeze %dma_start3A_110 : memref<1x128xi32, #tpu.memory_space<vmem>> -> memref<128xi32, #tpu.memory_space<vmem>>
        %dma_start3A_112 = arith.constant 0 : i32
        %dma_start3A_113 = arith.constant 0 : i32
        %dma_start3A_114 = tpu.memref_slice %arg4[%dma_start3A_112, %dma_start3A_113] : memref<10000x128xf32, #tpu.memory_space<hbm>> -> memref<10000x128xf32, #tpu.memory_space<hbm>>
        tpu.enqueue_indirect_dma source(%dma_start3A_114 : memref<10000x128xf32, #tpu.memory_space<hbm>>) target(%arg8 : memref<128x128xf32, #tpu.memory_space<vmem>>) offsets(%dma_start3A_111 : memref<128xi32, #tpu.memory_space<vmem>>) semaphore(%arg11 : memref<!tpu.dma_semaphore, #tpu.memory_space<semaphore_mem>>)
      } else {
      }
      %dma_wait3A_97 = arith.constant 0 : i32
      %dma_wait3A_98 = arith.constant 0 : i32
      %dma_wait3A_99 = tpu.memref_slice %arg6[%dma_wait3A_97, %dma_wait3A_98] : memref<40x128xi32, #tpu.memory_space<vmem>> -> memref<1x128xi32, #tpu.memory_space<vmem>>
      %dma_wait3A_100 = tpu.memref_squeeze %dma_wait3A_99 : memref<1x128xi32, #tpu.memory_space<vmem>> -> memref<128xi32, #tpu.memory_space<vmem>>
      %dma_wait3A_101 = arith.constant 0 : i32
      %dma_wait3A_102 = arith.constant 0 : i32
      %dma_wait3A_103 = tpu.memref_slice %arg4[%dma_wait3A_101, %dma_wait3A_102] : memref<10000x128xf32, #tpu.memory_space<hbm>> -> memref<10000x128xf32, #tpu.memory_space<hbm>>
      tpu.wait_indirect_dma semaphore(%arg12 : memref<!tpu.dma_semaphore, #tpu.memory_space<semaphore_mem>>) src(%dma_wait3A_103 : memref<10000x128xf32, #tpu.memory_space<hbm>>) dst(%arg9 : memref<128x128xf32, #tpu.memory_space<vmem>>)
      %add3A_104 = arith.constant 1 : i32
      %add3A_105 = arith.addi %mul3A_78, %add3A_104 : i32
      "tpu.region"() ({
        %run_scoped3A = tpu.sem_alloc : memref<!tpu.dma_semaphore, #tpu.memory_space<semaphore_mem>>
        %dma_start3A_107 = arith.constant 0 : i32
        %dma_start3A_108 = tpu.memref_slice %arg7[%add3A_105, %dma_start3A_107] : memref<40x128xi32, #tpu.memory_space<vmem>> -> memref<1x128xi32, #tpu.memory_space<vmem>>
        %dma_start3A_109 = tpu.memref_squeeze %dma_start3A_108 : memref<1x128xi32, #tpu.memory_space<vmem>> -> memref<128xi32, #tpu.memory_space<vmem>>
        %dma_start3A_110 = arith.constant 0 : i32
        %dma_start3A_111 = arith.constant 0 : i32
        %dma_start3A_112 = tpu.memref_slice %arg10[%dma_start3A_110, %dma_start3A_111] : memref<10240x128xf32, #tpu.memory_space<vmem_shared>> -> memref<10240x128xf32, #tpu.memory_space<vmem_shared>>
        tpu.enqueue_indirect_dma source(%arg9 : memref<128x128xf32, #tpu.memory_space<vmem>>) target(%dma_start3A_112 : memref<10240x128xf32, #tpu.memory_space<vmem_shared>>) offsets(%dma_start3A_109 : memref<128xi32, #tpu.memory_space<vmem>>) semaphore(%run_scoped3A : memref<!tpu.dma_semaphore, #tpu.memory_space<semaphore_mem>>) {add = true}
        %dma_wait3A_113 = arith.constant 0 : i32
        %dma_wait3A_114 = tpu.memref_slice %arg7[%add3A_105, %dma_wait3A_113] : memref<40x128xi32, #tpu.memory_space<vmem>> -> memref<1x128xi32, #tpu.memory_space<vmem>>
        %dma_wait3A_115 = tpu.memref_squeeze %dma_wait3A_114 : memref<1x128xi32, #tpu.memory_space<vmem>> -> memref<128xi32, #tpu.memory_space<vmem>>
        %dma_wait3A_116 = arith.constant 0 : i32
        %dma_wait3A_117 = arith.constant 0 : i32
        %dma_wait3A_118 = tpu.memref_slice %arg10[%dma_wait3A_116, %dma_wait3A_117] : memref<10240x128xf32, #tpu.memory_space<vmem_shared>> -> memref<10240x128xf32, #tpu.memory_space<vmem_shared>>
        tpu.wait_indirect_dma semaphore(%run_scoped3A : memref<!tpu.dma_semaphore, #tpu.memory_space<semaphore_mem>>) src(%arg9 : memref<128x128xf32, #tpu.memory_space<vmem>>) dst(%dma_wait3A_118 : memref<10240x128xf32, #tpu.memory_space<vmem_shared>>)
        tpu.yield
      }) : () -> ()
      %scan3A_106 = arith.constant 0 : i32
      scf.yield %scan3A_106 : i32
    }
    %scan3A_69 = arith.constant 20 : i32
    %barrier3A_70 = arith.constant 0 : index
    tpu.barrier barrier_id(%barrier3A_70)
    %mul3A_71 = arith.constant 640 : i32
    %mul3A_72 = arith.muli %arg1, %mul3A_71 : i32
    %mul3A_73 = arith.constant 640 : i32
    %mul3A_74 = arith.muli %arg1, %mul3A_73 : i32
    "tpu.region"() ({
      %run_scoped3A = tpu.sem_alloc : memref<!tpu.dma_semaphore, #tpu.memory_space<semaphore_mem>>
      %dma_start3A_75 = arith.constant 0 : i32
      %dma_start3A_76 = tpu.memref_slice %arg5[%arg0, %mul3A_74, %dma_start3A_75] : memref<2x10240x128xf32, #tpu.memory_space<hbm>> -> memref<1x640x128xf32, #tpu.memory_space<hbm>>
      %dma_start3A_77 = tpu.memref_squeeze %dma_start3A_76 : memref<1x640x128xf32, #tpu.memory_space<hbm>> -> memref<640x128xf32, #tpu.memory_space<hbm>>
      %dma_start3A_78 = arith.constant 0 : i32
      %dma_start3A_79 = tpu.memref_slice %arg10[%mul3A_72, %dma_start3A_78] : memref<10240x128xf32, #tpu.memory_space<vmem_shared>> -> memref<640x128xf32, #tpu.memory_space<vmem_shared>>
      tpu.enqueue_dma source(%dma_start3A_79 : memref<640x128xf32, #tpu.memory_space<vmem_shared>>) target(%dma_start3A_77 : memref<640x128xf32, #tpu.memory_space<hbm>>) target_semaphore(%run_scoped3A : memref<!tpu.dma_semaphore, #tpu.memory_space<semaphore_mem>>)
      %dma_wait3A = arith.constant 0 : i32
      %dma_wait3A_80 = tpu.memref_slice %arg5[%arg0, %mul3A_74, %dma_wait3A] : memref<2x10240x128xf32, #tpu.memory_space<hbm>> -> memref<1x640x128xf32, #tpu.memory_space<hbm>>
      %dma_wait3A_81 = tpu.memref_squeeze %dma_wait3A_80 : memref<1x640x128xf32, #tpu.memory_space<hbm>> -> memref<640x128xf32, #tpu.memory_space<hbm>>
      %dma_wait3A_82 = arith.constant 0 : i32
      %dma_wait3A_83 = tpu.memref_slice %arg10[%mul3A_72, %dma_wait3A_82] : memref<10240x128xf32, #tpu.memory_space<vmem_shared>> -> memref<640x128xf32, #tpu.memory_space<vmem_shared>>
      tpu.wait_dma2 semaphore(%run_scoped3A : memref<!tpu.dma_semaphore, #tpu.memory_space<semaphore_mem>>) src(%dma_wait3A_83 : memref<640x128xf32, #tpu.memory_space<vmem_shared>>) dst(%dma_wait3A_81 : memref<640x128xf32, #tpu.memory_space<hbm>>)
      tpu.yield
    }) : () -> ()
    return
  }
}

module attributes {stable_mosaic.version = 14 : i64} {
  func.func @body(%arg0: i32, %arg1: memref<2x2000x128xf32, #tpu.memory_space<vmem>>, %arg2: memref<2000x128xf32, #tpu.memory_space<vmem>>, %arg3: memref<2000x128xf32, #tpu.memory_space<vmem>>, %arg4: memref<2000x1xf32, #tpu.memory_space<vmem>>) attributes {dimension_semantics = [#tpu.dimension_semantics<arbitrary>], iteration_bounds = array<i64: 5>, scalar_prefetch = 0 : i64, scratch_operands = 0 : i64, tpu.core_type = #tpu.core_type<tc>, window_params = [{transform_indices = @transform_0, window_bounds = array<i64: 2, 2000, 128>}, {transform_indices = @transform_1, window_bounds = array<i64: 2000, 128>}, {transform_indices = @transform_2, window_bounds = array<i64: 2000, 128>}, {transform_indices = @transform_3, window_bounds = array<i64: 2000, 1>}]} {
    %get3A = arith.constant 0 : index
    %get3A_0 = arith.constant 0 : index
    %get3A_1 = arith.constant 0 : index
    %get3A_2 = vector.load %arg1[%get3A, %get3A_0, %get3A_1] : memref<2x2000x128xf32, #tpu.memory_space<vmem>>, vector<1x2000x1xf32>
    %get3A_3 = vector.shape_cast %get3A_2 : vector<1x2000x1xf32> to vector<2000x1xf32>
    %get3A_4 = arith.constant 1 : index
    %get3A_5 = arith.constant 0 : index
    %get3A_6 = arith.constant 0 : index
    %get3A_7 = vector.load %arg1[%get3A_4, %get3A_5, %get3A_6] : memref<2x2000x128xf32, #tpu.memory_space<vmem>>, vector<1x2000x1xf32>
    %get3A_8 = vector.shape_cast %get3A_7 : vector<1x2000x1xf32> to vector<2000x1xf32>
    %add3A = arith.addf %get3A_3, %get3A_8 : vector<2000x1xf32>
    %add3A_9 = arith.constant 1.000000e+00 : f32
    %add3A_10 = vector.broadcast %add3A_9 : f32 to vector<2000x1xf32>
    %add3A_11 = arith.addf %add3A, %add3A_10 : vector<2000x1xf32>
    %rsqrt3A = math.rsqrt %add3A_11 : vector<2000x1xf32>
    %get3A_12 = arith.constant 0 : index
    %get3A_13 = arith.constant 0 : index
    %get3A_14 = vector.load %arg2[%get3A_12, %get3A_13] : memref<2000x128xf32, #tpu.memory_space<vmem>>, vector<2000x128xf32>
    %mul3A = vector.broadcast %rsqrt3A : vector<2000x1xf32> to vector<2000x128xf32>
    %mul3A_15 = arith.mulf %get3A_14, %mul3A : vector<2000x128xf32>
    %swap3A = arith.constant 0 : index
    %swap3A_16 = arith.constant 0 : index
    %swap3A_17 = vector.load %arg3[%swap3A, %swap3A_16] : memref<2000x128xf32, #tpu.memory_space<vmem>>, vector<2000x128xf32>
    tpu.vector_store %arg3[%swap3A, %swap3A_16], %mul3A_15 {strides = array<i32>} : memref<2000x128xf32, #tpu.memory_space<vmem>>, vector<2000x128xf32>,
    %swap3A_18 = arith.constant 0 : index
    %swap3A_19 = arith.constant 0 : index
    %swap3A_20 = vector.load %arg4[%swap3A_18, %swap3A_19] : memref<2000x1xf32, #tpu.memory_space<vmem>>, vector<2000x1xf32>
    tpu.vector_store %arg4[%swap3A_18, %swap3A_19], %rsqrt3A {strides = array<i32>} : memref<2000x1xf32, #tpu.memory_space<vmem>>, vector<2000x1xf32>,
    return
  }
  func.func @transform_0(%arg0: i32) -> (i32, i32, i32) {
    %c0_i32 = arith.constant 0 : i32
    %c0_i32_0 = arith.constant 0 : i32
    %c0_i32_1 = arith.constant 0 : i32
    return %c0_i32, %arg0, %c0_i32_0 : i32, i32, i32
  }
  func.func @transform_1(%arg0: i32) -> (i32, i32) {
    %c0_i32 = arith.constant 0 : i32
    %c0_i32_0 = arith.constant 0 : i32
    return %arg0, %c0_i32 : i32, i32
  }
  func.func @transform_2(%arg0: i32) -> (i32, i32) {
    %c0_i32 = arith.constant 0 : i32
    %c0_i32_0 = arith.constant 0 : i32
    return %arg0, %c0_i32 : i32, i32
  }
  func.func @transform_3(%arg0: i32) -> (i32, i32) {
    %c0_i32 = arith.constant 0 : i32
    %c0_i32_0 = arith.constant 0 : i32
    return %arg0, %c0_i32 : i32, i32
  }
}

module attributes {stable_mosaic.version = 14 : i64} {
  func.func @body(%arg0: i32, %arg1: memref<2000x128xf32, #tpu.memory_space<vmem>>, %arg2: memref<2x2000x128xf32, #tpu.memory_space<vmem>>, %arg3: memref<2000x1xf32, #tpu.memory_space<vmem>>, %arg4: memref<128x256xf32, #tpu.memory_space<vmem>>, %arg5: memref<1x256xf32, #tpu.memory_space<vmem>>, %arg6: memref<256x64xf32, #tpu.memory_space<vmem>>, %arg7: memref<2000x128xf32, #tpu.memory_space<vmem>>) attributes {dimension_semantics = [#tpu.dimension_semantics<arbitrary>], iteration_bounds = array<i64: 5>, scalar_prefetch = 0 : i64, scratch_operands = 0 : i64, tpu.core_type = #tpu.core_type<tc>, window_params = [{transform_indices = @transform_0, window_bounds = array<i64: 2000, 128>}, {transform_indices = @transform_1, window_bounds = array<i64: 2, 2000, 128>}, {transform_indices = @transform_2, window_bounds = array<i64: 2000, 1>}, {pipeline_mode = #tpu.pipeline_mode<synchronous>, transform_indices = @transform_3, window_bounds = array<i64: 128, 256>}, {pipeline_mode = #tpu.pipeline_mode<synchronous>, transform_indices = @transform_4, window_bounds = array<i64: 1, 256>}, {pipeline_mode = #tpu.pipeline_mode<synchronous>, transform_indices = @transform_5, window_bounds = array<i64: 256, 64>}, {transform_indices = @transform_6, window_bounds = array<i64: 2000, 128>}]} {
    %get3A = arith.constant 0 : index
    %get3A_0 = arith.constant 0 : index
    %get3A_1 = vector.load %arg3[%get3A, %get3A_0] : memref<2000x1xf32, #tpu.memory_space<vmem>>, vector<2000x1xf32>
    %get3A_2 = arith.constant 0 : index
    %get3A_3 = arith.constant 0 : index
    %get3A_4 = vector.load %arg1[%get3A_2, %get3A_3] : memref<2000x128xf32, #tpu.memory_space<vmem>>, vector<2000x128xf32>
    %get3A_5 = arith.constant 0 : index
    %get3A_6 = arith.constant 0 : index
    %get3A_7 = arith.constant 0 : index
    %get3A_8 = vector.load %arg2[%get3A_5, %get3A_6, %get3A_7] : memref<2x2000x128xf32, #tpu.memory_space<vmem>>, vector<1x2000x128xf32>
    %get3A_9 = vector.shape_cast %get3A_8 : vector<1x2000x128xf32> to vector<2000x128xf32>
    %add3A = arith.addf %get3A_4, %get3A_9 : vector<2000x128xf32>
    %get3A_10 = arith.constant 1 : index
    %get3A_11 = arith.constant 0 : index
    %get3A_12 = arith.constant 0 : index
    %get3A_13 = vector.load %arg2[%get3A_10, %get3A_11, %get3A_12] : memref<2x2000x128xf32, #tpu.memory_space<vmem>>, vector<1x2000x128xf32>
    %get3A_14 = vector.shape_cast %get3A_13 : vector<1x2000x128xf32> to vector<2000x128xf32>
    %add3A_15 = arith.addf %add3A, %get3A_14 : vector<2000x128xf32>
    %mul3A = vector.broadcast %get3A_1 : vector<2000x1xf32> to vector<2000x128xf32>
    %mul3A_16 = arith.mulf %add3A_15, %mul3A : vector<2000x128xf32>
    %get3A_17 = arith.constant 0 : index
    %get3A_18 = arith.constant 0 : index
    %get3A_19 = vector.load %arg4[%get3A_17, %get3A_18] : memref<128x256xf32, #tpu.memory_space<vmem>>, vector<128x256xf32>
    %dot_general3A = arith.constant dense<0.000000e+00> : vector<2000x256xf32>
    %dot_general3A_20 = tpu.matmul %mul3A_16, %get3A_19, %dot_general3A {dimension_numbers = #tpu.dot_dimension_numbers<[1], [0], [0], [1], [0, 0, 1, 1], [], []>, transpose_lhs_hint = false} : vector<2000x128xf32>, vector<128x256xf32>, vector<2000x256xf32> -> vector<2000x256xf32>
    %get3A_21 = arith.constant 0 : index
    %get3A_22 = arith.constant 0 : index
    %get3A_23 = vector.load %arg5[%get3A_21, %get3A_22] : memref<1x256xf32, #tpu.memory_space<vmem>>, vector<1x256xf32>
    %add3A_24 = vector.broadcast %get3A_23 : vector<1x256xf32> to vector<2000x256xf32>
    %add3A_25 = arith.addf %dot_general3A_20, %add3A_24 : vector<2000x256xf32>
    %max3A = arith.constant 0.000000e+00 : f32
    %max3A_26 = vector.broadcast %max3A : f32 to vector<2000x256xf32>
    %max3A_27 = arith.maximumf %add3A_25, %max3A_26 : vector<2000x256xf32>
    %get3A_28 = arith.constant 0 : index
    %get3A_29 = arith.constant 0 : index
    %get3A_30 = vector.load %arg6[%get3A_28, %get3A_29] : memref<256x64xf32, #tpu.memory_space<vmem>>, vector<256x64xf32>
    %dot_general3A_31 = arith.constant dense<0.000000e+00> : vector<2000x64xf32>
    %dot_general3A_32 = tpu.matmul %max3A_27, %get3A_30, %dot_general3A_31 {dimension_numbers = #tpu.dot_dimension_numbers<[1], [0], [0], [1], [0, 0, 1, 1], [], []>, transpose_lhs_hint = false} : vector<2000x256xf32>, vector<256x64xf32>, vector<2000x64xf32> -> vector<2000x64xf32>
    %mul3A_33 = vector.broadcast %get3A_1 : vector<2000x1xf32> to vector<2000x64xf32>
    %mul3A_34 = arith.mulf %dot_general3A_32, %mul3A_33 : vector<2000x64xf32>
    %broadcast_in_dim3A = arith.constant 0.000000e+00 : f32
    %broadcast_in_dim3A_35 = vector.broadcast %broadcast_in_dim3A : f32 to vector<2000x64xf32>
    %concatenate3A = tpu.concatenate %mul3A_34, %broadcast_in_dim3A_35 in 1 : vector<2000x64xf32>, vector<2000x64xf32> -> vector<2000x128xf32>
    %swap3A = arith.constant 0 : index
    %swap3A_36 = arith.constant 0 : index
    %swap3A_37 = vector.load %arg7[%swap3A, %swap3A_36] : memref<2000x128xf32, #tpu.memory_space<vmem>>, vector<2000x128xf32>
    tpu.vector_store %arg7[%swap3A, %swap3A_36], %concatenate3A {strides = array<i32>} : memref<2000x128xf32, #tpu.memory_space<vmem>>, vector<2000x128xf32>,
    return
  }
  func.func @transform_0(%arg0: i32) -> (i32, i32) {
    %c0_i32 = arith.constant 0 : i32
    %c0_i32_0 = arith.constant 0 : i32
    return %arg0, %c0_i32 : i32, i32
  }
  func.func @transform_1(%arg0: i32) -> (i32, i32, i32) {
    %c0_i32 = arith.constant 0 : i32
    %c0_i32_0 = arith.constant 0 : i32
    %c0_i32_1 = arith.constant 0 : i32
    return %c0_i32, %arg0, %c0_i32_0 : i32, i32, i32
  }
  func.func @transform_2(%arg0: i32) -> (i32, i32) {
    %c0_i32 = arith.constant 0 : i32
    %c0_i32_0 = arith.constant 0 : i32
    return %arg0, %c0_i32 : i32, i32
  }
  func.func @transform_3(%arg0: i32) -> (i32, i32) {
    %c0_i32 = arith.constant 0 : i32
    %c0_i32_0 = arith.constant 0 : i32
    %c0_i32_1 = arith.constant 0 : i32
    return %c0_i32, %c0_i32_0 : i32, i32
  }
  func.func @transform_4(%arg0: i32) -> (i32, i32) {
    %c0_i32 = arith.constant 0 : i32
    %c0_i32_0 = arith.constant 0 : i32
    %c0_i32_1 = arith.constant 0 : i32
    return %c0_i32, %c0_i32_0 : i32, i32
  }
  func.func @transform_5(%arg0: i32) -> (i32, i32) {
    %c0_i32 = arith.constant 0 : i32
    %c0_i32_0 = arith.constant 0 : i32
    %c0_i32_1 = arith.constant 0 : i32
    return %c0_i32, %c0_i32_0 : i32, i32
  }
  func.func @transform_6(%arg0: i32) -> (i32, i32) {
    %c0_i32 = arith.constant 0 : i32
    %c0_i32_0 = arith.constant 0 : i32
    return %arg0, %c0_i32 : i32, i32
  }
}

module attributes {stable_mosaic.version = 14 : i64} {
  func.func @body(%arg0: i32, %arg1: memref<2000x128xf32, #tpu.memory_space<vmem>>, %arg2: memref<2x2000x128xf32, #tpu.memory_space<vmem>>, %arg3: memref<2000x1xf32, #tpu.memory_space<vmem>>, %arg4: memref<1x32xf32, #tpu.memory_space<vmem>>, %arg5: memref<1x32xf32, #tpu.memory_space<vmem>>, %arg6: memref<2000x32xf32, #tpu.memory_space<vmem>>, %arg7: memref<2000x32xf32, #tpu.memory_space<vmem>>) attributes {dimension_semantics = [#tpu.dimension_semantics<arbitrary>], iteration_bounds = array<i64: 5>, scalar_prefetch = 0 : i64, scratch_operands = 0 : i64, tpu.core_type = #tpu.core_type<tc>, window_params = [{transform_indices = @transform_0, window_bounds = array<i64: 2000, 128>}, {transform_indices = @transform_1, window_bounds = array<i64: 2, 2000, 128>}, {transform_indices = @transform_2, window_bounds = array<i64: 2000, 1>}, {pipeline_mode = #tpu.pipeline_mode<synchronous>, transform_indices = @transform_3, window_bounds = array<i64: 1, 32>}, {pipeline_mode = #tpu.pipeline_mode<synchronous>, transform_indices = @transform_4, window_bounds = array<i64: 1, 32>}, {transform_indices = @transform_5, window_bounds = array<i64: 2000, 32>}, {transform_indices = @transform_6, window_bounds = array<i64: 2000, 32>}]} {
    %get3A = arith.constant 0 : index
    %get3A_0 = arith.constant 0 : index
    %get3A_1 = vector.load %arg1[%get3A, %get3A_0] : memref<2000x128xf32, #tpu.memory_space<vmem>>, vector<2000x128xf32>
    %get3A_2 = arith.constant 0 : index
    %get3A_3 = arith.constant 0 : index
    %get3A_4 = arith.constant 0 : index
    %get3A_5 = vector.load %arg2[%get3A_2, %get3A_3, %get3A_4] : memref<2x2000x128xf32, #tpu.memory_space<vmem>>, vector<1x2000x128xf32>
    %get3A_6 = vector.shape_cast %get3A_5 : vector<1x2000x128xf32> to vector<2000x128xf32>
    %add3A = arith.addf %get3A_1, %get3A_6 : vector<2000x128xf32>
    %get3A_7 = arith.constant 1 : index
    %get3A_8 = arith.constant 0 : index
    %get3A_9 = arith.constant 0 : index
    %get3A_10 = vector.load %arg2[%get3A_7, %get3A_8, %get3A_9] : memref<2x2000x128xf32, #tpu.memory_space<vmem>>, vector<1x2000x128xf32>
    %get3A_11 = vector.shape_cast %get3A_10 : vector<1x2000x128xf32> to vector<2000x128xf32>
    %add3A_12 = arith.addf %add3A, %get3A_11 : vector<2000x128xf32>
    %slice3A = vector.extract_strided_slice %add3A_12 {offsets = [0, 0], sizes = [2000, 64], strides = [1, 1]} : vector<2000x128xf32> to vector<2000x64xf32>
    %get3A_13 = arith.constant 0 : index
    %get3A_14 = arith.constant 0 : index
    %get3A_15 = vector.load %arg3[%get3A_13, %get3A_14] : memref<2000x1xf32, #tpu.memory_space<vmem>>, vector<2000x1xf32>
    %mul3A = vector.broadcast %get3A_15 : vector<2000x1xf32> to vector<2000x64xf32>
    %mul3A_16 = arith.mulf %slice3A, %mul3A : vector<2000x64xf32>
    %slice3A_17 = vector.extract_strided_slice %mul3A_16 {offsets = [0, 0], sizes = [2000, 32], strides = [1, 1]} : vector<2000x64xf32> to vector<2000x32xf32>
    %get3A_18 = arith.constant 0 : index
    %get3A_19 = arith.constant 0 : index
    %get3A_20 = vector.load %arg4[%get3A_18, %get3A_19] : memref<1x32xf32, #tpu.memory_space<vmem>>, vector<1x32xf32>
    %add3A_21 = vector.broadcast %get3A_20 : vector<1x32xf32> to vector<2000x32xf32>
    %add3A_22 = arith.addf %slice3A_17, %add3A_21 : vector<2000x32xf32>
    %swap3A = arith.constant 0 : index
    %swap3A_23 = arith.constant 0 : index
    %swap3A_24 = vector.load %arg6[%swap3A, %swap3A_23] : memref<2000x32xf32, #tpu.memory_space<vmem>>, vector<2000x32xf32>
    tpu.vector_store %arg6[%swap3A, %swap3A_23], %add3A_22 {strides = array<i32>} : memref<2000x32xf32, #tpu.memory_space<vmem>>, vector<2000x32xf32>,
    %slice3A_25 = vector.extract_strided_slice %mul3A_16 {offsets = [0, 32], sizes = [2000, 32], strides = [1, 1]} : vector<2000x64xf32> to vector<2000x32xf32>
    %get3A_26 = arith.constant 0 : index
    %get3A_27 = arith.constant 0 : index
    %get3A_28 = vector.load %arg5[%get3A_26, %get3A_27] : memref<1x32xf32, #tpu.memory_space<vmem>>, vector<1x32xf32>
    %add3A_29 = vector.broadcast %get3A_28 : vector<1x32xf32> to vector<2000x32xf32>
    %add3A_30 = arith.addf %slice3A_25, %add3A_29 : vector<2000x32xf32>
    %swap3A_31 = arith.constant 0 : index
    %swap3A_32 = arith.constant 0 : index
    %swap3A_33 = vector.load %arg7[%swap3A_31, %swap3A_32] : memref<2000x32xf32, #tpu.memory_space<vmem>>, vector<2000x32xf32>
    tpu.vector_store %arg7[%swap3A_31, %swap3A_32], %add3A_30 {strides = array<i32>} : memref<2000x32xf32, #tpu.memory_space<vmem>>, vector<2000x32xf32>,
    return
  }
  func.func @transform_0(%arg0: i32) -> (i32, i32) {
    %c0_i32 = arith.constant 0 : i32
    %c0_i32_0 = arith.constant 0 : i32
    return %arg0, %c0_i32 : i32, i32
  }
  func.func @transform_1(%arg0: i32) -> (i32, i32, i32) {
    %c0_i32 = arith.constant 0 : i32
    %c0_i32_0 = arith.constant 0 : i32
    %c0_i32_1 = arith.constant 0 : i32
    return %c0_i32, %arg0, %c0_i32_0 : i32, i32, i32
  }
  func.func @transform_2(%arg0: i32) -> (i32, i32) {
    %c0_i32 = arith.constant 0 : i32
    %c0_i32_0 = arith.constant 0 : i32
    return %arg0, %c0_i32 : i32, i32
  }
  func.func @transform_3(%arg0: i32) -> (i32, i32) {
    %c0_i32 = arith.constant 0 : i32
    %c0_i32_0 = arith.constant 0 : i32
    %c0_i32_1 = arith.constant 0 : i32
    return %c0_i32, %c0_i32_0 : i32, i32
  }
  func.func @transform_4(%arg0: i32) -> (i32, i32) {
    %c0_i32 = arith.constant 0 : i32
    %c0_i32_0 = arith.constant 0 : i32
    %c0_i32_1 = arith.constant 0 : i32
    return %c0_i32, %c0_i32_0 : i32, i32
  }
  func.func @transform_5(%arg0: i32) -> (i32, i32) {
    %c0_i32 = arith.constant 0 : i32
    %c0_i32_0 = arith.constant 0 : i32
    return %arg0, %c0_i32 : i32, i32
  }
  func.func @transform_6(%arg0: i32) -> (i32, i32) {
    %c0_i32 = arith.constant 0 : i32
    %c0_i32_0 = arith.constant 0 : i32
    return %arg0, %c0_i32 : i32, i32
  }
}

</mosaic_0001>

<sc_bundles>
// kernel: kernel.11.cloned.1.call-start
scs
__scs_entry_jumppad:
0x0: {  	(pc) =	sbr.rel $0x88, $3  }
0x1: {  	(tag) =	ssettag $0x0;
	lr =	simm.s32 $0x1  }
0x2: {  	[smem:$0x3F99] =	sst lr;
	_ =	strace $0xD0000000  }
0x3: {  	_ = 	snop  }
0x4: {  	_ = 	snop  }
0x5: {  	_ = 	snop  }
0x6: {  	_ = 	snop  }
0x7: {  	_ = 	snop  }
__scs_overlays_trampoline_lowered:
0x8: {  	[smem:$0x3FA8] =	sst s0  }
0x9: {  	[smem:$0x3FA9] =	sst s1  }
0xa: {  	[smem:$0x3FAA] =	sst s2  }
0xb: {  	[smem:$0x3FAB] =	sst s3  }
0xc: {  	[smem:$0x3FAC] =	sst s4  }
0xd: {  	[smem:$0x3FAD] =	sst s5  }
0xe: {  	[smem:$0x3FAE] =	sst s6  }
0xf: {  	[smem:$0x3FAF] =	sst s7  }
0x10: {  	[smem:$0x3FB0] =	sst s8  }
0x11: {  	[smem:$0x3FB1] =	sst s9;
	s0 =	simm.s32 @!p0 $0x0  }
0x12: {  	s1 =	sld [smem:$0x3F97];
	s0 =	simm.s32 @p0 $0x1  }
0x13: {  	[smem:$0x3FB2] =	sst s0;
	s0 =	simm.s32 @!p1 $0x0  }
0x14: {  	s2 =	sld [smem:$0x3F96];
	s0 =	simm.s32 @p1 $0x1  }
0x15: {  	[smem:$0x3FB3] =	sst s0;
	s0 =	simm.s32 @!p2 $0x0  }
0x16: {  	s3 =	sld [smem:$0x3FDB];
	s0 =	simm.s32 @p2 $0x1  }
0x17: {  	s4 =	simm.s32 $0x1BF5;
	[smem:$0x3FB5] =	sst s0  }
0x18: {  	s0 =	sld [smem:$0x3F98];
	_ =	swait.ge [sflag:s4], $0x0  }
0x19: {  	s7 =	sld [smem:$0x3F99]  }
0x1a: {  	s8 =	sadd.s32 $0xFFFFE003, lr  }
0x1b: {  	s9 =	sadd.s32 $0xFFFFFEF7, lr;
	s5 =	simm.s32 $0xFFFFFFFF;
	p2 =	slt.u32 s8, $0xFFFFF086  }
0x1c: {  	p1 =	slt.u32 s9, $0xF7A;
	s5 =	simm.s32 @!p2 $0x0  }
0x1d: {  	s5 =	simm.s32 @p1 $0x1;
	p0 =	seq.s32 s7, s2  }
0x1e: {  	s7 =	smul.u32 @!p0 $0xF7A, s2;
	p2 =	seq.s32 @!p0 s5, $0x0  }
0x1f: {  	s9 =	smul.u32 $0xF7A, s1;
	s8 =	simm.s32 @!p0 $0x1BF5;
	p2 =	por !p2, p0  }
0x20: {  	[sflag:s8] =	ssyncset.s32 @!p0 $0xFFFFF086;
	s6 =	sadd.s32 @!p0 s3, s7;
	s7 =	simm.s32 @!p0 $0x108  }
0x21: {  	s3 =	sadd.s32 s3, s9;
	s6 =	sadd.s32 @!p0 $0x88, s6;
	s7 =	simm.s32 @p2 $0x1082  }
0x22: {  	[simem:s7], [sflag:s8] =	dma.local @!p0 [hbm:s6], $0xF7A  }
0x23: {  	s9 =	sor.u32 $0xD0000000, s2;
	s6 =	simm.s32 $0x108;
	_ =	swait.ge @!p0 [sflag:s8], $0x0  }
0x24: {  	s3 =	sadd.s32 $0x88, s3;
	s6 =	simm.s32 @!p1 $0x1082;
	[sflag:s4] =	ssyncset.s32 $0xFFFFF086  }
0x25: {  	[simem:s6], [sflag:s4] =	dma.local [hbm:s3], $0xF7A  }
0x26: {  	[smem:$0x3F99] =	sst s1;
	(tag) =	ssettag s2;
	_ =	strace s9  }
0x27: {  	s1 =	sld [smem:$0x3FA9]  }
0x28: {  	s2 =	sld [smem:$0x3FAA]  }
0x29: {  	s4 =	sld [smem:$0x3FAC]  }
0x2a: {  	p0 =	seq.s32 s5, $0x0;
	s5 =	sld [smem:$0x3FAD]  }
0x2b: {  	s6 =	sld [smem:$0x3FAE]  }
0x2c: {  	s7 =	sld [smem:$0x3FAF]  }
0x2d: {  	s3 =	simm.s32 $0x108;
	s8 =	sld [smem:$0x3FB0]  }
0x2e: {  	s3 =	simm.s32 @!p0 $0x1082;
	s9 =	sld [smem:$0x3FB1]  }
0x2f: {  	lr =	sadd.s32 s0, s3;
	s0 =	sld [smem:$0x3FA8]  }
0x30: {  	s3 =	sld [smem:$0x3FAB]  }
0x31: {  	[smem:$0x3FB4] =	sst s10  }
0x32: {  	s10 =	sld [smem:$0x3FB2];
	_ =	sdelay $0x3  }
0x33: {  	p0 =	seq.s32 s10, $0x1;
	s10 =	sld [smem:$0x3FB4];
	_ =	sdelay $0x3  }
0x34: {  	[smem:$0x3FB4] =	sst s10  }
0x35: {  	s10 =	sld [smem:$0x3FB3];
	_ =	sdelay $0x3  }
0x36: {  	p1 =	seq.s32 s10, $0x1;
	s10 =	sld [smem:$0x3FB4];
	_ =	sdelay $0x3  }
0x37: {  	[smem:$0x3FB4] =	sst s10  }
0x38: {  	s10 =	sld [smem:$0x3FB5]  }
0x39: {  	_ = 	snop;
	(pc) =	sbr.ind lr, $3  }
0x3a: {  	_ = 	snop  }
0x3b: {  	_ = 	snop  }
0x3c: {  	p2 =	seq.s32 s10, $0x1;
	s10 =	sld [smem:$0x3FB4]  }
0x3d: {  	_ =	shalt  }
0x3e: {  	_ =	shalt  }
0x3f: {  	_ =	shalt  }
0x40: {  	_ =	shalt  }
0x41: {  	_ =	shalt  }
0x42: {  	_ =	shalt  }
0x43: {  	_ =	shalt  }
0x44: {  	_ =	shalt  }
0x45: {  	_ =	shalt  }
0x46: {  	_ =	shalt  }
0x47: {  	_ =	shalt  }
0x48: {  	_ =	shalt  }
0x49: {  	_ =	shalt  }
0x4a: {  	_ =	shalt  }
0x4b: {  	_ =	shalt  }
0x4c: {  	_ =	shalt  }
0x4d: {  	_ =	shalt  }
0x4e: {  	_ =	shalt  }
0x4f: {  	_ =	shalt  }
0x50: {  	_ =	shalt  }
0x51: {  	_ =	shalt  }
0x52: {  	_ =	shalt  }
0x53: {  	_ =	shalt  }
0x54: {  	_ =	shalt  }
0x55: {  	_ =	shalt  }
0x56: {  	_ =	shalt  }
0x57: {  	_ =	shalt  }
0x58: {  	_ =	shalt  }
0x59: {  	_ =	shalt  }
0x5a: {  	_ =	shalt  }
0x5b: {  	_ =	shalt  }
0x5c: {  	_ =	shalt  }
0x5d: {  	_ =	shalt  }
0x5e: {  	_ =	shalt  }
0x5f: {  	_ =	shalt  }
0x60: {  	_ =	shalt  }
0x61: {  	_ =	shalt  }
0x62: {  	_ =	shalt  }
0x63: {  	_ =	shalt  }
0x64: {  	_ =	shalt  }
0x65: {  	_ =	shalt  }
0x66: {  	_ =	shalt  }
0x67: {  	_ =	shalt  }
0x68: {  	_ =	shalt  }
0x69: {  	_ =	shalt  }
0x6a: {  	_ =	shalt  }
0x6b: {  	_ =	shalt  }
0x6c: {  	_ =	shalt  }
0x6d: {  	_ =	shalt  }
0x6e: {  	_ =	shalt  }
0x6f: {  	_ =	shalt  }
0x70: {  	_ =	shalt  }
0x71: {  	_ =	shalt  }
0x72: {  	_ =	shalt  }
0x73: {  	_ =	shalt  }
0x74: {  	_ =	shalt  }
0x75: {  	_ =	shalt  }
0x76: {  	_ =	shalt  }
0x77: {  	_ =	shalt  }
0x78: {  	_ =	shalt  }
0x79: {  	_ =	shalt  }
0x7a: {  	_ =	shalt  }
0x7b: {  	_ =	shalt  }
0x7c: {  	_ =	shalt  }
0x7d: {  	_ =	shalt  }
0x7e: {  	_ =	shalt  }
0x7f: {  	_ =	shalt  }
0x80: {  	_ =	shalt  }
0x81: {  	_ =	shalt  }
0x82: {  	_ =	shalt  }
0x83: {  	_ =	shalt  }
0x84: {  	_ =	shalt  }
0x85: {  	_ =	shalt  }
0x86: {  	_ =	shalt  }
0x87: {  	_ =	shalt  }
.Lfunc_end0:
.L_simem_size_0:
called_computation.1_lowered:
.L_overlay_start_0:
0x88: {  	s2 =	sld [smem:$0x3FD9]  }
0x89: {  	s3 =	sld [smem:$0x3FFE];
	_ =	sdelay $0x1  }
0x8a: {  	s1 =	srdreg.scid  }
0x8b: {  	s0 =	sand.u32 $0x1, s1  }
0x8c: {  	s16 =	sshll.u32 s0, $0xA;
	s2 =	sadd.s32 s3, s2  }
0x8d: {  	s2 =	sadd.s32 s2, s16  }
0x8e: {  	[smem:$0x3FC0] =	sst s2  }
0x8f: {  	_ = 	snop  }
0x90: {  	(tm) =	ssettm $0x1  }
0x91: {  	s17 =	sld [smem:$0x3FFB];
	_ =	sdelay $0x3  }
0x92: {  	_ =	strace s17  }
0x93: {  	s2 =	sld [smem:$0x3FFC];
	_ =	sdelay $0x3  }
0x94: {  	_ =	strace s2  }
0x95: {  	s2 =	sld [smem:$0x3FFD];
	_ =	sdelay $0x3  }
0x96: {  	_ =	strace s2  }
0x97: {  	_ =	strace $0x8FFFFFFF  }
0x98: {  	s18 =	sld [smem:$0x3FDB];
	_ =	sdelay $0x1  }
0x99: {  	s19 =	simm.s32 $_scs_section_size  }
0x9a: {  	s4 =	simm.s32 $_size__tile_overlayer_lowered;
	s5 =	simm.s32 $_tile_overlayer_lowered  }
0x9b: {  	s22 =	simm.s32 $0x1BFF;
	s21 =	sshll.u32 s5, $0x1;
	s2 =	sadd.s32 s19, s18  }
0x9c: {  	s6 =	simm.s32 $0x0;
	s20 =	sshll.u32 s4, $0x1;
	s4 =	sadd.s32 s21, s2  }
0x9d: {  	[timem:s6], [sflag:s22] =	dma.local [hbm:s4], s20  }
0x9e: {  	_ =	swait.ge [sflag:s22], s20  }
0x9f: {  	s3 =	ssub.s32 $0x0, s20;
	[sflag:s22] =	ssyncset.done $0x0  }
0xa0: {  	[sflag:s22] =	ssyncadd.s32 s3;
	_ =	sdelay $0x1  }
0xa1: {  	s23 =	simm.s32 $0x1B8B  }
0xa2: {  	_ =	swait.ge [sflag:s23], $0x1  }
0xa3: {  	[sflag:s23] =	ssyncset.done $0x0  }
0xa4: {  	s25 =	simm.s32 $0x1B8E;
	s24 =	sld [smem:$0x3FFE];
	[sflag:s23] =	ssyncadd.s32 $0xFFFFFFFF  }
0xa5: {  	s26 =	simm.s32 $execute0_lowered;
	[smem:$0x3FD2] =	sst s25  }
0xa6: {  	s4 =	sshll.u32 s26, $0x1;
	_ =	strace $0x80000049;
	[dreg:$0x1] =	wrdreg $0xFFFFFFFF  }
0xa7: {  	s28 =	simm.s32 $_size_execute0_lowered;
	s2 =	sadd.s32 s2, s4;
	[dreg:$0x0] =	wrdreg $0x0  }
0xa8: {  	s4 =	sshll.u32 s28, $0x1;
	[dreg:$0x2] =	wrdreg s2  }
0xa9: {  	[dreg:$0x3] =	wrdreg s4  }
0xaa: {  	[dreg:$0x4] =	wrdreg $0xC0  }
0xab: {  	_ =	task [dreg:s6], $0x5FFFF  }
0xac: {  	[dreg:$0x1] =	wrdreg $0xFFFFFFFF  }
0xad: {  	[dreg:$0x0] =	wrdreg $0x60  }
0xae: {  	[dreg:$0x2] =	wrdreg s24  }
0xaf: {  	[dreg:$0x3] =	wrdreg $0xA8000  }
0xb0: {  	[dreg:$0x4] =	wrdreg $0x9  }
0xb1: {  	_ =	task.clear_ibuf [dreg:s6], $0x5FFFF;
	_ =	strace $0x90000049  }
0xb2: {  	s29 =	simm.s32 $0x9;
	_ =	strace $0x8000004B  }
0xb3: {  	_ =	swait.ge [sflag:s29], $0x1  }
0xb4: {  	[sflag:s29] =	ssyncadd.s32 $0xFFFFFFFF  }
0xb5: {  	_ =	strace $0x9000004B  }
0xb6: {  	_ =	sfence  }
0xb7: {  	s30 =	sld [smem:$0x0];
	_ =	sdelay $0x2  }
0xb8: {  	s31 =	sshll.u32 s1, $0xD;
	s1 =	sshrl.u32 s1, $0x2  }
0xb9: {  	s3 =	sand.u32 $0x4000, s31;
	s1 =	sadd.s32 s1, s30  }
0xba: {  	s0 =	sor.u32 s3, s0;
	s1 =	sshll.u32 s1, $0x11  }
0xbb: {  	s0 =	sor.u32 s1, s0  }
0xbc: {  	s0 =	sadd.s32 $0x8F2B, s0  }
0xbd: {  	[sflag:s0] =	ssyncadd.remote.s32 $0x1  }
0xbe: {  	_ =	sfence.sel $0xFFFF  }
0xbf: {  	[dreg:$0x0] =	wrdreg $0xFFFFFFFF;
	(pc) =	sbr.abs _section_cstart, $3  }
0xc0: {  	[dreg:$0x1] =	wrdreg $0xFFFFFFFF  }
0xc1: {  	_ =	task.clear_ibuf [dreg:s6], $0x2FFFF;
	_ =	strace $0x9FFFFFFF  }
0xc2: {  	(tm) =	ssettm $0x7FFFFFFF  }
0xc3: {  	_ =	shalt  }
tec
execute0_lowered:
.L_overlay_start_1:
0x0: {  	(tag) =	ssettag $0x1  }
0x1: {  	s5 =	rddreg [dreg:$0x0]  }
0x2: {  	s1 =	rddreg [dreg:$0x1];
	s2 =	srdreg.scid;
	s3 =	simm.s32 $0x0  }
0x3: {  	s17 =	simm.s32 $0x3;
	s18 =	simm.s32 $0x1400;
	s19 =	simm.s32 $0x80  }
0x4: {  	s20 =	simm.s32 $0x6800;
	s21 =	simm.s32 $0x1;
	s22 =	simm.s32 $0x2  }
0x5: {  	s23 =	simm.s32 $0x1380;
	s24 =	simm.s32 $0x2700;
	s25 =	simm.s32 $0x2780  }
0x6: {  	s26 =	simm.s32 $0x0;
	s6 =	sand.u32 $0x1, s2;
	s2 =	stileid.u32  }
0x7: {  	[smem:$0x7FF] =	sst s3;
	s12 =	sadd.s32 $0x2C00, s5;
	s4 =	smul.u32 $0x140000, s6  }
0x8: {  	s13 =	sadd.s32 $0xCC00, s5;
	s7 =	smul.u32 $0x14000, s2;
	_ =	strace $0x8000004A  }
0x9: {  	s8 =	smul.u32 $0x50000, s2;
	s29 =	ssub.s32 $0x2, s6;
	s6 =	sshll.u32 s6, $0x4  }
0xa: {  	s30 =	sshrl.u32 s29, $0x1;
	s9 =	sor.u32 s2, s6;
	s7 =	sadd.s32 s7, s4  }
0xb: {  	s4 =	sadd.s32 $0x16C00, s5;
	s31 =	sshrl.u32 s8, $0x2;
	s10 =	smul.u32 $0x2800, s9  }
0xc: {  	s15 =	ssub.s32 s29, s30;
	s11 =	smul.u32 $0x500, s9;
	s7 =	sshrl.u32 s7, $0x3  }
0xd: {  	s15 =	smax.u32 s15, $0x1;
	s14 =	sadd.s32 s7, s5;
	s5 =	sadd.s32 s31, s1  }
0xe: {  	s16 =	sshrl.u32 s10, $0x3;
	s10 =	sadd.s32 s12, s11;
	s11 =	sadd.s32 s13, s11  }
0xf: {  	s6 =	sadd.s32 $0x4000, s5;
	s7 =	sadd.s32 $0x8000, s5;
	s8 =	sadd.s32 $0xC000, s5  }
0x10: {  	s9 =	sadd.s32 $0x10000, s5;
	s16 =	sadd.s32 $0x280, s16;
	s14 =	sadd.s32 $0x3DE00, s14  }
0x11: {  	v0 =	vimm.f32 $0.0e+00;
	s12 =	sadd.s32 s12, s16;
	s13 =	sadd.s32 s13, s16;
	s16 =	simm.s32 $0x2800  }
.LBB2_1:
0x12: {  	s28 =	sand.u32 $0xFE00, s3  }
0x13: {  	s29 =	sand.u32 $0x70, s3;
	s30 =	sshrl.u32 s28, $0x2  }
0x14: {  	s28 =	simm.s32 $0x40;
	s30 =	sor.u32 s29, s30;
	s29 =	simm.s32 $0x0  }
.LBB2_2:
0x15: {  	p0 =	sne.s32 s28, $0xFFC0  }
0x16: {  	[tilespmem:s30+$0x2800] =	vst v0;
	s29 =	sadd.s32 $0x10, s29;
	s30 =	smov.u32 s28;
	s28 =	sadd.s32 $0x40, s28  }
.Ltmp0:
0x17: {  	(pc) =	sbr.rel @p0 .LBB2_2-.Ltmp0, $4  }
0x18: {  	_ = 	snop  }
0x19: {  	s30 =	sand.u32 $0xFE00, s30  }
0x1a: {  	s31 =	sand.u32 $0x70, s29;
	s30 =	sshrl.u32 s30, $0x2  }
0x1b: {  	s30 =	sor.u32 s31, s30  }
0x1c: {  	[tilespmem:s30+$0x2800] =	vst v0  }
0x1d: {  	[spmem:s5] =	stream.linear.scatter [tilespmem:s16], [sflag:$0x3], $0x4000, $0x38;
	[tilespmem:$0x1E800] =	vst v63  }
0x1e: {  	_ =	swait.ge [sflag:s17], $0x4000  }
0x1f: {  	[sflag:s17] =	ssyncset.done $0x0  }
0x20: {  	[sflag:s17] =	ssyncadd.s32 $0xFFFFC000  }
0x21: {  	[spmem:s6] =	stream.linear.scatter [tilespmem:s16], [sflag:$0x3], $0x4000, $0x38;
	[tilespmem:$0x1E800] =	vst v63  }
0x22: {  	_ =	swait.ge [sflag:s17], $0x4000  }
0x23: {  	[sflag:s17] =	ssyncset.done $0x0  }
0x24: {  	[sflag:s17] =	ssyncadd.s32 $0xFFFFC000  }
0x25: {  	[spmem:s7] =	stream.linear.scatter [tilespmem:s16], [sflag:$0x3], $0x4000, $0x38;
	[tilespmem:$0x1E800] =	vst v63  }
0x26: {  	_ =	swait.ge [sflag:s17], $0x4000  }
0x27: {  	[sflag:s17] =	ssyncset.done $0x0  }
0x28: {  	[sflag:s17] =	ssyncadd.s32 $0xFFFFC000  }
0x29: {  	[spmem:s8] =	stream.linear.scatter [tilespmem:s16], [sflag:$0x3], $0x4000, $0x38;
	[tilespmem:$0x1E800] =	vst v63  }
0x2a: {  	_ =	swait.ge [sflag:s17], $0x4000  }
0x2b: {  	[sflag:s17] =	ssyncset.done $0x0  }
0x2c: {  	[sflag:s17] =	ssyncadd.s32 $0xFFFFC000  }
0x2d: {  	[spmem:s9] =	stream.linear.scatter [tilespmem:s16], [sflag:$0x3], $0x4000, $0x38;
	[tilespmem:$0x1E800] =	vst v63  }
0x2e: {  	_ =	swait.ge [sflag:s17], $0x4000  }
0x2f: {  	[sflag:s17] =	ssyncset.done $0x0  }
0x30: {  	[sflag:s17] =	ssyncadd.s32 $0xFFFFC000  }
0x31: {  	s28 =	simm.s32 $0x0;
	[bflag:$0x0] =	sbarrier.arrive $0xFFFF  }
0x32: {  	[tilespmem:s28], [sflag:$0x3] =	stream.linear.gather [hbm4b:s10+s28], $0x1400, $0x38;
	[tilespmem:$0x1E800] =	vst v63  }
0x33: {  	_ =	swait.ge [sflag:s17], $0x1400  }
0x34: {  	[sflag:s17] =	ssyncset.done $0x0  }
0x35: {  	[sflag:s17] =	ssyncadd.s32 $0xFFFFEC00  }
0x36: {  	[tilespmem:s18], [sflag:$0x3] =	stream.linear.gather [hbm4b:s11+s28], $0x1400, $0x38;
	[tilespmem:$0x1E800] =	vst v63  }
0x37: {  	_ =	swait.ge [sflag:s17], $0x1400  }
0x38: {  	[sflag:s17] =	ssyncset.done $0x0  }
0x39: {  	[sflag:s17] =	ssyncadd.s32 $0xFFFFEC00  }
0x3a: {  	[tilespmem:s16], [sflag:$0x1] =	stream.indirect.gather [hbm4b:s4+s19], $0x80, s28, s19, $0xb8;
	[tilespmem:$0x1E800] =	vst v63  }
0x3b: {  	s28 =	simm.s32 $0x80  }
0x3c: {  	[tilespmem:s20], [sflag:$0x2] =	stream.indirect.gather [hbm4b:s4+s19], $0x80, s28, s19, $0xb8;
	[tilespmem:$0x1E800] =	vst v63  }
0x3d: {  	_ =	swait.ge [sflag:s21], $0x4000  }
0x3e: {  	[sflag:s21] =	ssyncset.done $0x0  }
0x3f: {  	s28 =	simm.s32 $0x1400;
	[sflag:s21] =	ssyncadd.s32 $0xFFFFC000  }
0x40: {  	[spmem:s1] =	stream.indirect.scatter.add.f32 [tilespmem:s16], [sflag:$0x3], $0x80, s28, s19, $0xb8;
	[tilespmem:$0x1E800] =	vst v63  }
0x41: {  	_ =	swait.ge [sflag:s17], $0x4000  }
0x42: {  	[sflag:s17] =	ssyncset.done $0x0  }
0x43: {  	s28 =	simm.s32 $0x100;
	[sflag:s17] =	ssyncadd.s32 $0xFFFFC000  }
0x44: {  	[tilespmem:s16], [sflag:$0x1] =	stream.indirect.gather [hbm4b:s4+s19], $0x80, s28, s19, $0xb8;
	[tilespmem:$0x1E800] =	vst v63  }
0x45: {  	_ =	swait.ge [sflag:s22], $0x4000  }
0x46: {  	[sflag:s22] =	ssyncset.done $0x0  }
0x47: {  	s28 =	simm.s32 $0x1480;
	[sflag:s22] =	ssyncadd.s32 $0xFFFFC000  }
0x48: {  	[spmem:s1] =	stream.indirect.scatter.add.f32 [tilespmem:s20], [sflag:$0x3], $0x80, s28, s19, $0xb8;
	[tilespmem:$0x1E800] =	vst v63  }
0x49: {  	_ =	swait.ge [sflag:s17], $0x4000  }
0x4a: {  	s29 =	simm.s32 $0x800;
	s28 =	simm.s32 $0x100;
	[sflag:s17] =	ssyncset.done $0x0  }
.LBB2_4:
0x4b: {  	s30 =	sadd.s32 $0x80, s28  }
0x4c: {  	[sflag:s17] =	ssyncadd.s32 $0xFFFFC000;
	s31 =	smov.u32 s29;
	s0 =	sadd.s32 $0x400, s29  }
0x4d: {  	[tilespmem:s20], [sflag:$0x2] =	stream.indirect.gather [hbm4b:s4+s19], $0x80, s30, s19, $0xb8;
	[tilespmem:$0x1E800] =	vst v63  }
0x4e: {  	p0 =	sne.s32 s29, $0x4800;
	_ =	swait.ge [sflag:s21], $0x4000  }
0x4f: {  	[sflag:s21] =	ssyncset.done $0x0  }
0x50: {  	s29 =	sadd.s32 $0x1400, s28;
	[sflag:s21] =	ssyncadd.s32 $0xFFFFC000  }
0x51: {  	[spmem:s1] =	stream.indirect.scatter.add.f32 [tilespmem:s16], [sflag:$0x3], $0x80, s29, s19, $0xb8;
	[tilespmem:$0x1E800] =	vst v63  }
0x52: {  	_ =	swait.ge [sflag:s17], $0x4000  }
0x53: {  	[sflag:s17] =	ssyncset.done $0x0  }
0x54: {  	s29 =	sadd.s32 $0x100, s28;
	[sflag:s17] =	ssyncadd.s32 $0xFFFFC000  }
0x55: {  	[tilespmem:s16], [sflag:$0x1] =	stream.indirect.gather [hbm4b:s4+s19], $0x80, s29, s19, $0xb8;
	[tilespmem:$0x1E800] =	vst v63  }
0x56: {  	_ =	swait.ge [sflag:s22], $0x4000  }
.Ltmp1:
0x57: {  	[sflag:s22] =	ssyncset.done $0x0;
	(pc) =	sbr.rel @p0 .LBB2_4-.Ltmp1, $4  }
0x58: {  	s28 =	sadd.s32 $0x1480, s28;
	[sflag:s22] =	ssyncadd.s32 $0xFFFFC000  }
0x59: {  	[spmem:s1] =	stream.indirect.scatter.add.f32 [tilespmem:s20], [sflag:$0x3], $0x80, s28, s19, $0xb8;
	[tilespmem:$0x1E800] =	vst v63  }
0x5a: {  	_ =	swait.ge [sflag:s17], $0x4000  }
0x5b: {  	s29 =	smov.u32 s0;
	s28 =	sshra.s32 s31, $0x2;
	[sflag:s17] =	ssyncset.done $0x0  }
0x5c: {  	s0 =	sadd.s32 $0x80, s28;
	[sflag:s17] =	ssyncadd.s32 $0xFFFFC000  }
0x5d: {  	[tilespmem:s20], [sflag:$0x2] =	stream.indirect.gather [hbm4b:s4+s19], $0x80, s0, s19, $0xb8;
	[tilespmem:$0x1E800] =	vst v63  }
0x5e: {  	_ =	swait.ge [sflag:s21], $0x4000  }
0x5f: {  	[sflag:s21] =	ssyncset.done $0x0  }
0x60: {  	s30 =	sadd.s32 $0x1400, s28;
	[sflag:s21] =	ssyncadd.s32 $0xFFFFC000  }
0x61: {  	[spmem:s1] =	stream.indirect.scatter.add.f32 [tilespmem:s16], [sflag:$0x3], $0x80, s30, s19, $0xb8;
	[tilespmem:$0x1E800] =	vst v63  }
0x62: {  	_ =	swait.ge [sflag:s17], $0x4000  }
0x63: {  	[sflag:s17] =	ssyncset.done $0x0  }
0x64: {  	s31 =	sadd.s32 $0x100, s28;
	[sflag:s17] =	ssyncadd.s32 $0xFFFFC000  }
0x65: {  	[tilespmem:s16], [sflag:$0x1] =	stream.indirect.gather [hbm4b:s4+s19], $0x80, s31, s19, $0xb8;
	[tilespmem:$0x1E800] =	vst v63  }
0x66: {  	_ =	swait.ge [sflag:s22], $0x4000  }
0x67: {  	[sflag:s22] =	ssyncset.done $0x0  }
0x68: {  	s30 =	sadd.s32 $0x1480, s28;
	[sflag:s22] =	ssyncadd.s32 $0xFFFFC000  }
0x69: {  	[spmem:s1] =	stream.indirect.scatter.add.f32 [tilespmem:s20], [sflag:$0x3], $0x80, s30, s19, $0xb8;
	[tilespmem:$0x1E800] =	vst v63  }
0x6a: {  	_ =	swait.ge [sflag:s17], $0x4000  }
0x6b: {  	[sflag:s17] =	ssyncset.done $0x0  }
0x6c: {  	[sflag:s17] =	ssyncadd.s32 $0xFFFFC000  }
0x6d: {  	[tilespmem:s20], [sflag:$0x2] =	stream.indirect.gather [hbm4b:s4+s19], $0x80, s23, s19, $0xb8;
	[tilespmem:$0x1E800] =	vst v63  }
0x6e: {  	_ =	swait.ge [sflag:s21], $0x4000  }
0x6f: {  	[sflag:s21] =	ssyncset.done $0x0  }
0x70: {  	[sflag:s21] =	ssyncadd.s32 $0xFFFFC000  }
0x71: {  	[spmem:s1] =	stream.indirect.scatter.add.f32 [tilespmem:s16], [sflag:$0x3], $0x80, s24, s19, $0xb8;
	[tilespmem:$0x1E800] =	vst v63  }
0x72: {  	_ =	swait.ge [sflag:s17], $0x4000  }
0x73: {  	[sflag:s17] =	ssyncset.done $0x0  }
0x74: {  	[sflag:s17] =	ssyncadd.s32 $0xFFFFC000  }
0x75: {  	_ =	swait.ge [sflag:s22], $0x4000  }
0x76: {  	[sflag:s22] =	ssyncset.done $0x0  }
0x77: {  	[sflag:s22] =	ssyncadd.s32 $0xFFFFC000  }
0x78: {  	[spmem:s1] =	stream.indirect.scatter.add.f32 [tilespmem:s20], [sflag:$0x3], $0x80, s25, s19, $0xb8;
	[tilespmem:$0x1E800] =	vst v63  }
0x79: {  	_ =	swait.ge [sflag:s17], $0x4000  }
0x7a: {  	[sflag:s17] =	ssyncset.done $0x0  }
0x7b: {  	s31 =	simm.s32 $0x0;
	[sflag:s17] =	ssyncadd.s32 $0xFFFFC000  }
0x7c: {  	[tilespmem:s31], [sflag:$0x3] =	stream.linear.gather [hbm4b:s12+s31], $0x1400, $0x38;
	[tilespmem:$0x1E800] =	vst v63  }
0x7d: {  	_ =	swait.ge [sflag:s17], $0x1400  }
0x7e: {  	[sflag:s17] =	ssyncset.done $0x0  }
0x7f: {  	[sflag:s17] =	ssyncadd.s32 $0xFFFFEC00  }
0x80: {  	[tilespmem:s18], [sflag:$0x3] =	stream.linear.gather [hbm4b:s13+s31], $0x1400, $0x38;
	[tilespmem:$0x1E800] =	vst v63  }
0x81: {  	_ =	swait.ge [sflag:s17], $0x1400  }
0x82: {  	[sflag:s17] =	ssyncset.done $0x0  }
0x83: {  	[sflag:s17] =	ssyncadd.s32 $0xFFFFEC00  }
0x84: {  	[tilespmem:s16], [sflag:$0x1] =	stream.indirect.gather [hbm4b:s4+s19], $0x80, s31, s19, $0xb8;
	[tilespmem:$0x1E800] =	vst v63  }
0x85: {  	s30 =	simm.s32 $0x80  }
0x86: {  	[tilespmem:s20], [sflag:$0x2] =	stream.indirect.gather [hbm4b:s4+s19], $0x80, s30, s19, $0xb8;
	[tilespmem:$0x1E800] =	vst v63  }
0x87: {  	_ =	swait.ge [sflag:s21], $0x4000  }
0x88: {  	[sflag:s21] =	ssyncset.done $0x0  }
0x89: {  	s31 =	simm.s32 $0x1400;
	[sflag:s21] =	ssyncadd.s32 $0xFFFFC000  }
0x8a: {  	[spmem:s1] =	stream.indirect.scatter.add.f32 [tilespmem:s16], [sflag:$0x3], $0x80, s31, s19, $0xb8;
	[tilespmem:$0x1E800] =	vst v63  }
0x8b: {  	_ =	swait.ge [sflag:s17], $0x4000  }
0x8c: {  	[sflag:s17] =	ssyncset.done $0x0  }
0x8d: {  	s30 =	simm.s32 $0x100;
	[sflag:s17] =	ssyncadd.s32 $0xFFFFC000  }
0x8e: {  	[tilespmem:s16], [sflag:$0x1] =	stream.indirect.gather [hbm4b:s4+s19], $0x80, s30, s19, $0xb8;
	[tilespmem:$0x1E800] =	vst v63  }
0x8f: {  	_ =	swait.ge [sflag:s22], $0x4000  }
0x90: {  	[sflag:s22] =	ssyncset.done $0x0  }
0x91: {  	s31 =	simm.s32 $0x1480;
	[sflag:s22] =	ssyncadd.s32 $0xFFFFC000  }
0x92: {  	[spmem:s1] =	stream.indirect.scatter.add.f32 [tilespmem:s20], [sflag:$0x3], $0x80, s31, s19, $0xb8;
	[tilespmem:$0x1E800] =	vst v63  }
0x93: {  	_ =	swait.ge [sflag:s17], $0x4000  }
0x94: {  	s29 =	simm.s32 $0x800;
	s28 =	simm.s32 $0x100;
	[sflag:s17] =	ssyncset.done $0x0  }
.LBB2_6:
0x95: {  	s0 =	sadd.s32 $0x80, s28  }
0x96: {  	[sflag:s17] =	ssyncadd.s32 $0xFFFFC000;
	s30 =	smov.u32 s29;
	s31 =	sadd.s32 $0x400, s29  }
0x97: {  	[tilespmem:s20], [sflag:$0x2] =	stream.indirect.gather [hbm4b:s4+s19], $0x80, s0, s19, $0xb8;
	[tilespmem:$0x1E800] =	vst v63  }
0x98: {  	p0 =	sne.s32 s29, $0x4800;
	_ =	swait.ge [sflag:s21], $0x4000  }
0x99: {  	[sflag:s21] =	ssyncset.done $0x0  }
0x9a: {  	s0 =	sadd.s32 $0x1400, s28;
	[sflag:s21] =	ssyncadd.s32 $0xFFFFC000  }
0x9b: {  	[spmem:s1] =	stream.indirect.scatter.add.f32 [tilespmem:s16], [sflag:$0x3], $0x80, s0, s19, $0xb8;
	[tilespmem:$0x1E800] =	vst v63  }
0x9c: {  	_ =	swait.ge [sflag:s17], $0x4000  }
0x9d: {  	[sflag:s17] =	ssyncset.done $0x0  }
0x9e: {  	s0 =	sadd.s32 $0x100, s28;
	[sflag:s17] =	ssyncadd.s32 $0xFFFFC000  }
0x9f: {  	[tilespmem:s16], [sflag:$0x1] =	stream.indirect.gather [hbm4b:s4+s19], $0x80, s0, s19, $0xb8;
	[tilespmem:$0x1E800] =	vst v63  }
0xa0: {  	_ =	swait.ge [sflag:s22], $0x4000  }
.Ltmp2:
0xa1: {  	[sflag:s22] =	ssyncset.done $0x0;
	(pc) =	sbr.rel @p0 .LBB2_6-.Ltmp2, $4  }
0xa2: {  	s0 =	sadd.s32 $0x1480, s28;
	[sflag:s22] =	ssyncadd.s32 $0xFFFFC000  }
0xa3: {  	[spmem:s1] =	stream.indirect.scatter.add.f32 [tilespmem:s20], [sflag:$0x3], $0x80, s0, s19, $0xb8;
	[tilespmem:$0x1E800] =	vst v63  }
0xa4: {  	_ =	swait.ge [sflag:s17], $0x4000  }
0xa5: {  	s29 =	smov.u32 s31;
	s28 =	sshra.s32 s30, $0x2;
	[sflag:s17] =	ssyncset.done $0x0  }
0xa6: {  	s0 =	sadd.s32 $0x80, s28;
	[sflag:s17] =	ssyncadd.s32 $0xFFFFC000  }
0xa7: {  	[tilespmem:s20], [sflag:$0x2] =	stream.indirect.gather [hbm4b:s4+s19], $0x80, s0, s19, $0xb8;
	[tilespmem:$0x1E800] =	vst v63  }
0xa8: {  	_ =	swait.ge [sflag:s21], $0x4000  }
0xa9: {  	[sflag:s21] =	ssyncset.done $0x0  }
0xaa: {  	s30 =	sadd.s32 $0x1400, s28;
	[sflag:s21] =	ssyncadd.s32 $0xFFFFC000  }
0xab: {  	[spmem:s1] =	stream.indirect.scatter.add.f32 [tilespmem:s16], [sflag:$0x3], $0x80, s30, s19, $0xb8;
	[tilespmem:$0x1E800] =	vst v63  }
0xac: {  	_ =	swait.ge [sflag:s17], $0x4000  }
0xad: {  	[sflag:s17] =	ssyncset.done $0x0  }
0xae: {  	s31 =	sadd.s32 $0x100, s28;
	[sflag:s17] =	ssyncadd.s32 $0xFFFFC000  }
0xaf: {  	[tilespmem:s16], [sflag:$0x1] =	stream.indirect.gather [hbm4b:s4+s19], $0x80, s31, s19, $0xb8;
	[tilespmem:$0x1E800] =	vst v63  }
0xb0: {  	_ =	swait.ge [sflag:s22], $0x4000  }
0xb1: {  	[sflag:s22] =	ssyncset.done $0x0  }
0xb2: {  	s29 =	sadd.s32 $0x1480, s28;
	[sflag:s22] =	ssyncadd.s32 $0xFFFFC000  }
0xb3: {  	[spmem:s1] =	stream.indirect.scatter.add.f32 [tilespmem:s20], [sflag:$0x3], $0x80, s29, s19, $0xb8;
	[tilespmem:$0x1E800] =	vst v63  }
0xb4: {  	_ =	swait.ge [sflag:s17], $0x4000  }
0xb5: {  	[sflag:s17] =	ssyncset.done $0x0  }
0xb6: {  	[sflag:s17] =	ssyncadd.s32 $0xFFFFC000  }
0xb7: {  	[tilespmem:s20], [sflag:$0x2] =	stream.indirect.gather [hbm4b:s4+s19], $0x80, s23, s19, $0xb8;
	[tilespmem:$0x1E800] =	vst v63  }
0xb8: {  	_ =	swait.ge [sflag:s21], $0x4000  }
0xb9: {  	[sflag:s21] =	ssyncset.done $0x0  }
0xba: {  	[sflag:s21] =	ssyncadd.s32 $0xFFFFC000  }
0xbb: {  	[spmem:s1] =	stream.indirect.scatter.add.f32 [tilespmem:s16], [sflag:$0x3], $0x80, s24, s19, $0xb8;
	[tilespmem:$0x1E800] =	vst v63  }
0xbc: {  	_ =	swait.ge [sflag:s17], $0x4000  }
0xbd: {  	[sflag:s17] =	ssyncset.done $0x0  }
0xbe: {  	[sflag:s17] =	ssyncadd.s32 $0xFFFFC000  }
0xbf: {  	_ =	swait.ge [sflag:s22], $0x4000  }
0xc0: {  	[sflag:s22] =	ssyncset.done $0x0  }
0xc1: {  	[sflag:s22] =	ssyncadd.s32 $0xFFFFC000  }
0xc2: {  	[spmem:s1] =	stream.indirect.scatter.add.f32 [tilespmem:s20], [sflag:$0x3], $0x80, s25, s19, $0xb8;
	[tilespmem:$0x1E800] =	vst v63  }
0xc3: {  	_ =	swait.ge [sflag:s17], $0x4000  }
0xc4: {  	s26 =	sadd.s32 $0x1, s26;
	s30 =	sshll.u32 s2, $0x6;
	[sflag:s17] =	ssyncset.done $0x0  }
0xc5: {  	p0 =	sne.s32 s26, s15;
	s0 =	sor.u32 $0x1C03, s30;
	[sflag:s17] =	ssyncadd.s32 $0xFFFFC000  }
.Ltmp3:
0xc6: {  	s31 =	sshrl.u32 s5, $0x3;
	[bflag:$0x0] =	sbarrier.arrive $0xFFFF;
	(pc) =	sbr.rel @p0 .LBB2_1-.Ltmp3, $4  }
0xc7: {  	[hbm:s14], [sflag:s0] =	dma.local [spmem:s31], $0x2800  }
0xc8: {  	_ =	swait.ge [sflag:s17], $0x2800  }
0xc9: {  	[sflag:s17] =	ssyncset.done $0x0  }
0xca: {  	[sflag:s17] =	ssyncadd.s32 $0xFFFFD800  }
0xcb: {  	_ =	sfence.sel $0x180000  }
0xcc: {  	[bflag:$0x0] =	sbarrier.arrive $0xFFFF  }
0xcd: {  	_ =	strace $0x9000004A  }
0xce: {  	[bflag:$0x2] =	sbarrier.arrive $0xFFFF  }
0xcf: {  	p0 =	sne.s32 s2, $0x0;
	s0 =	rddreg [dreg:$0x2]  }
0xd0: {  	s0 =	sadd.s32 @!p0 $0x100000, s0  }
0xd1: {  	[sflag:s0] =	ssyncadd.tile.s32 @!p0 $0x1;
	_ =	shalt  }
.Lfunc_end2:
_tile_overlayer_lowered:
.L_overlay_start_2:
0xd2: {  	(tag) =	ssettag $0x2  }
0xd3: {  	s0 =	rddreg [dreg:$0x0];
	s2 =	stileid.u32  }
0xd4: {  	s1 =	rddreg [dreg:$0x1];
	p0 =	sne.s32 s2, $0x0  }
0xd5: {  	s3 =	rddreg [dreg:$0x2];
	[bflag:$0x3] =	sbarrier.arrive $0xFFFF;
	s2 =	simm.s32 @!p0 $0x1C03  }
0xd6: {  	[timem:s3], [sflag:s2] =	dma.local @!p0 [hbm:s0], s1  }
0xd7: {  	s0 =	simm.s32 @!p0 $0x3  }
0xd8: {  	_ =	swait.ge @!p0 [sflag:s0], s1  }
0xd9: {  	s1 =	ssub.s32 @!p0 $0x0, s1;
	[sflag:s0] =	ssyncset.done @!p0 $0x0  }
0xda: {  	[sflag:s0] =	ssyncadd.s32 @!p0 s1  }
0xdb: {  	[bflag:$0x3] =	sbarrier.arrive $0xFFFF  }
0xdc: {  	_ =	shalt  }

// kernel: kernel.14.cloned.1.call-start
scs
__scs_entry_jumppad:
0x0: {  	(pc) =	sbr.rel $0x88, $3  }
0x1: {  	(tag) =	ssettag $0x0;
	lr =	simm.s32 $0x1  }
0x2: {  	[smem:$0x3F99] =	sst lr;
	_ =	strace $0xD0000000  }
0x3: {  	_ = 	snop  }
0x4: {  	_ = 	snop  }
0x5: {  	_ = 	snop  }
0x6: {  	_ = 	snop  }
0x7: {  	_ = 	snop  }
__scs_overlays_trampoline_lowered:
0x8: {  	[smem:$0x3FA8] =	sst s0  }
0x9: {  	[smem:$0x3FA9] =	sst s1  }
0xa: {  	[smem:$0x3FAA] =	sst s2  }
0xb: {  	[smem:$0x3FAB] =	sst s3  }
0xc: {  	[smem:$0x3FAC] =	sst s4  }
0xd: {  	[smem:$0x3FAD] =	sst s5  }
0xe: {  	[smem:$0x3FAE] =	sst s6  }
0xf: {  	[smem:$0x3FAF] =	sst s7  }
0x10: {  	[smem:$0x3FB0] =	sst s8  }
0x11: {  	[smem:$0x3FB1] =	sst s9;
	s0 =	simm.s32 @!p0 $0x0  }
0x12: {  	s1 =	sld [smem:$0x3F97];
	s0 =	simm.s32 @p0 $0x1  }
0x13: {  	[smem:$0x3FB2] =	sst s0;
	s0 =	simm.s32 @!p1 $0x0  }
0x14: {  	s2 =	sld [smem:$0x3F96];
	s0 =	simm.s32 @p1 $0x1  }
0x15: {  	[smem:$0x3FB3] =	sst s0;
	s0 =	simm.s32 @!p2 $0x0  }
0x16: {  	s3 =	sld [smem:$0x3FDB];
	s0 =	simm.s32 @p2 $0x1  }
0x17: {  	s4 =	simm.s32 $0x1BF5;
	[smem:$0x3FB5] =	sst s0  }
0x18: {  	s0 =	sld [smem:$0x3F98];
	_ =	swait.ge [sflag:s4], $0x0  }
0x19: {  	s7 =	sld [smem:$0x3F99]  }
0x1a: {  	s8 =	sadd.s32 $0xFFFFE003, lr  }
0x1b: {  	s9 =	sadd.s32 $0xFFFFFEF7, lr;
	s5 =	simm.s32 $0xFFFFFFFF;
	p2 =	slt.u32 s8, $0xFFFFF086  }
0x1c: {  	p1 =	slt.u32 s9, $0xF7A;
	s5 =	simm.s32 @!p2 $0x0  }
0x1d: {  	s5 =	simm.s32 @p1 $0x1;
	p0 =	seq.s32 s7, s2  }
0x1e: {  	s7 =	smul.u32 @!p0 $0xF7A, s2;
	p2 =	seq.s32 @!p0 s5, $0x0  }
0x1f: {  	s9 =	smul.u32 $0xF7A, s1;
	s8 =	simm.s32 @!p0 $0x1BF5;
	p2 =	por !p2, p0  }
0x20: {  	[sflag:s8] =	ssyncset.s32 @!p0 $0xFFFFF086;
	s6 =	sadd.s32 @!p0 s3, s7;
	s7 =	simm.s32 @!p0 $0x108  }
0x21: {  	s3 =	sadd.s32 s3, s9;
	s6 =	sadd.s32 @!p0 $0x88, s6;
	s7 =	simm.s32 @p2 $0x1082  }
0x22: {  	[simem:s7], [sflag:s8] =	dma.local @!p0 [hbm:s6], $0xF7A  }
0x23: {  	s9 =	sor.u32 $0xD0000000, s2;
	s6 =	simm.s32 $0x108;
	_ =	swait.ge @!p0 [sflag:s8], $0x0  }
0x24: {  	s3 =	sadd.s32 $0x88, s3;
	s6 =	simm.s32 @!p1 $0x1082;
	[sflag:s4] =	ssyncset.s32 $0xFFFFF086  }
0x25: {  	[simem:s6], [sflag:s4] =	dma.local [hbm:s3], $0xF7A  }
0x26: {  	[smem:$0x3F99] =	sst s1;
	(tag) =	ssettag s2;
	_ =	strace s9  }
0x27: {  	s1 =	sld [smem:$0x3FA9]  }
0x28: {  	s2 =	sld [smem:$0x3FAA]  }
0x29: {  	s4 =	sld [smem:$0x3FAC]  }
0x2a: {  	p0 =	seq.s32 s5, $0x0;
	s5 =	sld [smem:$0x3FAD]  }
0x2b: {  	s6 =	sld [smem:$0x3FAE]  }
0x2c: {  	s7 =	sld [smem:$0x3FAF]  }
0x2d: {  	s3 =	simm.s32 $0x108;
	s8 =	sld [smem:$0x3FB0]  }
0x2e: {  	s3 =	simm.s32 @!p0 $0x1082;
	s9 =	sld [smem:$0x3FB1]  }
0x2f: {  	lr =	sadd.s32 s0, s3;
	s0 =	sld [smem:$0x3FA8]  }
0x30: {  	s3 =	sld [smem:$0x3FAB]  }
0x31: {  	[smem:$0x3FB4] =	sst s10  }
0x32: {  	s10 =	sld [smem:$0x3FB2];
	_ =	sdelay $0x3  }
0x33: {  	p0 =	seq.s32 s10, $0x1;
	s10 =	sld [smem:$0x3FB4];
	_ =	sdelay $0x3  }
0x34: {  	[smem:$0x3FB4] =	sst s10  }
0x35: {  	s10 =	sld [smem:$0x3FB3];
	_ =	sdelay $0x3  }
0x36: {  	p1 =	seq.s32 s10, $0x1;
	s10 =	sld [smem:$0x3FB4];
	_ =	sdelay $0x3  }
0x37: {  	[smem:$0x3FB4] =	sst s10  }
0x38: {  	s10 =	sld [smem:$0x3FB5]  }
0x39: {  	_ = 	snop;
	(pc) =	sbr.ind lr, $3  }
0x3a: {  	_ = 	snop  }
0x3b: {  	_ = 	snop  }
0x3c: {  	p2 =	seq.s32 s10, $0x1;
	s10 =	sld [smem:$0x3FB4]  }
0x3d: {  	_ =	shalt  }
0x3e: {  	_ =	shalt  }
0x3f: {  	_ =	shalt  }
0x40: {  	_ =	shalt  }
0x41: {  	_ =	shalt  }
0x42: {  	_ =	shalt  }
0x43: {  	_ =	shalt  }
0x44: {  	_ =	shalt  }
0x45: {  	_ =	shalt  }
0x46: {  	_ =	shalt  }
0x47: {  	_ =	shalt  }
0x48: {  	_ =	shalt  }
0x49: {  	_ =	shalt  }
0x4a: {  	_ =	shalt  }
0x4b: {  	_ =	shalt  }
0x4c: {  	_ =	shalt  }
0x4d: {  	_ =	shalt  }
0x4e: {  	_ =	shalt  }
0x4f: {  	_ =	shalt  }
0x50: {  	_ =	shalt  }
0x51: {  	_ =	shalt  }
0x52: {  	_ =	shalt  }
0x53: {  	_ =	shalt  }
0x54: {  	_ =	shalt  }
0x55: {  	_ =	shalt  }
0x56: {  	_ =	shalt  }
0x57: {  	_ =	shalt  }
0x58: {  	_ =	shalt  }
0x59: {  	_ =	shalt  }
0x5a: {  	_ =	shalt  }
0x5b: {  	_ =	shalt  }
0x5c: {  	_ =	shalt  }
0x5d: {  	_ =	shalt  }
0x5e: {  	_ =	shalt  }
0x5f: {  	_ =	shalt  }
0x60: {  	_ =	shalt  }
0x61: {  	_ =	shalt  }
0x62: {  	_ =	shalt  }
0x63: {  	_ =	shalt  }
0x64: {  	_ =	shalt  }
0x65: {  	_ =	shalt  }
0x66: {  	_ =	shalt  }
0x67: {  	_ =	shalt  }
0x68: {  	_ =	shalt  }
0x69: {  	_ =	shalt  }
0x6a: {  	_ =	shalt  }
0x6b: {  	_ =	shalt  }
0x6c: {  	_ =	shalt  }
0x6d: {  	_ =	shalt  }
0x6e: {  	_ =	shalt  }
0x6f: {  	_ =	shalt  }
0x70: {  	_ =	shalt  }
0x71: {  	_ =	shalt  }
0x72: {  	_ =	shalt  }
0x73: {  	_ =	shalt  }
0x74: {  	_ =	shalt  }
0x75: {  	_ =	shalt  }
0x76: {  	_ =	shalt  }
0x77: {  	_ =	shalt  }
0x78: {  	_ =	shalt  }
0x79: {  	_ =	shalt  }
0x7a: {  	_ =	shalt  }
0x7b: {  	_ =	shalt  }
0x7c: {  	_ =	shalt  }
0x7d: {  	_ =	shalt  }
0x7e: {  	_ =	shalt  }
0x7f: {  	_ =	shalt  }
0x80: {  	_ =	shalt  }
0x81: {  	_ =	shalt  }
0x82: {  	_ =	shalt  }
0x83: {  	_ =	shalt  }
0x84: {  	_ =	shalt  }
0x85: {  	_ =	shalt  }
0x86: {  	_ =	shalt  }
0x87: {  	_ =	shalt  }
.Lfunc_end0:
.L_simem_size_0:
called_computation.2_lowered:
.L_overlay_start_0:
0x88: {  	s2 =	sld [smem:$0x3FD9]  }
0x89: {  	s3 =	sld [smem:$0x3FFE];
	_ =	sdelay $0x1  }
0x8a: {  	s1 =	srdreg.scid  }
0x8b: {  	s0 =	sand.u32 $0x1, s1  }
0x8c: {  	s16 =	sshll.u32 s0, $0xA;
	s2 =	sadd.s32 s3, s2  }
0x8d: {  	s2 =	sadd.s32 s2, s16  }
0x8e: {  	[smem:$0x3FC0] =	sst s2  }
0x8f: {  	_ = 	snop  }
0x90: {  	(tm) =	ssettm $0x1  }
0x91: {  	s17 =	sld [smem:$0x3FFB];
	_ =	sdelay $0x3  }
0x92: {  	_ =	strace s17  }
0x93: {  	s2 =	sld [smem:$0x3FFC];
	_ =	sdelay $0x3  }
0x94: {  	_ =	strace s2  }
0x95: {  	s2 =	sld [smem:$0x3FFD];
	_ =	sdelay $0x3  }
0x96: {  	_ =	strace s2  }
0x97: {  	_ =	strace $0x8FFFFFFF  }
0x98: {  	s18 =	sld [smem:$0x3FDB];
	_ =	sdelay $0x1  }
0x99: {  	s19 =	simm.s32 $_scs_section_size  }
0x9a: {  	s4 =	simm.s32 $_size__tile_overlayer_lowered;
	s5 =	simm.s32 $_tile_overlayer_lowered  }
0x9b: {  	s22 =	simm.s32 $0x1BFF;
	s21 =	sshll.u32 s5, $0x1;
	s2 =	sadd.s32 s19, s18  }
0x9c: {  	s6 =	simm.s32 $0x0;
	s20 =	sshll.u32 s4, $0x1;
	s4 =	sadd.s32 s21, s2  }
0x9d: {  	[timem:s6], [sflag:s22] =	dma.local [hbm:s4], s20  }
0x9e: {  	_ =	swait.ge [sflag:s22], s20  }
0x9f: {  	s3 =	ssub.s32 $0x0, s20;
	[sflag:s22] =	ssyncset.done $0x0  }
0xa0: {  	[sflag:s22] =	ssyncadd.s32 s3;
	_ =	sdelay $0x1  }
0xa1: {  	s23 =	simm.s32 $0x1B8B  }
0xa2: {  	_ =	swait.ge [sflag:s23], $0x1  }
0xa3: {  	[sflag:s23] =	ssyncset.done $0x0  }
0xa4: {  	s25 =	simm.s32 $0x1B8E;
	s24 =	sld [smem:$0x3FFE];
	[sflag:s23] =	ssyncadd.s32 $0xFFFFFFFF  }
0xa5: {  	s26 =	simm.s32 $execute0_lowered;
	[smem:$0x3FD2] =	sst s25  }
0xa6: {  	s4 =	sshll.u32 s26, $0x1;
	_ =	strace $0x8000004C;
	[dreg:$0x1] =	wrdreg $0xFFFFFFFF  }
0xa7: {  	s28 =	simm.s32 $_size_execute0_lowered;
	s2 =	sadd.s32 s2, s4;
	[dreg:$0x0] =	wrdreg $0x0  }
0xa8: {  	s4 =	sshll.u32 s28, $0x1;
	[dreg:$0x2] =	wrdreg s2  }
0xa9: {  	[dreg:$0x3] =	wrdreg s4  }
0xaa: {  	[dreg:$0x4] =	wrdreg $0xC0  }
0xab: {  	_ =	task [dreg:s6], $0x5FFFF  }
0xac: {  	[dreg:$0x1] =	wrdreg $0xFFFFFFFF  }
0xad: {  	[dreg:$0x0] =	wrdreg $0x60  }
0xae: {  	[dreg:$0x2] =	wrdreg s24  }
0xaf: {  	[dreg:$0x3] =	wrdreg $0xA8000  }
0xb0: {  	[dreg:$0x4] =	wrdreg $0x9  }
0xb1: {  	_ =	task.clear_ibuf [dreg:s6], $0x5FFFF;
	_ =	strace $0x9000004C  }
0xb2: {  	s29 =	simm.s32 $0x9;
	_ =	strace $0x8000004E  }
0xb3: {  	_ =	swait.ge [sflag:s29], $0x1  }
0xb4: {  	[sflag:s29] =	ssyncadd.s32 $0xFFFFFFFF  }
0xb5: {  	_ =	strace $0x9000004E  }
0xb6: {  	_ =	sfence  }
0xb7: {  	s30 =	sld [smem:$0x0];
	_ =	sdelay $0x2  }
0xb8: {  	s31 =	sshll.u32 s1, $0xD;
	s1 =	sshrl.u32 s1, $0x2  }
0xb9: {  	s3 =	sand.u32 $0x4000, s31;
	s1 =	sadd.s32 s1, s30  }
0xba: {  	s0 =	sor.u32 s3, s0;
	s1 =	sshll.u32 s1, $0x11  }
0xbb: {  	s0 =	sor.u32 s1, s0  }
0xbc: {  	s0 =	sadd.s32 $0x8F2B, s0  }
0xbd: {  	[sflag:s0] =	ssyncadd.remote.s32 $0x1  }
0xbe: {  	_ =	sfence.sel $0xFFFF  }
0xbf: {  	[dreg:$0x0] =	wrdreg $0xFFFFFFFF;
	(pc) =	sbr.abs _section_cstart, $3  }
0xc0: {  	[dreg:$0x1] =	wrdreg $0xFFFFFFFF  }
0xc1: {  	_ =	task.clear_ibuf [dreg:s6], $0x2FFFF;
	_ =	strace $0x9FFFFFFF  }
0xc2: {  	(tm) =	ssettm $0x7FFFFFFF  }
0xc3: {  	_ =	shalt  }
tec
execute0_lowered:
.L_overlay_start_1:
0x0: {  	(tag) =	ssettag $0x1  }
0x1: {  	s5 =	rddreg [dreg:$0x0]  }
0x2: {  	s1 =	rddreg [dreg:$0x1];
	s2 =	srdreg.scid;
	s3 =	simm.s32 $0x0  }
0x3: {  	s17 =	simm.s32 $0x3;
	s18 =	simm.s32 $0x1400;
	s19 =	simm.s32 $0x80  }
0x4: {  	s20 =	simm.s32 $0x6800;
	s21 =	simm.s32 $0x1;
	s22 =	simm.s32 $0x2  }
0x5: {  	s23 =	simm.s32 $0x1380;
	s24 =	simm.s32 $0x2700;
	s25 =	simm.s32 $0x2780  }
0x6: {  	s26 =	simm.s32 $0x0;
	s6 =	sand.u32 $0x1, s2;
	s2 =	stileid.u32  }
0x7: {  	[smem:$0x7FF] =	sst s3;
	s12 =	sadd.s32 $0x2C00, s5;
	s4 =	smul.u32 $0x140000, s6  }
0x8: {  	s13 =	sadd.s32 $0xCC00, s5;
	s7 =	smul.u32 $0x14000, s2;
	_ =	strace $0x8000004D  }
0x9: {  	s8 =	smul.u32 $0x50000, s2;
	s29 =	ssub.s32 $0x2, s6;
	s6 =	sshll.u32 s6, $0x4  }
0xa: {  	s30 =	sshrl.u32 s29, $0x1;
	s9 =	sor.u32 s2, s6;
	s7 =	sadd.s32 s7, s4  }
0xb: {  	s4 =	sadd.s32 $0x16C00, s5;
	s31 =	sshrl.u32 s8, $0x2;
	s10 =	smul.u32 $0x2800, s9  }
0xc: {  	s15 =	ssub.s32 s29, s30;
	s11 =	smul.u32 $0x500, s9;
	s7 =	sshrl.u32 s7, $0x3  }
0xd: {  	s15 =	smax.u32 s15, $0x1;
	s14 =	sadd.s32 s7, s5;
	s5 =	sadd.s32 s31, s1  }
0xe: {  	s16 =	sshrl.u32 s10, $0x3;
	s10 =	sadd.s32 s12, s11;
	s11 =	sadd.s32 s13, s11  }
0xf: {  	s6 =	sadd.s32 $0x4000, s5;
	s7 =	sadd.s32 $0x8000, s5;
	s8 =	sadd.s32 $0xC000, s5  }
0x10: {  	s9 =	sadd.s32 $0x10000, s5;
	s16 =	sadd.s32 $0x280, s16;
	s14 =	sadd.s32 $0x3DE00, s14  }
0x11: {  	v0 =	vimm.f32 $0.0e+00;
	s12 =	sadd.s32 s12, s16;
	s13 =	sadd.s32 s13, s16;
	s16 =	simm.s32 $0x2800  }
.LBB2_1:
0x12: {  	s28 =	sand.u32 $0xFE00, s3  }
0x13: {  	s29 =	sand.u32 $0x70, s3;
	s30 =	sshrl.u32 s28, $0x2  }
0x14: {  	s28 =	simm.s32 $0x40;
	s30 =	sor.u32 s29, s30;
	s29 =	simm.s32 $0x0  }
.LBB2_2:
0x15: {  	p0 =	sne.s32 s28, $0xFFC0  }
0x16: {  	[tilespmem:s30+$0x2800] =	vst v0;
	s29 =	sadd.s32 $0x10, s29;
	s30 =	smov.u32 s28;
	s28 =	sadd.s32 $0x40, s28  }
.Ltmp0:
0x17: {  	(pc) =	sbr.rel @p0 .LBB2_2-.Ltmp0, $4  }
0x18: {  	_ = 	snop  }
0x19: {  	s30 =	sand.u32 $0xFE00, s30  }
0x1a: {  	s31 =	sand.u32 $0x70, s29;
	s30 =	sshrl.u32 s30, $0x2  }
0x1b: {  	s30 =	sor.u32 s31, s30  }
0x1c: {  	[tilespmem:s30+$0x2800] =	vst v0  }
0x1d: {  	[spmem:s5] =	stream.linear.scatter [tilespmem:s16], [sflag:$0x3], $0x4000, $0x38;
	[tilespmem:$0x1E800] =	vst v63  }
0x1e: {  	_ =	swait.ge [sflag:s17], $0x4000  }
0x1f: {  	[sflag:s17] =	ssyncset.done $0x0  }
0x20: {  	[sflag:s17] =	ssyncadd.s32 $0xFFFFC000  }
0x21: {  	[spmem:s6] =	stream.linear.scatter [tilespmem:s16], [sflag:$0x3], $0x4000, $0x38;
	[tilespmem:$0x1E800] =	vst v63  }
0x22: {  	_ =	swait.ge [sflag:s17], $0x4000  }
0x23: {  	[sflag:s17] =	ssyncset.done $0x0  }
0x24: {  	[sflag:s17] =	ssyncadd.s32 $0xFFFFC000  }
0x25: {  	[spmem:s7] =	stream.linear.scatter [tilespmem:s16], [sflag:$0x3], $0x4000, $0x38;
	[tilespmem:$0x1E800] =	vst v63  }
0x26: {  	_ =	swait.ge [sflag:s17], $0x4000  }
0x27: {  	[sflag:s17] =	ssyncset.done $0x0  }
0x28: {  	[sflag:s17] =	ssyncadd.s32 $0xFFFFC000  }
0x29: {  	[spmem:s8] =	stream.linear.scatter [tilespmem:s16], [sflag:$0x3], $0x4000, $0x38;
	[tilespmem:$0x1E800] =	vst v63  }
0x2a: {  	_ =	swait.ge [sflag:s17], $0x4000  }
0x2b: {  	[sflag:s17] =	ssyncset.done $0x0  }
0x2c: {  	[sflag:s17] =	ssyncadd.s32 $0xFFFFC000  }
0x2d: {  	[spmem:s9] =	stream.linear.scatter [tilespmem:s16], [sflag:$0x3], $0x4000, $0x38;
	[tilespmem:$0x1E800] =	vst v63  }
0x2e: {  	_ =	swait.ge [sflag:s17], $0x4000  }
0x2f: {  	[sflag:s17] =	ssyncset.done $0x0  }
0x30: {  	[sflag:s17] =	ssyncadd.s32 $0xFFFFC000  }
0x31: {  	s28 =	simm.s32 $0x0;
	[bflag:$0x0] =	sbarrier.arrive $0xFFFF  }
0x32: {  	[tilespmem:s28], [sflag:$0x3] =	stream.linear.gather [hbm4b:s10+s28], $0x1400, $0x38;
	[tilespmem:$0x1E800] =	vst v63  }
0x33: {  	_ =	swait.ge [sflag:s17], $0x1400  }
0x34: {  	[sflag:s17] =	ssyncset.done $0x0  }
0x35: {  	[sflag:s17] =	ssyncadd.s32 $0xFFFFEC00  }
0x36: {  	[tilespmem:s18], [sflag:$0x3] =	stream.linear.gather [hbm4b:s11+s28], $0x1400, $0x38;
	[tilespmem:$0x1E800] =	vst v63  }
0x37: {  	_ =	swait.ge [sflag:s17], $0x1400  }
0x38: {  	[sflag:s17] =	ssyncset.done $0x0  }
0x39: {  	[sflag:s17] =	ssyncadd.s32 $0xFFFFEC00  }
0x3a: {  	[tilespmem:s16], [sflag:$0x1] =	stream.indirect.gather [hbm4b:s4+s19], $0x80, s28, s19, $0xb8;
	[tilespmem:$0x1E800] =	vst v63  }
0x3b: {  	s28 =	simm.s32 $0x80  }
0x3c: {  	[tilespmem:s20], [sflag:$0x2] =	stream.indirect.gather [hbm4b:s4+s19], $0x80, s28, s19, $0xb8;
	[tilespmem:$0x1E800] =	vst v63  }
0x3d: {  	_ =	swait.ge [sflag:s21], $0x4000  }
0x3e: {  	[sflag:s21] =	ssyncset.done $0x0  }
0x3f: {  	s28 =	simm.s32 $0x1400;
	[sflag:s21] =	ssyncadd.s32 $0xFFFFC000  }
0x40: {  	[spmem:s1] =	stream.indirect.scatter.add.f32 [tilespmem:s16], [sflag:$0x3], $0x80, s28, s19, $0xb8;
	[tilespmem:$0x1E800] =	vst v63  }
0x41: {  	_ =	swait.ge [sflag:s17], $0x4000  }
0x42: {  	[sflag:s17] =	ssyncset.done $0x0  }
0x43: {  	s28 =	simm.s32 $0x100;
	[sflag:s17] =	ssyncadd.s32 $0xFFFFC000  }
0x44: {  	[tilespmem:s16], [sflag:$0x1] =	stream.indirect.gather [hbm4b:s4+s19], $0x80, s28, s19, $0xb8;
	[tilespmem:$0x1E800] =	vst v63  }
0x45: {  	_ =	swait.ge [sflag:s22], $0x4000  }
0x46: {  	[sflag:s22] =	ssyncset.done $0x0  }
0x47: {  	s28 =	simm.s32 $0x1480;
	[sflag:s22] =	ssyncadd.s32 $0xFFFFC000  }
0x48: {  	[spmem:s1] =	stream.indirect.scatter.add.f32 [tilespmem:s20], [sflag:$0x3], $0x80, s28, s19, $0xb8;
	[tilespmem:$0x1E800] =	vst v63  }
0x49: {  	_ =	swait.ge [sflag:s17], $0x4000  }
0x4a: {  	s29 =	simm.s32 $0x800;
	s28 =	simm.s32 $0x100;
	[sflag:s17] =	ssyncset.done $0x0  }
.LBB2_4:
0x4b: {  	s30 =	sadd.s32 $0x80, s28  }
0x4c: {  	[sflag:s17] =	ssyncadd.s32 $0xFFFFC000;
	s31 =	smov.u32 s29;
	s0 =	sadd.s32 $0x400, s29  }
0x4d: {  	[tilespmem:s20], [sflag:$0x2] =	stream.indirect.gather [hbm4b:s4+s19], $0x80, s30, s19, $0xb8;
	[tilespmem:$0x1E800] =	vst v63  }
0x4e: {  	p0 =	sne.s32 s29, $0x4800;
	_ =	swait.ge [sflag:s21], $0x4000  }
0x4f: {  	[sflag:s21] =	ssyncset.done $0x0  }
0x50: {  	s29 =	sadd.s32 $0x1400, s28;
	[sflag:s21] =	ssyncadd.s32 $0xFFFFC000  }
0x51: {  	[spmem:s1] =	stream.indirect.scatter.add.f32 [tilespmem:s16], [sflag:$0x3], $0x80, s29, s19, $0xb8;
	[tilespmem:$0x1E800] =	vst v63  }
0x52: {  	_ =	swait.ge [sflag:s17], $0x4000  }
0x53: {  	[sflag:s17] =	ssyncset.done $0x0  }
0x54: {  	s29 =	sadd.s32 $0x100, s28;
	[sflag:s17] =	ssyncadd.s32 $0xFFFFC000  }
0x55: {  	[tilespmem:s16], [sflag:$0x1] =	stream.indirect.gather [hbm4b:s4+s19], $0x80, s29, s19, $0xb8;
	[tilespmem:$0x1E800] =	vst v63  }
0x56: {  	_ =	swait.ge [sflag:s22], $0x4000  }
.Ltmp1:
0x57: {  	[sflag:s22] =	ssyncset.done $0x0;
	(pc) =	sbr.rel @p0 .LBB2_4-.Ltmp1, $4  }
0x58: {  	s28 =	sadd.s32 $0x1480, s28;
	[sflag:s22] =	ssyncadd.s32 $0xFFFFC000  }
0x59: {  	[spmem:s1] =	stream.indirect.scatter.add.f32 [tilespmem:s20], [sflag:$0x3], $0x80, s28, s19, $0xb8;
	[tilespmem:$0x1E800] =	vst v63  }
0x5a: {  	_ =	swait.ge [sflag:s17], $0x4000  }
0x5b: {  	s29 =	smov.u32 s0;
	s28 =	sshra.s32 s31, $0x2;
	[sflag:s17] =	ssyncset.done $0x0  }
0x5c: {  	s0 =	sadd.s32 $0x80, s28;
	[sflag:s17] =	ssyncadd.s32 $0xFFFFC000  }
0x5d: {  	[tilespmem:s20], [sflag:$0x2] =	stream.indirect.gather [hbm4b:s4+s19], $0x80, s0, s19, $0xb8;
	[tilespmem:$0x1E800] =	vst v63  }
0x5e: {  	_ =	swait.ge [sflag:s21], $0x4000  }
0x5f: {  	[sflag:s21] =	ssyncset.done $0x0  }
0x60: {  	s30 =	sadd.s32 $0x1400, s28;
	[sflag:s21] =	ssyncadd.s32 $0xFFFFC000  }
0x61: {  	[spmem:s1] =	stream.indirect.scatter.add.f32 [tilespmem:s16], [sflag:$0x3], $0x80, s30, s19, $0xb8;
	[tilespmem:$0x1E800] =	vst v63  }
0x62: {  	_ =	swait.ge [sflag:s17], $0x4000  }
0x63: {  	[sflag:s17] =	ssyncset.done $0x0  }
0x64: {  	s31 =	sadd.s32 $0x100, s28;
	[sflag:s17] =	ssyncadd.s32 $0xFFFFC000  }
0x65: {  	[tilespmem:s16], [sflag:$0x1] =	stream.indirect.gather [hbm4b:s4+s19], $0x80, s31, s19, $0xb8;
	[tilespmem:$0x1E800] =	vst v63  }
0x66: {  	_ =	swait.ge [sflag:s22], $0x4000  }
0x67: {  	[sflag:s22] =	ssyncset.done $0x0  }
0x68: {  	s30 =	sadd.s32 $0x1480, s28;
	[sflag:s22] =	ssyncadd.s32 $0xFFFFC000  }
0x69: {  	[spmem:s1] =	stream.indirect.scatter.add.f32 [tilespmem:s20], [sflag:$0x3], $0x80, s30, s19, $0xb8;
	[tilespmem:$0x1E800] =	vst v63  }
0x6a: {  	_ =	swait.ge [sflag:s17], $0x4000  }
0x6b: {  	[sflag:s17] =	ssyncset.done $0x0  }
0x6c: {  	[sflag:s17] =	ssyncadd.s32 $0xFFFFC000  }
0x6d: {  	[tilespmem:s20], [sflag:$0x2] =	stream.indirect.gather [hbm4b:s4+s19], $0x80, s23, s19, $0xb8;
	[tilespmem:$0x1E800] =	vst v63  }
0x6e: {  	_ =	swait.ge [sflag:s21], $0x4000  }
0x6f: {  	[sflag:s21] =	ssyncset.done $0x0  }
0x70: {  	[sflag:s21] =	ssyncadd.s32 $0xFFFFC000  }
0x71: {  	[spmem:s1] =	stream.indirect.scatter.add.f32 [tilespmem:s16], [sflag:$0x3], $0x80, s24, s19, $0xb8;
	[tilespmem:$0x1E800] =	vst v63  }
0x72: {  	_ =	swait.ge [sflag:s17], $0x4000  }
0x73: {  	[sflag:s17] =	ssyncset.done $0x0  }
0x74: {  	[sflag:s17] =	ssyncadd.s32 $0xFFFFC000  }
0x75: {  	_ =	swait.ge [sflag:s22], $0x4000  }
0x76: {  	[sflag:s22] =	ssyncset.done $0x0  }
0x77: {  	[sflag:s22] =	ssyncadd.s32 $0xFFFFC000  }
0x78: {  	[spmem:s1] =	stream.indirect.scatter.add.f32 [tilespmem:s20], [sflag:$0x3], $0x80, s25, s19, $0xb8;
	[tilespmem:$0x1E800] =	vst v63  }
0x79: {  	_ =	swait.ge [sflag:s17], $0x4000  }
0x7a: {  	[sflag:s17] =	ssyncset.done $0x0  }
0x7b: {  	s31 =	simm.s32 $0x0;
	[sflag:s17] =	ssyncadd.s32 $0xFFFFC000  }
0x7c: {  	[tilespmem:s31], [sflag:$0x3] =	stream.linear.gather [hbm4b:s12+s31], $0x1400, $0x38;
	[tilespmem:$0x1E800] =	vst v63  }
0x7d: {  	_ =	swait.ge [sflag:s17], $0x1400  }
0x7e: {  	[sflag:s17] =	ssyncset.done $0x0  }
0x7f: {  	[sflag:s17] =	ssyncadd.s32 $0xFFFFEC00  }
0x80: {  	[tilespmem:s18], [sflag:$0x3] =	stream.linear.gather [hbm4b:s13+s31], $0x1400, $0x38;
	[tilespmem:$0x1E800] =	vst v63  }
0x81: {  	_ =	swait.ge [sflag:s17], $0x1400  }
0x82: {  	[sflag:s17] =	ssyncset.done $0x0  }
0x83: {  	[sflag:s17] =	ssyncadd.s32 $0xFFFFEC00  }
0x84: {  	[tilespmem:s16], [sflag:$0x1] =	stream.indirect.gather [hbm4b:s4+s19], $0x80, s31, s19, $0xb8;
	[tilespmem:$0x1E800] =	vst v63  }
0x85: {  	s30 =	simm.s32 $0x80  }
0x86: {  	[tilespmem:s20], [sflag:$0x2] =	stream.indirect.gather [hbm4b:s4+s19], $0x80, s30, s19, $0xb8;
	[tilespmem:$0x1E800] =	vst v63  }
0x87: {  	_ =	swait.ge [sflag:s21], $0x4000  }
0x88: {  	[sflag:s21] =	ssyncset.done $0x0  }
0x89: {  	s31 =	simm.s32 $0x1400;
	[sflag:s21] =	ssyncadd.s32 $0xFFFFC000  }
0x8a: {  	[spmem:s1] =	stream.indirect.scatter.add.f32 [tilespmem:s16], [sflag:$0x3], $0x80, s31, s19, $0xb8;
	[tilespmem:$0x1E800] =	vst v63  }
0x8b: {  	_ =	swait.ge [sflag:s17], $0x4000  }
0x8c: {  	[sflag:s17] =	ssyncset.done $0x0  }
0x8d: {  	s30 =	simm.s32 $0x100;
	[sflag:s17] =	ssyncadd.s32 $0xFFFFC000  }
0x8e: {  	[tilespmem:s16], [sflag:$0x1] =	stream.indirect.gather [hbm4b:s4+s19], $0x80, s30, s19, $0xb8;
	[tilespmem:$0x1E800] =	vst v63  }
0x8f: {  	_ =	swait.ge [sflag:s22], $0x4000  }
0x90: {  	[sflag:s22] =	ssyncset.done $0x0  }
0x91: {  	s31 =	simm.s32 $0x1480;
	[sflag:s22] =	ssyncadd.s32 $0xFFFFC000  }
0x92: {  	[spmem:s1] =	stream.indirect.scatter.add.f32 [tilespmem:s20], [sflag:$0x3], $0x80, s31, s19, $0xb8;
	[tilespmem:$0x1E800] =	vst v63  }
0x93: {  	_ =	swait.ge [sflag:s17], $0x4000  }
0x94: {  	s29 =	simm.s32 $0x800;
	s28 =	simm.s32 $0x100;
	[sflag:s17] =	ssyncset.done $0x0  }
.LBB2_6:
0x95: {  	s0 =	sadd.s32 $0x80, s28  }
0x96: {  	[sflag:s17] =	ssyncadd.s32 $0xFFFFC000;
	s30 =	smov.u32 s29;
	s31 =	sadd.s32 $0x400, s29  }
0x97: {  	[tilespmem:s20], [sflag:$0x2] =	stream.indirect.gather [hbm4b:s4+s19], $0x80, s0, s19, $0xb8;
	[tilespmem:$0x1E800] =	vst v63  }
0x98: {  	p0 =	sne.s32 s29, $0x4800;
	_ =	swait.ge [sflag:s21], $0x4000  }
0x99: {  	[sflag:s21] =	ssyncset.done $0x0  }
0x9a: {  	s0 =	sadd.s32 $0x1400, s28;
	[sflag:s21] =	ssyncadd.s32 $0xFFFFC000  }
0x9b: {  	[spmem:s1] =	stream.indirect.scatter.add.f32 [tilespmem:s16], [sflag:$0x3], $0x80, s0, s19, $0xb8;
	[tilespmem:$0x1E800] =	vst v63  }
0x9c: {  	_ =	swait.ge [sflag:s17], $0x4000  }
0x9d: {  	[sflag:s17] =	ssyncset.done $0x0  }
0x9e: {  	s0 =	sadd.s32 $0x100, s28;
	[sflag:s17] =	ssyncadd.s32 $0xFFFFC000  }
0x9f: {  	[tilespmem:s16], [sflag:$0x1] =	stream.indirect.gather [hbm4b:s4+s19], $0x80, s0, s19, $0xb8;
	[tilespmem:$0x1E800] =	vst v63  }
0xa0: {  	_ =	swait.ge [sflag:s22], $0x4000  }
.Ltmp2:
0xa1: {  	[sflag:s22] =	ssyncset.done $0x0;
	(pc) =	sbr.rel @p0 .LBB2_6-.Ltmp2, $4  }
0xa2: {  	s0 =	sadd.s32 $0x1480, s28;
	[sflag:s22] =	ssyncadd.s32 $0xFFFFC000  }
0xa3: {  	[spmem:s1] =	stream.indirect.scatter.add.f32 [tilespmem:s20], [sflag:$0x3], $0x80, s0, s19, $0xb8;
	[tilespmem:$0x1E800] =	vst v63  }
0xa4: {  	_ =	swait.ge [sflag:s17], $0x4000  }
0xa5: {  	s29 =	smov.u32 s31;
	s28 =	sshra.s32 s30, $0x2;
	[sflag:s17] =	ssyncset.done $0x0  }
0xa6: {  	s0 =	sadd.s32 $0x80, s28;
	[sflag:s17] =	ssyncadd.s32 $0xFFFFC000  }
0xa7: {  	[tilespmem:s20], [sflag:$0x2] =	stream.indirect.gather [hbm4b:s4+s19], $0x80, s0, s19, $0xb8;
	[tilespmem:$0x1E800] =	vst v63  }
0xa8: {  	_ =	swait.ge [sflag:s21], $0x4000  }
0xa9: {  	[sflag:s21] =	ssyncset.done $0x0  }
0xaa: {  	s30 =	sadd.s32 $0x1400, s28;
	[sflag:s21] =	ssyncadd.s32 $0xFFFFC000  }
0xab: {  	[spmem:s1] =	stream.indirect.scatter.add.f32 [tilespmem:s16], [sflag:$0x3], $0x80, s30, s19, $0xb8;
	[tilespmem:$0x1E800] =	vst v63  }
0xac: {  	_ =	swait.ge [sflag:s17], $0x4000  }
0xad: {  	[sflag:s17] =	ssyncset.done $0x0  }
0xae: {  	s31 =	sadd.s32 $0x100, s28;
	[sflag:s17] =	ssyncadd.s32 $0xFFFFC000  }
0xaf: {  	[tilespmem:s16], [sflag:$0x1] =	stream.indirect.gather [hbm4b:s4+s19], $0x80, s31, s19, $0xb8;
	[tilespmem:$0x1E800] =	vst v63  }
0xb0: {  	_ =	swait.ge [sflag:s22], $0x4000  }
0xb1: {  	[sflag:s22] =	ssyncset.done $0x0  }
0xb2: {  	s29 =	sadd.s32 $0x1480, s28;
	[sflag:s22] =	ssyncadd.s32 $0xFFFFC000  }
0xb3: {  	[spmem:s1] =	stream.indirect.scatter.add.f32 [tilespmem:s20], [sflag:$0x3], $0x80, s29, s19, $0xb8;
	[tilespmem:$0x1E800] =	vst v63  }
0xb4: {  	_ =	swait.ge [sflag:s17], $0x4000  }
0xb5: {  	[sflag:s17] =	ssyncset.done $0x0  }
0xb6: {  	[sflag:s17] =	ssyncadd.s32 $0xFFFFC000  }
0xb7: {  	[tilespmem:s20], [sflag:$0x2] =	stream.indirect.gather [hbm4b:s4+s19], $0x80, s23, s19, $0xb8;
	[tilespmem:$0x1E800] =	vst v63  }
0xb8: {  	_ =	swait.ge [sflag:s21], $0x4000  }
0xb9: {  	[sflag:s21] =	ssyncset.done $0x0  }
0xba: {  	[sflag:s21] =	ssyncadd.s32 $0xFFFFC000  }
0xbb: {  	[spmem:s1] =	stream.indirect.scatter.add.f32 [tilespmem:s16], [sflag:$0x3], $0x80, s24, s19, $0xb8;
	[tilespmem:$0x1E800] =	vst v63  }
0xbc: {  	_ =	swait.ge [sflag:s17], $0x4000  }
0xbd: {  	[sflag:s17] =	ssyncset.done $0x0  }
0xbe: {  	[sflag:s17] =	ssyncadd.s32 $0xFFFFC000  }
0xbf: {  	_ =	swait.ge [sflag:s22], $0x4000  }
0xc0: {  	[sflag:s22] =	ssyncset.done $0x0  }
0xc1: {  	[sflag:s22] =	ssyncadd.s32 $0xFFFFC000  }
0xc2: {  	[spmem:s1] =	stream.indirect.scatter.add.f32 [tilespmem:s20], [sflag:$0x3], $0x80, s25, s19, $0xb8;
	[tilespmem:$0x1E800] =	vst v63  }
0xc3: {  	_ =	swait.ge [sflag:s17], $0x4000  }
0xc4: {  	s26 =	sadd.s32 $0x1, s26;
	s30 =	sshll.u32 s2, $0x6;
	[sflag:s17] =	ssyncset.done $0x0  }
0xc5: {  	p0 =	sne.s32 s26, s15;
	s0 =	sor.u32 $0x1C03, s30;
	[sflag:s17] =	ssyncadd.s32 $0xFFFFC000  }
.Ltmp3:
0xc6: {  	s31 =	sshrl.u32 s5, $0x3;
	[bflag:$0x0] =	sbarrier.arrive $0xFFFF;
	(pc) =	sbr.rel @p0 .LBB2_1-.Ltmp3, $4  }
0xc7: {  	[hbm:s14], [sflag:s0] =	dma.local [spmem:s31], $0x2800  }
0xc8: {  	_ =	swait.ge [sflag:s17], $0x2800  }
0xc9: {  	[sflag:s17] =	ssyncset.done $0x0  }
0xca: {  	[sflag:s17] =	ssyncadd.s32 $0xFFFFD800  }
0xcb: {  	_ =	sfence.sel $0x180000  }
0xcc: {  	[bflag:$0x0] =	sbarrier.arrive $0xFFFF  }
0xcd: {  	_ =	strace $0x9000004D  }
0xce: {  	[bflag:$0x2] =	sbarrier.arrive $0xFFFF  }
0xcf: {  	p0 =	sne.s32 s2, $0x0;
	s0 =	rddreg [dreg:$0x2]  }
0xd0: {  	s0 =	sadd.s32 @!p0 $0x100000, s0  }
0xd1: {  	[sflag:s0] =	ssyncadd.tile.s32 @!p0 $0x1;
	_ =	shalt  }
.Lfunc_end2:
_tile_overlayer_lowered:
.L_overlay_start_2:
0xd2: {  	(tag) =	ssettag $0x2  }
0xd3: {  	s0 =	rddreg [dreg:$0x0];
	s2 =	stileid.u32  }
0xd4: {  	s1 =	rddreg [dreg:$0x1];
	p0 =	sne.s32 s2, $0x0  }
0xd5: {  	s3 =	rddreg [dreg:$0x2];
	[bflag:$0x3] =	sbarrier.arrive $0xFFFF;
	s2 =	simm.s32 @!p0 $0x1C03  }
0xd6: {  	[timem:s3], [sflag:s2] =	dma.local @!p0 [hbm:s0], s1  }
0xd7: {  	s0 =	simm.s32 @!p0 $0x3  }
0xd8: {  	_ =	swait.ge @!p0 [sflag:s0], s1  }
0xd9: {  	s1 =	ssub.s32 @!p0 $0x0, s1;
	[sflag:s0] =	ssyncset.done @!p0 $0x0  }
0xda: {  	[sflag:s0] =	ssyncadd.s32 @!p0 s1  }
0xdb: {  	[bflag:$0x3] =	sbarrier.arrive $0xFFFF  }
0xdc: {  	_ =	shalt  }

// kernel: kernel.8.cloned.1.call-start
scs
__scs_entry_jumppad:
0x0: {  	(pc) =	sbr.rel $0x88, $3  }
0x1: {  	(tag) =	ssettag $0x0;
	lr =	simm.s32 $0x1  }
0x2: {  	[smem:$0x3F99] =	sst lr;
	_ =	strace $0xD0000000  }
0x3: {  	_ = 	snop  }
0x4: {  	_ = 	snop  }
0x5: {  	_ = 	snop  }
0x6: {  	_ = 	snop  }
0x7: {  	_ = 	snop  }
__scs_overlays_trampoline_lowered:
0x8: {  	[smem:$0x3FA8] =	sst s0  }
0x9: {  	[smem:$0x3FA9] =	sst s1  }
0xa: {  	[smem:$0x3FAA] =	sst s2  }
0xb: {  	[smem:$0x3FAB] =	sst s3  }
0xc: {  	[smem:$0x3FAC] =	sst s4  }
0xd: {  	[smem:$0x3FAD] =	sst s5  }
0xe: {  	[smem:$0x3FAE] =	sst s6  }
0xf: {  	[smem:$0x3FAF] =	sst s7  }
0x10: {  	[smem:$0x3FB0] =	sst s8  }
0x11: {  	[smem:$0x3FB1] =	sst s9;
	s0 =	simm.s32 @!p0 $0x0  }
0x12: {  	s1 =	sld [smem:$0x3F97];
	s0 =	simm.s32 @p0 $0x1  }
0x13: {  	[smem:$0x3FB2] =	sst s0;
	s0 =	simm.s32 @!p1 $0x0  }
0x14: {  	s2 =	sld [smem:$0x3F96];
	s0 =	simm.s32 @p1 $0x1  }
0x15: {  	[smem:$0x3FB3] =	sst s0;
	s0 =	simm.s32 @!p2 $0x0  }
0x16: {  	s3 =	sld [smem:$0x3FDB];
	s0 =	simm.s32 @p2 $0x1  }
0x17: {  	s4 =	simm.s32 $0x1BF5;
	[smem:$0x3FB5] =	sst s0  }
0x18: {  	s0 =	sld [smem:$0x3F98];
	_ =	swait.ge [sflag:s4], $0x0  }
0x19: {  	s7 =	sld [smem:$0x3F99]  }
0x1a: {  	s8 =	sadd.s32 $0xFFFFE003, lr  }
0x1b: {  	s9 =	sadd.s32 $0xFFFFFEF7, lr;
	s5 =	simm.s32 $0xFFFFFFFF;
	p2 =	slt.u32 s8, $0xFFFFF086  }
0x1c: {  	p1 =	slt.u32 s9, $0xF7A;
	s5 =	simm.s32 @!p2 $0x0  }
0x1d: {  	s5 =	simm.s32 @p1 $0x1;
	p0 =	seq.s32 s7, s2  }
0x1e: {  	s7 =	smul.u32 @!p0 $0xF7A, s2;
	p2 =	seq.s32 @!p0 s5, $0x0  }
0x1f: {  	s9 =	smul.u32 $0xF7A, s1;
	s8 =	simm.s32 @!p0 $0x1BF5;
	p2 =	por !p2, p0  }
0x20: {  	[sflag:s8] =	ssyncset.s32 @!p0 $0xFFFFF086;
	s6 =	sadd.s32 @!p0 s3, s7;
	s7 =	simm.s32 @!p0 $0x108  }
0x21: {  	s3 =	sadd.s32 s3, s9;
	s6 =	sadd.s32 @!p0 $0x88, s6;
	s7 =	simm.s32 @p2 $0x1082  }
0x22: {  	[simem:s7], [sflag:s8] =	dma.local @!p0 [hbm:s6], $0xF7A  }
0x23: {  	s9 =	sor.u32 $0xD0000000, s2;
	s6 =	simm.s32 $0x108;
	_ =	swait.ge @!p0 [sflag:s8], $0x0  }
0x24: {  	s3 =	sadd.s32 $0x88, s3;
	s6 =	simm.s32 @!p1 $0x1082;
	[sflag:s4] =	ssyncset.s32 $0xFFFFF086  }
0x25: {  	[simem:s6], [sflag:s4] =	dma.local [hbm:s3], $0xF7A  }
0x26: {  	[smem:$0x3F99] =	sst s1;
	(tag) =	ssettag s2;
	_ =	strace s9  }
0x27: {  	s1 =	sld [smem:$0x3FA9]  }
0x28: {  	s2 =	sld [smem:$0x3FAA]  }
0x29: {  	s4 =	sld [smem:$0x3FAC]  }
0x2a: {  	p0 =	seq.s32 s5, $0x0;
	s5 =	sld [smem:$0x3FAD]  }
0x2b: {  	s6 =	sld [smem:$0x3FAE]  }
0x2c: {  	s7 =	sld [smem:$0x3FAF]  }
0x2d: {  	s3 =	simm.s32 $0x108;
	s8 =	sld [smem:$0x3FB0]  }
0x2e: {  	s3 =	simm.s32 @!p0 $0x1082;
	s9 =	sld [smem:$0x3FB1]  }
0x2f: {  	lr =	sadd.s32 s0, s3;
	s0 =	sld [smem:$0x3FA8]  }
0x30: {  	s3 =	sld [smem:$0x3FAB]  }
0x31: {  	[smem:$0x3FB4] =	sst s10  }
0x32: {  	s10 =	sld [smem:$0x3FB2];
	_ =	sdelay $0x3  }
0x33: {  	p0 =	seq.s32 s10, $0x1;
	s10 =	sld [smem:$0x3FB4];
	_ =	sdelay $0x3  }
0x34: {  	[smem:$0x3FB4] =	sst s10  }
0x35: {  	s10 =	sld [smem:$0x3FB3];
	_ =	sdelay $0x3  }
0x36: {  	p1 =	seq.s32 s10, $0x1;
	s10 =	sld [smem:$0x3FB4];
	_ =	sdelay $0x3  }
0x37: {  	[smem:$0x3FB4] =	sst s10  }
0x38: {  	s10 =	sld [smem:$0x3FB5]  }
0x39: {  	_ = 	snop;
	(pc) =	sbr.ind lr, $3  }
0x3a: {  	_ = 	snop  }
0x3b: {  	_ = 	snop  }
0x3c: {  	p2 =	seq.s32 s10, $0x1;
	s10 =	sld [smem:$0x3FB4]  }
0x3d: {  	_ =	shalt  }
0x3e: {  	_ =	shalt  }
0x3f: {  	_ =	shalt  }
0x40: {  	_ =	shalt  }
0x41: {  	_ =	shalt  }
0x42: {  	_ =	shalt  }
0x43: {  	_ =	shalt  }
0x44: {  	_ =	shalt  }
0x45: {  	_ =	shalt  }
0x46: {  	_ =	shalt  }
0x47: {  	_ =	shalt  }
0x48: {  	_ =	shalt  }
0x49: {  	_ =	shalt  }
0x4a: {  	_ =	shalt  }
0x4b: {  	_ =	shalt  }
0x4c: {  	_ =	shalt  }
0x4d: {  	_ =	shalt  }
0x4e: {  	_ =	shalt  }
0x4f: {  	_ =	shalt  }
0x50: {  	_ =	shalt  }
0x51: {  	_ =	shalt  }
0x52: {  	_ =	shalt  }
0x53: {  	_ =	shalt  }
0x54: {  	_ =	shalt  }
0x55: {  	_ =	shalt  }
0x56: {  	_ =	shalt  }
0x57: {  	_ =	shalt  }
0x58: {  	_ =	shalt  }
0x59: {  	_ =	shalt  }
0x5a: {  	_ =	shalt  }
0x5b: {  	_ =	shalt  }
0x5c: {  	_ =	shalt  }
0x5d: {  	_ =	shalt  }
0x5e: {  	_ =	shalt  }
0x5f: {  	_ =	shalt  }
0x60: {  	_ =	shalt  }
0x61: {  	_ =	shalt  }
0x62: {  	_ =	shalt  }
0x63: {  	_ =	shalt  }
0x64: {  	_ =	shalt  }
0x65: {  	_ =	shalt  }
0x66: {  	_ =	shalt  }
0x67: {  	_ =	shalt  }
0x68: {  	_ =	shalt  }
0x69: {  	_ =	shalt  }
0x6a: {  	_ =	shalt  }
0x6b: {  	_ =	shalt  }
0x6c: {  	_ =	shalt  }
0x6d: {  	_ =	shalt  }
0x6e: {  	_ =	shalt  }
0x6f: {  	_ =	shalt  }
0x70: {  	_ =	shalt  }
0x71: {  	_ =	shalt  }
0x72: {  	_ =	shalt  }
0x73: {  	_ =	shalt  }
0x74: {  	_ =	shalt  }
0x75: {  	_ =	shalt  }
0x76: {  	_ =	shalt  }
0x77: {  	_ =	shalt  }
0x78: {  	_ =	shalt  }
0x79: {  	_ =	shalt  }
0x7a: {  	_ =	shalt  }
0x7b: {  	_ =	shalt  }
0x7c: {  	_ =	shalt  }
0x7d: {  	_ =	shalt  }
0x7e: {  	_ =	shalt  }
0x7f: {  	_ =	shalt  }
0x80: {  	_ =	shalt  }
0x81: {  	_ =	shalt  }
0x82: {  	_ =	shalt  }
0x83: {  	_ =	shalt  }
0x84: {  	_ =	shalt  }
0x85: {  	_ =	shalt  }
0x86: {  	_ =	shalt  }
0x87: {  	_ =	shalt  }
.Lfunc_end0:
.L_simem_size_0:
called_computation_lowered:
.L_overlay_start_0:
0x88: {  	s2 =	sld [smem:$0x3FD9]  }
0x89: {  	s3 =	sld [smem:$0x3FFE];
	_ =	sdelay $0x1  }
0x8a: {  	s1 =	srdreg.scid  }
0x8b: {  	s0 =	sand.u32 $0x1, s1  }
0x8c: {  	s16 =	sshll.u32 s0, $0xA;
	s2 =	sadd.s32 s3, s2  }
0x8d: {  	s2 =	sadd.s32 s2, s16  }
0x8e: {  	[smem:$0x3FC0] =	sst s2  }
0x8f: {  	_ = 	snop  }
0x90: {  	(tm) =	ssettm $0x1  }
0x91: {  	s17 =	sld [smem:$0x3FFB];
	_ =	sdelay $0x3  }
0x92: {  	_ =	strace s17  }
0x93: {  	s2 =	sld [smem:$0x3FFC];
	_ =	sdelay $0x3  }
0x94: {  	_ =	strace s2  }
0x95: {  	s2 =	sld [smem:$0x3FFD];
	_ =	sdelay $0x3  }
0x96: {  	_ =	strace s2  }
0x97: {  	_ =	strace $0x8FFFFFFF  }
0x98: {  	s18 =	sld [smem:$0x3FDB];
	_ =	sdelay $0x1  }
0x99: {  	s19 =	simm.s32 $_scs_section_size  }
0x9a: {  	s4 =	simm.s32 $_size__tile_overlayer_lowered;
	s5 =	simm.s32 $_tile_overlayer_lowered  }
0x9b: {  	s22 =	simm.s32 $0x1BFF;
	s21 =	sshll.u32 s5, $0x1;
	s2 =	sadd.s32 s19, s18  }
0x9c: {  	s6 =	simm.s32 $0x0;
	s20 =	sshll.u32 s4, $0x1;
	s4 =	sadd.s32 s21, s2  }
0x9d: {  	[timem:s6], [sflag:s22] =	dma.local [hbm:s4], s20  }
0x9e: {  	_ =	swait.ge [sflag:s22], s20  }
0x9f: {  	s3 =	ssub.s32 $0x0, s20;
	[sflag:s22] =	ssyncset.done $0x0  }
0xa0: {  	[sflag:s22] =	ssyncadd.s32 s3;
	_ =	sdelay $0x1  }
0xa1: {  	s23 =	simm.s32 $0x1B8B  }
0xa2: {  	_ =	swait.ge [sflag:s23], $0x1  }
0xa3: {  	[sflag:s23] =	ssyncset.done $0x0  }
0xa4: {  	s25 =	simm.s32 $0x1B8E;
	s24 =	sld [smem:$0x3FFE];
	[sflag:s23] =	ssyncadd.s32 $0xFFFFFFFF  }
0xa5: {  	s26 =	simm.s32 $execute0_lowered;
	[smem:$0x3FD2] =	sst s25  }
0xa6: {  	s4 =	sshll.u32 s26, $0x1;
	_ =	strace $0x80000046;
	[dreg:$0x1] =	wrdreg $0xFFFFFFFF  }
0xa7: {  	s28 =	simm.s32 $_size_execute0_lowered;
	s2 =	sadd.s32 s2, s4;
	[dreg:$0x0] =	wrdreg $0x0  }
0xa8: {  	s4 =	sshll.u32 s28, $0x1;
	[dreg:$0x2] =	wrdreg s2  }
0xa9: {  	[dreg:$0x3] =	wrdreg s4  }
0xaa: {  	[dreg:$0x4] =	wrdreg $0xC0  }
0xab: {  	_ =	task [dreg:s6], $0x5FFFF  }
0xac: {  	[dreg:$0x1] =	wrdreg $0xFFFFFFFF  }
0xad: {  	[dreg:$0x0] =	wrdreg $0x60  }
0xae: {  	[dreg:$0x2] =	wrdreg s24  }
0xaf: {  	[dreg:$0x3] =	wrdreg $0x68000  }
0xb0: {  	[dreg:$0x4] =	wrdreg $0x9  }
0xb1: {  	_ =	task.clear_ibuf [dreg:s6], $0x5FFFF;
	_ =	strace $0x90000046  }
0xb2: {  	s29 =	simm.s32 $0x9;
	_ =	strace $0x80000048  }
0xb3: {  	_ =	swait.ge [sflag:s29], $0x1  }
0xb4: {  	[sflag:s29] =	ssyncadd.s32 $0xFFFFFFFF  }
0xb5: {  	_ =	strace $0x90000048  }
0xb6: {  	_ =	sfence  }
0xb7: {  	s30 =	sld [smem:$0x0];
	_ =	sdelay $0x2  }
0xb8: {  	s31 =	sshll.u32 s1, $0xD;
	s1 =	sshrl.u32 s1, $0x2  }
0xb9: {  	s3 =	sand.u32 $0x4000, s31;
	s1 =	sadd.s32 s1, s30  }
0xba: {  	s0 =	sor.u32 s3, s0;
	s1 =	sshll.u32 s1, $0x11  }
0xbb: {  	s0 =	sor.u32 s1, s0  }
0xbc: {  	s0 =	sadd.s32 $0x8F2B, s0  }
0xbd: {  	[sflag:s0] =	ssyncadd.remote.s32 $0x1  }
0xbe: {  	_ =	sfence.sel $0xFFFF  }
0xbf: {  	[dreg:$0x0] =	wrdreg $0xFFFFFFFF;
	(pc) =	sbr.abs _section_cstart, $3  }
0xc0: {  	[dreg:$0x1] =	wrdreg $0xFFFFFFFF  }
0xc1: {  	_ =	task.clear_ibuf [dreg:s6], $0x2FFFF;
	_ =	strace $0x9FFFFFFF  }
0xc2: {  	(tm) =	ssettm $0x7FFFFFFF  }
0xc3: {  	_ =	shalt  }
tec
execute0_lowered:
.L_overlay_start_1:
0x0: {  	(tag) =	ssettag $0x1  }
0x1: {  	s0 =	srdreg.scid;
	s5 =	rddreg [dreg:$0x0]  }
0x2: {  	s2 =	rddreg [dreg:$0x1];
	s3 =	simm.s32 $0x0;
	s4 =	sand.u32 $0x1, s0  }
0x3: {  	s13 =	simm.s32 $0x1;
	s0 =	stileid.u32;
	s7 =	smul.u32 $0x140000, s4  }
0x4: {  	s14 =	simm.s32 $0x80;
	s17 =	simm.s32 $0x0;
	s8 =	smul.u32 $0x14000, s0  }
0x5: {  	[smem:$0x7FF] =	sst s3;
	s1 =	sshll.u32 s4, $0x4;
	s9 =	smul.u32 $0x50000, s0  }
0x6: {  	s29 =	ssub.s32 $0x2, s4;
	s15 =	sshll.u32 s0, $0x6;
	s1 =	sor.u32 s0, s1  }
0x7: {  	s31 =	sshrl.u32 s29, $0x1;
	s15 =	sor.u32 $0x1C01, s15;
	s6 =	smul.u32 $0x500, s1  }
0x8: {  	s1 =	rddreg [dreg:$0x2];
	_ =	strace $0x80000047;
	s30 =	sshrl.u32 s9, $0x2  }
0x9: {  	s28 =	sadd.s32 s8, s7;
	s12 =	ssub.s32 s29, s31;
	s4 =	sadd.s32 s30, s2  }
0xa: {  	s10 =	sadd.s32 s6, s5;
	s6 =	sshrl.u32 s28, $0x3;
	s7 =	sadd.s32 $0xC000, s4  }
0xb: {  	s8 =	sadd.s32 $0x10000, s4;
	s16 =	sshrl.u32 s4, $0x3;
	s11 =	sadd.s32 s6, s5  }
0xc: {  	s5 =	sadd.s32 $0x4000, s4;
	s6 =	sadd.s32 $0x8000, s4;
	s9 =	sadd.s32 $0xCC00, s10  }
0xd: {  	v0 =	vimm.f32 $0.0e+00;
	v1 =	vimm.f32 $1.000000000e+00;
	s10 =	sadd.s32 $0x16C00, s11;
	s11 =	smax.u32 s12, $0x1;
	s12 =	simm.s32 $0x2800  }
.LBB2_1:
0xe: {  	s18 =	sand.u32 $0xFE00, s3  }
0xf: {  	s19 =	sand.u32 $0x70, s3;
	s20 =	sshrl.u32 s18, $0x2  }
0x10: {  	s18 =	simm.s32 $0x40;
	s20 =	sor.u32 s19, s20;
	s19 =	simm.s32 $0x0  }
.LBB2_2:
0x11: {  	p0 =	sne.s32 s18, $0xFFC0  }
0x12: {  	[tilespmem:s20+$0x2800] =	vst v0;
	s19 =	sadd.s32 $0x10, s19;
	s20 =	smov.u32 s18;
	s18 =	sadd.s32 $0x40, s18  }
.Ltmp0:
0x13: {  	(pc) =	sbr.rel @p0 .LBB2_2-.Ltmp0, $4  }
0x14: {  	_ = 	snop  }
0x15: {  	s20 =	sand.u32 $0xFE00, s20  }
0x16: {  	s21 =	sand.u32 $0x70, s19;
	s20 =	sshrl.u32 s20, $0x2  }
0x17: {  	s20 =	sor.u32 s21, s20  }
0x18: {  	[tilespmem:s20+$0x2800] =	vst v0  }
0x19: {  	[spmem:s4] =	stream.linear.scatter [tilespmem:s12], [sflag:$0x1], $0x4000, $0x38;
	[tilespmem:$0x1A800] =	vst v63  }
0x1a: {  	_ =	swait.ge [sflag:s13], $0x4000  }
0x1b: {  	[sflag:s13] =	ssyncset.done $0x0  }
0x1c: {  	[sflag:s13] =	ssyncadd.s32 $0xFFFFC000  }
0x1d: {  	[spmem:s5] =	stream.linear.scatter [tilespmem:s12], [sflag:$0x1], $0x4000, $0x38;
	[tilespmem:$0x1A800] =	vst v63  }
0x1e: {  	_ =	swait.ge [sflag:s13], $0x4000  }
0x1f: {  	[sflag:s13] =	ssyncset.done $0x0  }
0x20: {  	[sflag:s13] =	ssyncadd.s32 $0xFFFFC000  }
0x21: {  	[spmem:s6] =	stream.linear.scatter [tilespmem:s12], [sflag:$0x1], $0x4000, $0x38;
	[tilespmem:$0x1A800] =	vst v63  }
0x22: {  	_ =	swait.ge [sflag:s13], $0x4000  }
0x23: {  	[sflag:s13] =	ssyncset.done $0x0  }
0x24: {  	[sflag:s13] =	ssyncadd.s32 $0xFFFFC000  }
0x25: {  	[spmem:s7] =	stream.linear.scatter [tilespmem:s12], [sflag:$0x1], $0x4000, $0x38;
	[tilespmem:$0x1A800] =	vst v63  }
0x26: {  	_ =	swait.ge [sflag:s13], $0x4000  }
0x27: {  	[sflag:s13] =	ssyncset.done $0x0  }
0x28: {  	s18 =	simm.s32 $0x0;
	[sflag:s13] =	ssyncadd.s32 $0xFFFFC000  }
0x29: {  	[spmem:s8] =	stream.linear.scatter [tilespmem:s12], [sflag:$0x1], $0x4000, $0x38;
	[tilespmem:$0x1A800] =	vst v63  }
0x2a: {  	s19 =	sand.u32 $0xFE00, s18;
	_ =	swait.ge [sflag:s13], $0x4000  }
0x2b: {  	s31 =	sand.u32 $0x70, s18;
	s21 =	sshrl.u32 s19, $0x2;
	[sflag:s13] =	ssyncset.done $0x0  }
0x2c: {  	s19 =	simm.s32 $0x40;
	s20 =	sor.u32 s31, s21;
	[sflag:s13] =	ssyncadd.s32 $0xFFFFC000  }
.LBB2_4:
0x2d: {  	p0 =	sne.s32 s19, $0xFFC0  }
0x2e: {  	[tilespmem:s20+$0x2800] =	vst v1;
	s18 =	sadd.s32 $0x10, s18;
	s20 =	smov.u32 s19;
	s19 =	sadd.s32 $0x40, s19  }
.Ltmp1:
0x2f: {  	(pc) =	sbr.rel @p0 .LBB2_4-.Ltmp1, $4  }
0x30: {  	_ = 	snop  }
0x31: {  	s20 =	sand.u32 $0xFE00, s20  }
0x32: {  	s21 =	sand.u32 $0x70, s18;
	s20 =	sshrl.u32 s20, $0x2  }
0x33: {  	s20 =	sor.u32 s21, s20  }
0x34: {  	[tilespmem:s20+$0x2800] =	vst v1;
	s18 =	simm.s32 $0x0  }
0x35: {  	[tilespmem:s18], [sflag:$0x1] =	stream.linear.gather [hbm4b:s9+s18], $0x2800, $0x38;
	[tilespmem:$0x1A800] =	vst v63  }
0x36: {  	_ =	swait.ge [sflag:s13], $0x2800  }
0x37: {  	[sflag:s13] =	ssyncset.done $0x0  }
0x38: {  	[sflag:s13] =	ssyncadd.s32 $0xFFFFD800  }
0x39: {  	s31 =	simm.s32 $0x0;
	[bflag:$0x0] =	sbarrier.arrive $0xFFFF  }
0x3a: {  	[spmem:s2] =	stream.indirect.scatter.add.f32 [tilespmem:s12], [sflag:$0x1], $0x80, s31, s14, $0xb8;
	[tilespmem:$0x1A800] =	vst v63  }
0x3b: {  	_ =	swait.ge [sflag:s13], $0x4000  }
0x3c: {  	s18 =	simm.s32 $0x200;
	[sflag:s13] =	ssyncset.done $0x0  }
.LBB2_6:
0x3d: {  	s19 =	sshra.s32 s18, $0x2;
	[sflag:s13] =	ssyncadd.s32 $0xFFFFC000;
	p0 =	sne.s32 s18, $0x9E00  }
0x3e: {  	[spmem:s2] =	stream.indirect.scatter.add.f32 [tilespmem:s12], [sflag:$0x1], $0x80, s19, s14, $0xb8;
	[tilespmem:$0x1A800] =	vst v63  }
.Ltmp2:
0x3f: {  	_ = 	snop;
	(pc) =	sbr.rel @p0 .LBB2_6-.Ltmp2, $4  }
0x40: {  	_ = 	snop  }
0x41: {  	s18 =	sadd.s32 $0x200, s18  }
0x42: {  	_ =	swait.ge [sflag:s13], $0x4000  }
0x43: {  	[sflag:s13] =	ssyncset.done $0x0  }
0x44: {  	s17 =	sadd.s32 $0x1, s17  }
0x45: {  	[sflag:s13] =	ssyncadd.s32 $0xFFFFC000;
	p0 =	sne.s32 s17, s11  }
.Ltmp3:
0x46: {  	[bflag:$0x0] =	sbarrier.arrive $0xFFFF;
	(pc) =	sbr.rel @p0 .LBB2_1-.Ltmp3, $4  }
0x47: {  	[hbm:s10], [sflag:s15] =	dma.local [spmem:s16], $0x2800  }
0x48: {  	_ =	swait.ge [sflag:s13], $0x2800  }
0x49: {  	[sflag:s13] =	ssyncset.done $0x0  }
0x4a: {  	[sflag:s13] =	ssyncadd.s32 $0xFFFFD800  }
0x4b: {  	_ =	sfence.sel $0x180000  }
0x4c: {  	[bflag:$0x0] =	sbarrier.arrive $0xFFFF  }
0x4d: {  	p0 =	sne.s32 s0, $0x0;
	_ =	strace $0x90000047  }
0x4e: {  	s0 =	sadd.s32 @!p0 $0x100000, s1;
	[bflag:$0x2] =	sbarrier.arrive $0xFFFF  }
0x4f: {  	[sflag:s0] =	ssyncadd.tile.s32 @!p0 $0x1;
	_ =	shalt  }
.Lfunc_end2:
_tile_overlayer_lowered:
.L_overlay_start_2:
0x50: {  	(tag) =	ssettag $0x2  }
0x51: {  	s0 =	rddreg [dreg:$0x0];
	s2 =	stileid.u32  }
0x52: {  	s1 =	rddreg [dreg:$0x1];
	p0 =	sne.s32 s2, $0x0  }
0x53: {  	s3 =	rddreg [dreg:$0x2];
	[bflag:$0x3] =	sbarrier.arrive $0xFFFF;
	s2 =	simm.s32 @!p0 $0x1C01  }
0x54: {  	[timem:s3], [sflag:s2] =	dma.local @!p0 [hbm:s0], s1  }
0x55: {  	s0 =	simm.s32 @!p0 $0x1  }
0x56: {  	_ =	swait.ge @!p0 [sflag:s0], s1  }
0x57: {  	s1 =	ssub.s32 @!p0 $0x0, s1;
	[sflag:s0] =	ssyncset.done @!p0 $0x0  }
0x58: {  	[sflag:s0] =	ssyncadd.s32 @!p0 s1  }
0x59: {  	[bflag:$0x3] =	sbarrier.arrive $0xFFFF  }
0x5a: {  	_ =	shalt  }

</sc_bundles>
